<compile_context>
chip_gen: v7x
topology: tpu7x:2x2x1
jax: 0.10.2.dev20260603
libtpu: 0.0.44.dev20260713+nightly
codegen_flags: <defaults>
</compile_context>

<pallas_src>
import functools

import jax
import jax.numpy as jnp
from jax import lax
from jax.experimental import pallas as pl
from jax.experimental.pallas import tpu as pltpu
from jax.experimental.pallas import tpu_sc as plsc

B = 1024
C = 3
H = 224
W_DIM = 224
HW = H * W_DIM
E = 64

NTEC = 32
HS = 32
H0 = H - HS

BH = 16
NH = H0 // BH

WCH = 56
NCH = W_DIM // WCH
NCHUNKS = C * NCH



def _tc_pool_kernel(x_ref, out_ref):
    j = pl.program_id(1)
    s = jnp.sum(x_ref[0], axis=(0, 1), keepdims=True)[0]

    @pl.when(j == 0)
    def _():
        out_ref[0] = s

    @pl.when(j != 0)
    def _():
        out_ref[0] += s


_tc_pool = pl.pallas_call(
    _tc_pool_kernel,
    grid=(C, NH),
    in_specs=[pl.BlockSpec((1, BH, W_DIM, B), lambda c, j: (c, j, 0, 0))],
    out_specs=pl.BlockSpec((1, 1, B), lambda c, j: (c, 0, 0)),
    out_shape=jax.ShapeDtypeStruct((C, 1, B), jnp.float32),
)



_sc_mesh = plsc.VectorSubcoreMesh(core_axis_name="c", subcore_axis_name="s")


@functools.partial(
    pl.kernel,
    mesh=_sc_mesh,
    out_type=jax.ShapeDtypeStruct((C, NTEC, B), jnp.float32),
    scratch_types=[
        pltpu.VMEM((WCH, B), jnp.float32),
        pltpu.VMEM((WCH, B), jnp.float32),
        pltpu.VMEM((B,), jnp.float32),
        pltpu.SemaphoreType.DMA,
        pltpu.SemaphoreType.DMA,
    ],
)
def _sc_pool(x_hbm, out_hbm, buf0, buf1, acc, sem0, sem1):
    w = lax.axis_index("s") * 2 + lax.axis_index("c")
    h = H0 + w

    def start(ci, buf, sem):
        c = ci // NCH
        k = ci % NCH
        pltpu.async_copy(x_hbm.at[c, h, pl.ds(k * WCH, WCH), :], buf, sem)

    def zero_acc():
        z = jnp.zeros((16,), jnp.float32)
        for j in range(B // 16):
            acc[pl.ds(j * 16, 16)] = z

    def accumulate(buf):
        def body(j, carry):
            v = buf[0, pl.ds(j * 16, 16)]
            for row in range(1, WCH):
                v = v + buf[row, pl.ds(j * 16, 16)]
            plsc.addupdate(acc.at[pl.ds(j * 16, 16)], v)
            return carry
        lax.fori_loop(0, B // 16, body, 0)

    def drain(ci):
        c = ci // NCH
        pltpu.sync_copy(acc, out_hbm.at[c, w, :])

    zero_acc()
    start(0, buf0, sem0)
    start(1, buf1, sem1)

    def loop_body(i, carry):
        ci0 = i * 2
        ci1 = i * 2 + 1

        pltpu.make_async_copy(x_hbm.at[0, 0, pl.ds(0, WCH), :], buf0,
                              sem0).wait()
        accumulate(buf0)

        @pl.when(ci0 % NCH == NCH - 1)
        def _():
            drain(ci0)
            zero_acc()

        @pl.when(ci0 + 2 < NCHUNKS)
        def _():
            start(ci0 + 2, buf0, sem0)

        pltpu.make_async_copy(x_hbm.at[0, 0, pl.ds(0, WCH), :], buf1,
                              sem1).wait()
        accumulate(buf1)

        @pl.when(ci1 % NCH == NCH - 1)
        def _():
            drain(ci1)
            zero_acc()

        @pl.when(ci1 + 2 < NCHUNKS)
        def _():
            start(ci1 + 2, buf1, sem1)

        return carry

    lax.fori_loop(0, NCHUNKS // 2, loop_body, 0)



def _routing_kernel(tcs_ref, scp_ref, w_ref, b_ref, gates_ref, idx_ref):
    n = jnp.float32(HW)
    sums = [tcs_ref[c] + jnp.sum(scp_ref[c], axis=0, keepdims=True)
            for c in range(C)]
    p0 = (sums[0] / n).astype(jnp.bfloat16).astype(jnp.float32)
    p1 = (sums[1] / n).astype(jnp.bfloat16).astype(jnp.float32)
    p2 = (sums[2] / n).astype(jnp.bfloat16).astype(jnp.float32)
    wb = w_ref[...].astype(jnp.bfloat16).astype(jnp.float32)
    logits = (wb[:, 0:1] * p0 + wb[:, 1:2] * p1) + wb[:, 2:3] * p2
    logits = logits + b_ref[...]

    iota = jax.lax.broadcasted_iota(jnp.int32, (E, B), 0)
    m0 = jnp.max(logits, axis=0, keepdims=True)
    idx0 = jnp.min(jnp.where(logits == m0, iota, E), axis=0, keepdims=True)
    masked = jnp.where(iota == idx0, jnp.finfo(jnp.float32).min, logits)
    m1 = jnp.max(masked, axis=0, keepdims=True)
    idx1 = jnp.min(jnp.where(masked == m1, iota, E), axis=0, keepdims=True)

    e1 = jnp.exp(m1 - m0)
    denom = 1.0 + e1
    g0 = 1.0 / denom
    g1 = e1 / denom

    gates_ref[...] = jnp.where(iota == idx0, g0,
                               jnp.where(iota == idx1, g1, 0.0))
    idx_ref[...] = jnp.concatenate([idx0, idx1], axis=0)


_route = pl.pallas_call(
    _routing_kernel,
    in_specs=[
        pl.BlockSpec((C, 1, B), lambda: (0, 0, 0)),
        pl.BlockSpec((C, NTEC, B), lambda: (0, 0, 0)),
        pl.BlockSpec((E, C), lambda: (0, 0)),
        pl.BlockSpec((E, 1), lambda: (0, 0)),
    ],
    out_specs=[
        pl.BlockSpec((E, B), lambda: (0, 0)),
        pl.BlockSpec((2, B), lambda: (0, 0)),
    ],
    out_shape=[
        jax.ShapeDtypeStruct((E, B), jnp.float32),
        jax.ShapeDtypeStruct((2, B), jnp.int32),
    ],
)


def kernel(x, W, b):
    xt = jnp.transpose(x, (1, 2, 3, 0))
    scp = _sc_pool(xt)
    tcs = _tc_pool(xt)
    gates_t, idx_t = _route(tcs, scp, W, b.reshape(E, 1))
    return (gates_t.T, idx_t.T)

# --- scband reference (transcript-rebuilt; emitter-appended) ---
"""Pipeline reference for scband-router-7919919694087 (READ-ONLY COPY).

The authoritative reference and input builder live on the scoring server;
editing this copy changes nothing except your own understanding.
"""

import jax, jax.numpy as jnp
import numpy as np

N_EXPERTS = 64
TOP_K = 2

def setup_inputs(seed: int = 0) -> dict:
    key = jax.random.key(seed)
    k1, k2, k3 = jax.random.split(key, 3)
    x = jax.random.normal(k1, (1024, 3, 224, 224), dtype=jnp.float32)
    W = jax.random.normal(k2, (N_EXPERTS, 3), dtype=jnp.float32) * 0.1
    b = jax.random.normal(k3, (N_EXPERTS,), dtype=jnp.float32) * 0.01
    return {"x": x, "W": W, "b": b}

def reference(x, W, b):
    # AdaptiveAvgPool2d((1,1)) -> global mean over H, W; then flatten to [B, C]
    pooled = jnp.mean(x, axis=(2, 3))  # [B, 3]
    # Linear(3, n_experts)
    logits = pooled @ W.T + b  # [B, E]
    # top-k over experts
    top_k_logits, top_k_indices = jax.lax.top_k(logits, TOP_K)  # [B, k]
    top_k_gates = jax.nn.softmax(top_k_logits, axis=1)  # [B, k]
    # scatter gates back into dense [B, E] (scatter-overwrite)
    rows = jnp.arange(logits.shape[0])[:, None]
    gates = jnp.zeros_like(logits).at[rows, top_k_indices].set(top_k_gates)
    return (gates, top_k_indices)

if __name__ == "__main__":
    import jax
    _d = setup_inputs()
    print(jax.jit(kernel)(*tuple(_d.values())))

</pallas_src>

<mosaic_0001>
#map = affine_map<(d0, d1) -> (0, 0, 0, 0)>
#map1 = affine_map<(d0, d1) -> (0, 0, 0)>
module attributes {stable_mosaic.version = 14 : i64} {
  func.func @_sc_pool(%arg0: i32, %arg1: i32, %arg2: memref<3x224x224x1024xf32, #tpu.memory_space<hbm>>, %arg3: memref<3x32x1024xf32, #tpu.memory_space<hbm>>, %arg4: memref<56x1024xf32, #tpu.memory_space<vmem>>, %arg5: memref<56x1024xf32, #tpu.memory_space<vmem>>, %arg6: memref<1024xf32, #tpu.memory_space<vmem>>, %arg7: memref<!tpu.dma_semaphore, #tpu.memory_space<semaphore_mem>>, %arg8: memref<!tpu.dma_semaphore, #tpu.memory_space<semaphore_mem>>) attributes {dimension_semantics = [#tpu.dimension_semantics<core_parallel>, #tpu.dimension_semantics<subcore_parallel>], iteration_bounds = array<i64: 2, 16>, scalar_prefetch = 0 : i64, scratch_operands = 5 : i64, tpu.core_type = #tpu.core_type<sc_vector_subcore>, window_params = [{transform_indices = #map}, {transform_indices = #map1}]} {
    %mul3A = arith.constant 2 : i32
    %mul3A_0 = arith.muli %arg1, %mul3A : i32
    %add3A = arith.addi %mul3A_0, %arg0 : i32
    %add3A_1 = arith.constant 192 : i32
    %add3A_2 = arith.addi %add3A_1, %add3A : i32
    %broadcast_in_dim3A = arith.constant 0.000000e+00 : f32
    %broadcast_in_dim3A_3 = vector.broadcast %broadcast_in_dim3A : f32 to vector<16xf32>
    %swap3A = arith.constant 0 : index
    %swap3A_4 = tpu.vector_load %arg6[%swap3A] {strides = array<i32>} : memref<1024xf32, #tpu.memory_space<vmem>>, vector<16xf32>,
    %swap3A_5 = vector.shape_cast %swap3A_4 : vector<16xf32> to vector<16xf32>
    %swap3A_6 = vector.shape_cast %broadcast_in_dim3A_3 : vector<16xf32> to vector<16xf32>
    tpu.vector_store %arg6[%swap3A], %swap3A_6 {strides = array<i32>} : memref<1024xf32, #tpu.memory_space<vmem>>, vector<16xf32>,
    %swap3A_7 = arith.constant 16 : index
    %swap3A_8 = tpu.vector_load %arg6[%swap3A_7] {strides = array<i32>} : memref<1024xf32, #tpu.memory_space<vmem>>, vector<16xf32>,
    %swap3A_9 = vector.shape_cast %swap3A_8 : vector<16xf32> to vector<16xf32>
    %swap3A_10 = vector.shape_cast %broadcast_in_dim3A_3 : vector<16xf32> to vector<16xf32>
    tpu.vector_store %arg6[%swap3A_7], %swap3A_10 {strides = array<i32>} : memref<1024xf32, #tpu.memory_space<vmem>>, vector<16xf32>,
    %swap3A_11 = arith.constant 32 : index
    %swap3A_12 = tpu.vector_load %arg6[%swap3A_11] {strides = array<i32>} : memref<1024xf32, #tpu.memory_space<vmem>>, vector<16xf32>,
    %swap3A_13 = vector.shape_cast %swap3A_12 : vector<16xf32> to vector<16xf32>
    %swap3A_14 = vector.shape_cast %broadcast_in_dim3A_3 : vector<16xf32> to vector<16xf32>
    tpu.vector_store %arg6[%swap3A_11], %swap3A_14 {strides = array<i32>} : memref<1024xf32, #tpu.memory_space<vmem>>, vector<16xf32>,
    %swap3A_15 = arith.constant 48 : index
    %swap3A_16 = tpu.vector_load %arg6[%swap3A_15] {strides = array<i32>} : memref<1024xf32, #tpu.memory_space<vmem>>, vector<16xf32>,
    %swap3A_17 = vector.shape_cast %swap3A_16 : vector<16xf32> to vector<16xf32>
    %swap3A_18 = vector.shape_cast %broadcast_in_dim3A_3 : vector<16xf32> to vector<16xf32>
    tpu.vector_store %arg6[%swap3A_15], %swap3A_18 {strides = array<i32>} : memref<1024xf32, #tpu.memory_space<vmem>>, vector<16xf32>,
    %swap3A_19 = arith.constant 64 : index
    %swap3A_20 = tpu.vector_load %arg6[%swap3A_19] {strides = array<i32>} : memref<1024xf32, #tpu.memory_space<vmem>>, vector<16xf32>,
    %swap3A_21 = vector.shape_cast %swap3A_20 : vector<16xf32> to vector<16xf32>
    %swap3A_22 = vector.shape_cast %broadcast_in_dim3A_3 : vector<16xf32> to vector<16xf32>
    tpu.vector_store %arg6[%swap3A_19], %swap3A_22 {strides = array<i32>} : memref<1024xf32, #tpu.memory_space<vmem>>, vector<16xf32>,
    %swap3A_23 = arith.constant 80 : index
    %swap3A_24 = tpu.vector_load %arg6[%swap3A_23] {strides = array<i32>} : memref<1024xf32, #tpu.memory_space<vmem>>, vector<16xf32>,
    %swap3A_25 = vector.shape_cast %swap3A_24 : vector<16xf32> to vector<16xf32>
    %swap3A_26 = vector.shape_cast %broadcast_in_dim3A_3 : vector<16xf32> to vector<16xf32>
    tpu.vector_store %arg6[%swap3A_23], %swap3A_26 {strides = array<i32>} : memref<1024xf32, #tpu.memory_space<vmem>>, vector<16xf32>,
    %swap3A_27 = arith.constant 96 : index
    %swap3A_28 = tpu.vector_load %arg6[%swap3A_27] {strides = array<i32>} : memref<1024xf32, #tpu.memory_space<vmem>>, vector<16xf32>,
    %swap3A_29 = vector.shape_cast %swap3A_28 : vector<16xf32> to vector<16xf32>
    %swap3A_30 = vector.shape_cast %broadcast_in_dim3A_3 : vector<16xf32> to vector<16xf32>
    tpu.vector_store %arg6[%swap3A_27], %swap3A_30 {strides = array<i32>} : memref<1024xf32, #tpu.memory_space<vmem>>, vector<16xf32>,
    %swap3A_31 = arith.constant 112 : index
    %swap3A_32 = tpu.vector_load %arg6[%swap3A_31] {strides = array<i32>} : memref<1024xf32, #tpu.memory_space<vmem>>, vector<16xf32>,
    %swap3A_33 = vector.shape_cast %swap3A_32 : vector<16xf32> to vector<16xf32>
    %swap3A_34 = vector.shape_cast %broadcast_in_dim3A_3 : vector<16xf32> to vector<16xf32>
    tpu.vector_store %arg6[%swap3A_31], %swap3A_34 {strides = array<i32>} : memref<1024xf32, #tpu.memory_space<vmem>>, vector<16xf32>,
    %swap3A_35 = arith.constant 128 : index
    %swap3A_36 = tpu.vector_load %arg6[%swap3A_35] {strides = array<i32>} : memref<1024xf32, #tpu.memory_space<vmem>>, vector<16xf32>,
    %swap3A_37 = vector.shape_cast %swap3A_36 : vector<16xf32> to vector<16xf32>
    %swap3A_38 = vector.shape_cast %broadcast_in_dim3A_3 : vector<16xf32> to vector<16xf32>
    tpu.vector_store %arg6[%swap3A_35], %swap3A_38 {strides = array<i32>} : memref<1024xf32, #tpu.memory_space<vmem>>, vector<16xf32>,
    %swap3A_39 = arith.constant 144 : index
    %swap3A_40 = tpu.vector_load %arg6[%swap3A_39] {strides = array<i32>} : memref<1024xf32, #tpu.memory_space<vmem>>, vector<16xf32>,
    %swap3A_41 = vector.shape_cast %swap3A_40 : vector<16xf32> to vector<16xf32>
    %swap3A_42 = vector.shape_cast %broadcast_in_dim3A_3 : vector<16xf32> to vector<16xf32>
    tpu.vector_store %arg6[%swap3A_39], %swap3A_42 {strides = array<i32>} : memref<1024xf32, #tpu.memory_space<vmem>>, vector<16xf32>,
    %swap3A_43 = arith.constant 160 : index
    %swap3A_44 = tpu.vector_load %arg6[%swap3A_43] {strides = array<i32>} : memref<1024xf32, #tpu.memory_space<vmem>>, vector<16xf32>,
    %swap3A_45 = vector.shape_cast %swap3A_44 : vector<16xf32> to vector<16xf32>
    %swap3A_46 = vector.shape_cast %broadcast_in_dim3A_3 : vector<16xf32> to vector<16xf32>
    tpu.vector_store %arg6[%swap3A_43], %swap3A_46 {strides = array<i32>} : memref<1024xf32, #tpu.memory_space<vmem>>, vector<16xf32>,
    %swap3A_47 = arith.constant 176 : index
    %swap3A_48 = tpu.vector_load %arg6[%swap3A_47] {strides = array<i32>} : memref<1024xf32, #tpu.memory_space<vmem>>, vector<16xf32>,
    %swap3A_49 = vector.shape_cast %swap3A_48 : vector<16xf32> to vector<16xf32>
    %swap3A_50 = vector.shape_cast %broadcast_in_dim3A_3 : vector<16xf32> to vector<16xf32>
    tpu.vector_store %arg6[%swap3A_47], %swap3A_50 {strides = array<i32>} : memref<1024xf32, #tpu.memory_space<vmem>>, vector<16xf32>,
    %swap3A_51 = arith.constant 192 : index
    %swap3A_52 = tpu.vector_load %arg6[%swap3A_51] {strides = array<i32>} : memref<1024xf32, #tpu.memory_space<vmem>>, vector<16xf32>,
    %swap3A_53 = vector.shape_cast %swap3A_52 : vector<16xf32> to vector<16xf32>
    %swap3A_54 = vector.shape_cast %broadcast_in_dim3A_3 : vector<16xf32> to vector<16xf32>
    tpu.vector_store %arg6[%swap3A_51], %swap3A_54 {strides = array<i32>} : memref<1024xf32, #tpu.memory_space<vmem>>, vector<16xf32>,
    %swap3A_55 = arith.constant 208 : index
    %swap3A_56 = tpu.vector_load %arg6[%swap3A_55] {strides = array<i32>} : memref<1024xf32, #tpu.memory_space<vmem>>, vector<16xf32>,
    %swap3A_57 = vector.shape_cast %swap3A_56 : vector<16xf32> to vector<16xf32>
    %swap3A_58 = vector.shape_cast %broadcast_in_dim3A_3 : vector<16xf32> to vector<16xf32>
    tpu.vector_store %arg6[%swap3A_55], %swap3A_58 {strides = array<i32>} : memref<1024xf32, #tpu.memory_space<vmem>>, vector<16xf32>,
    %swap3A_59 = arith.constant 224 : index
    %swap3A_60 = tpu.vector_load %arg6[%swap3A_59] {strides = array<i32>} : memref<1024xf32, #tpu.memory_space<vmem>>, vector<16xf32>,
    %swap3A_61 = vector.shape_cast %swap3A_60 : vector<16xf32> to vector<16xf32>
    %swap3A_62 = vector.shape_cast %broadcast_in_dim3A_3 : vector<16xf32> to vector<16xf32>
    tpu.vector_store %arg6[%swap3A_59], %swap3A_62 {strides = array<i32>} : memref<1024xf32, #tpu.memory_space<vmem>>, vector<16xf32>,
    %swap3A_63 = arith.constant 240 : index
    %swap3A_64 = tpu.vector_load %arg6[%swap3A_63] {strides = array<i32>} : memref<1024xf32, #tpu.memory_space<vmem>>, vector<16xf32>,
    %swap3A_65 = vector.shape_cast %swap3A_64 : vector<16xf32> to vector<16xf32>
    %swap3A_66 = vector.shape_cast %broadcast_in_dim3A_3 : vector<16xf32> to vector<16xf32>
    tpu.vector_store %arg6[%swap3A_63], %swap3A_66 {strides = array<i32>} : memref<1024xf32, #tpu.memory_space<vmem>>, vector<16xf32>,
    %swap3A_67 = arith.constant 256 : index
    %swap3A_68 = tpu.vector_load %arg6[%swap3A_67] {strides = array<i32>} : memref<1024xf32, #tpu.memory_space<vmem>>, vector<16xf32>,
    %swap3A_69 = vector.shape_cast %swap3A_68 : vector<16xf32> to vector<16xf32>
    %swap3A_70 = vector.shape_cast %broadcast_in_dim3A_3 : vector<16xf32> to vector<16xf32>
    tpu.vector_store %arg6[%swap3A_67], %swap3A_70 {strides = array<i32>} : memref<1024xf32, #tpu.memory_space<vmem>>, vector<16xf32>,
    %swap3A_71 = arith.constant 272 : index
    %swap3A_72 = tpu.vector_load %arg6[%swap3A_71] {strides = array<i32>} : memref<1024xf32, #tpu.memory_space<vmem>>, vector<16xf32>,
    %swap3A_73 = vector.shape_cast %swap3A_72 : vector<16xf32> to vector<16xf32>
    %swap3A_74 = vector.shape_cast %broadcast_in_dim3A_3 : vector<16xf32> to vector<16xf32>
    tpu.vector_store %arg6[%swap3A_71], %swap3A_74 {strides = array<i32>} : memref<1024xf32, #tpu.memory_space<vmem>>, vector<16xf32>,
    %swap3A_75 = arith.constant 288 : index
    %swap3A_76 = tpu.vector_load %arg6[%swap3A_75] {strides = array<i32>} : memref<1024xf32, #tpu.memory_space<vmem>>, vector<16xf32>,
    %swap3A_77 = vector.shape_cast %swap3A_76 : vector<16xf32> to vector<16xf32>
    %swap3A_78 = vector.shape_cast %broadcast_in_dim3A_3 : vector<16xf32> to vector<16xf32>
    tpu.vector_store %arg6[%swap3A_75], %swap3A_78 {strides = array<i32>} : memref<1024xf32, #tpu.memory_space<vmem>>, vector<16xf32>,
    %swap3A_79 = arith.constant 304 : index
    %swap3A_80 = tpu.vector_load %arg6[%swap3A_79] {strides = array<i32>} : memref<1024xf32, #tpu.memory_space<vmem>>, vector<16xf32>,
    %swap3A_81 = vector.shape_cast %swap3A_80 : vector<16xf32> to vector<16xf32>
    %swap3A_82 = vector.shape_cast %broadcast_in_dim3A_3 : vector<16xf32> to vector<16xf32>
    tpu.vector_store %arg6[%swap3A_79], %swap3A_82 {strides = array<i32>} : memref<1024xf32, #tpu.memory_space<vmem>>, vector<16xf32>,
    %swap3A_83 = arith.constant 320 : index
    %swap3A_84 = tpu.vector_load %arg6[%swap3A_83] {strides = array<i32>} : memref<1024xf32, #tpu.memory_space<vmem>>, vector<16xf32>,
    %swap3A_85 = vector.shape_cast %swap3A_84 : vector<16xf32> to vector<16xf32>
    %swap3A_86 = vector.shape_cast %broadcast_in_dim3A_3 : vector<16xf32> to vector<16xf32>
    tpu.vector_store %arg6[%swap3A_83], %swap3A_86 {strides = array<i32>} : memref<1024xf32, #tpu.memory_space<vmem>>, vector<16xf32>,
    %swap3A_87 = arith.constant 336 : index
    %swap3A_88 = tpu.vector_load %arg6[%swap3A_87] {strides = array<i32>} : memref<1024xf32, #tpu.memory_space<vmem>>, vector<16xf32>,
    %swap3A_89 = vector.shape_cast %swap3A_88 : vector<16xf32> to vector<16xf32>
    %swap3A_90 = vector.shape_cast %broadcast_in_dim3A_3 : vector<16xf32> to vector<16xf32>
    tpu.vector_store %arg6[%swap3A_87], %swap3A_90 {strides = array<i32>} : memref<1024xf32, #tpu.memory_space<vmem>>, vector<16xf32>,
    %swap3A_91 = arith.constant 352 : index
    %swap3A_92 = tpu.vector_load %arg6[%swap3A_91] {strides = array<i32>} : memref<1024xf32, #tpu.memory_space<vmem>>, vector<16xf32>,
    %swap3A_93 = vector.shape_cast %swap3A_92 : vector<16xf32> to vector<16xf32>
    %swap3A_94 = vector.shape_cast %broadcast_in_dim3A_3 : vector<16xf32> to vector<16xf32>
    tpu.vector_store %arg6[%swap3A_91], %swap3A_94 {strides = array<i32>} : memref<1024xf32, #tpu.memory_space<vmem>>, vector<16xf32>,
    %swap3A_95 = arith.constant 368 : index
    %swap3A_96 = tpu.vector_load %arg6[%swap3A_95] {strides = array<i32>} : memref<1024xf32, #tpu.memory_space<vmem>>, vector<16xf32>,
    %swap3A_97 = vector.shape_cast %swap3A_96 : vector<16xf32> to vector<16xf32>
    %swap3A_98 = vector.shape_cast %broadcast_in_dim3A_3 : vector<16xf32> to vector<16xf32>
    tpu.vector_store %arg6[%swap3A_95], %swap3A_98 {strides = array<i32>} : memref<1024xf32, #tpu.memory_space<vmem>>, vector<16xf32>,
    %swap3A_99 = arith.constant 384 : index
    %swap3A_100 = tpu.vector_load %arg6[%swap3A_99] {strides = array<i32>} : memref<1024xf32, #tpu.memory_space<vmem>>, vector<16xf32>,
    %swap3A_101 = vector.shape_cast %swap3A_100 : vector<16xf32> to vector<16xf32>
    %swap3A_102 = vector.shape_cast %broadcast_in_dim3A_3 : vector<16xf32> to vector<16xf32>
    tpu.vector_store %arg6[%swap3A_99], %swap3A_102 {strides = array<i32>} : memref<1024xf32, #tpu.memory_space<vmem>>, vector<16xf32>,
    %swap3A_103 = arith.constant 400 : index
    %swap3A_104 = tpu.vector_load %arg6[%swap3A_103] {strides = array<i32>} : memref<1024xf32, #tpu.memory_space<vmem>>, vector<16xf32>,
    %swap3A_105 = vector.shape_cast %swap3A_104 : vector<16xf32> to vector<16xf32>
    %swap3A_106 = vector.shape_cast %broadcast_in_dim3A_3 : vector<16xf32> to vector<16xf32>
    tpu.vector_store %arg6[%swap3A_103], %swap3A_106 {strides = array<i32>} : memref<1024xf32, #tpu.memory_space<vmem>>, vector<16xf32>,
    %swap3A_107 = arith.constant 416 : index
    %swap3A_108 = tpu.vector_load %arg6[%swap3A_107] {strides = array<i32>} : memref<1024xf32, #tpu.memory_space<vmem>>, vector<16xf32>,
    %swap3A_109 = vector.shape_cast %swap3A_108 : vector<16xf32> to vector<16xf32>
    %swap3A_110 = vector.shape_cast %broadcast_in_dim3A_3 : vector<16xf32> to vector<16xf32>
    tpu.vector_store %arg6[%swap3A_107], %swap3A_110 {strides = array<i32>} : memref<1024xf32, #tpu.memory_space<vmem>>, vector<16xf32>,
    %swap3A_111 = arith.constant 432 : index
    %swap3A_112 = tpu.vector_load %arg6[%swap3A_111] {strides = array<i32>} : memref<1024xf32, #tpu.memory_space<vmem>>, vector<16xf32>,
    %swap3A_113 = vector.shape_cast %swap3A_112 : vector<16xf32> to vector<16xf32>
    %swap3A_114 = vector.shape_cast %broadcast_in_dim3A_3 : vector<16xf32> to vector<16xf32>
    tpu.vector_store %arg6[%swap3A_111], %swap3A_114 {strides = array<i32>} : memref<1024xf32, #tpu.memory_space<vmem>>, vector<16xf32>,
    %swap3A_115 = arith.constant 448 : index
    %swap3A_116 = tpu.vector_load %arg6[%swap3A_115] {strides = array<i32>} : memref<1024xf32, #tpu.memory_space<vmem>>, vector<16xf32>,
    %swap3A_117 = vector.shape_cast %swap3A_116 : vector<16xf32> to vector<16xf32>
    %swap3A_118 = vector.shape_cast %broadcast_in_dim3A_3 : vector<16xf32> to vector<16xf32>
    tpu.vector_store %arg6[%swap3A_115], %swap3A_118 {strides = array<i32>} : memref<1024xf32, #tpu.memory_space<vmem>>, vector<16xf32>,
    %swap3A_119 = arith.constant 464 : index
    %swap3A_120 = tpu.vector_load %arg6[%swap3A_119] {strides = array<i32>} : memref<1024xf32, #tpu.memory_space<vmem>>, vector<16xf32>,
    %swap3A_121 = vector.shape_cast %swap3A_120 : vector<16xf32> to vector<16xf32>
    %swap3A_122 = vector.shape_cast %broadcast_in_dim3A_3 : vector<16xf32> to vector<16xf32>
    tpu.vector_store %arg6[%swap3A_119], %swap3A_122 {strides = array<i32>} : memref<1024xf32, #tpu.memory_space<vmem>>, vector<16xf32>,
    %swap3A_123 = arith.constant 480 : index
    %swap3A_124 = tpu.vector_load %arg6[%swap3A_123] {strides = array<i32>} : memref<1024xf32, #tpu.memory_space<vmem>>, vector<16xf32>,
    %swap3A_125 = vector.shape_cast %swap3A_124 : vector<16xf32> to vector<16xf32>
    %swap3A_126 = vector.shape_cast %broadcast_in_dim3A_3 : vector<16xf32> to vector<16xf32>
    tpu.vector_store %arg6[%swap3A_123], %swap3A_126 {strides = array<i32>} : memref<1024xf32, #tpu.memory_space<vmem>>, vector<16xf32>,
    %swap3A_127 = arith.constant 496 : index
    %swap3A_128 = tpu.vector_load %arg6[%swap3A_127] {strides = array<i32>} : memref<1024xf32, #tpu.memory_space<vmem>>, vector<16xf32>,
    %swap3A_129 = vector.shape_cast %swap3A_128 : vector<16xf32> to vector<16xf32>
    %swap3A_130 = vector.shape_cast %broadcast_in_dim3A_3 : vector<16xf32> to vector<16xf32>
    tpu.vector_store %arg6[%swap3A_127], %swap3A_130 {strides = array<i32>} : memref<1024xf32, #tpu.memory_space<vmem>>, vector<16xf32>,
    %swap3A_131 = arith.constant 512 : index
    %swap3A_132 = tpu.vector_load %arg6[%swap3A_131] {strides = array<i32>} : memref<1024xf32, #tpu.memory_space<vmem>>, vector<16xf32>,
    %swap3A_133 = vector.shape_cast %swap3A_132 : vector<16xf32> to vector<16xf32>
    %swap3A_134 = vector.shape_cast %broadcast_in_dim3A_3 : vector<16xf32> to vector<16xf32>
    tpu.vector_store %arg6[%swap3A_131], %swap3A_134 {strides = array<i32>} : memref<1024xf32, #tpu.memory_space<vmem>>, vector<16xf32>,
    %swap3A_135 = arith.constant 528 : index
    %swap3A_136 = tpu.vector_load %arg6[%swap3A_135] {strides = array<i32>} : memref<1024xf32, #tpu.memory_space<vmem>>, vector<16xf32>,
    %swap3A_137 = vector.shape_cast %swap3A_136 : vector<16xf32> to vector<16xf32>
    %swap3A_138 = vector.shape_cast %broadcast_in_dim3A_3 : vector<16xf32> to vector<16xf32>
    tpu.vector_store %arg6[%swap3A_135], %swap3A_138 {strides = array<i32>} : memref<1024xf32, #tpu.memory_space<vmem>>, vector<16xf32>,
    %swap3A_139 = arith.constant 544 : index
    %swap3A_140 = tpu.vector_load %arg6[%swap3A_139] {strides = array<i32>} : memref<1024xf32, #tpu.memory_space<vmem>>, vector<16xf32>,
    %swap3A_141 = vector.shape_cast %swap3A_140 : vector<16xf32> to vector<16xf32>
    %swap3A_142 = vector.shape_cast %broadcast_in_dim3A_3 : vector<16xf32> to vector<16xf32>
    tpu.vector_store %arg6[%swap3A_139], %swap3A_142 {strides = array<i32>} : memref<1024xf32, #tpu.memory_space<vmem>>, vector<16xf32>,
    %swap3A_143 = arith.constant 560 : index
    %swap3A_144 = tpu.vector_load %arg6[%swap3A_143] {strides = array<i32>} : memref<1024xf32, #tpu.memory_space<vmem>>, vector<16xf32>,
    %swap3A_145 = vector.shape_cast %swap3A_144 : vector<16xf32> to vector<16xf32>
    %swap3A_146 = vector.shape_cast %broadcast_in_dim3A_3 : vector<16xf32> to vector<16xf32>
    tpu.vector_store %arg6[%swap3A_143], %swap3A_146 {strides = array<i32>} : memref<1024xf32, #tpu.memory_space<vmem>>, vector<16xf32>,
    %swap3A_147 = arith.constant 576 : index
    %swap3A_148 = tpu.vector_load %arg6[%swap3A_147] {strides = array<i32>} : memref<1024xf32, #tpu.memory_space<vmem>>, vector<16xf32>,
    %swap3A_149 = vector.shape_cast %swap3A_148 : vector<16xf32> to vector<16xf32>
    %swap3A_150 = vector.shape_cast %broadcast_in_dim3A_3 : vector<16xf32> to vector<16xf32>
    tpu.vector_store %arg6[%swap3A_147], %swap3A_150 {strides = array<i32>} : memref<1024xf32, #tpu.memory_space<vmem>>, vector<16xf32>,
    %swap3A_151 = arith.constant 592 : index
    %swap3A_152 = tpu.vector_load %arg6[%swap3A_151] {strides = array<i32>} : memref<1024xf32, #tpu.memory_space<vmem>>, vector<16xf32>,
    %swap3A_153 = vector.shape_cast %swap3A_152 : vector<16xf32> to vector<16xf32>
    %swap3A_154 = vector.shape_cast %broadcast_in_dim3A_3 : vector<16xf32> to vector<16xf32>
    tpu.vector_store %arg6[%swap3A_151], %swap3A_154 {strides = array<i32>} : memref<1024xf32, #tpu.memory_space<vmem>>, vector<16xf32>,
    %swap3A_155 = arith.constant 608 : index
    %swap3A_156 = tpu.vector_load %arg6[%swap3A_155] {strides = array<i32>} : memref<1024xf32, #tpu.memory_space<vmem>>, vector<16xf32>,
    %swap3A_157 = vector.shape_cast %swap3A_156 : vector<16xf32> to vector<16xf32>
    %swap3A_158 = vector.shape_cast %broadcast_in_dim3A_3 : vector<16xf32> to vector<16xf32>
    tpu.vector_store %arg6[%swap3A_155], %swap3A_158 {strides = array<i32>} : memref<1024xf32, #tpu.memory_space<vmem>>, vector<16xf32>,
    %swap3A_159 = arith.constant 624 : index
    %swap3A_160 = tpu.vector_load %arg6[%swap3A_159] {strides = array<i32>} : memref<1024xf32, #tpu.memory_space<vmem>>, vector<16xf32>,
    %swap3A_161 = vector.shape_cast %swap3A_160 : vector<16xf32> to vector<16xf32>
    %swap3A_162 = vector.shape_cast %broadcast_in_dim3A_3 : vector<16xf32> to vector<16xf32>
    tpu.vector_store %arg6[%swap3A_159], %swap3A_162 {strides = array<i32>} : memref<1024xf32, #tpu.memory_space<vmem>>, vector<16xf32>,
    %swap3A_163 = arith.constant 640 : index
    %swap3A_164 = tpu.vector_load %arg6[%swap3A_163] {strides = array<i32>} : memref<1024xf32, #tpu.memory_space<vmem>>, vector<16xf32>,
    %swap3A_165 = vector.shape_cast %swap3A_164 : vector<16xf32> to vector<16xf32>
    %swap3A_166 = vector.shape_cast %broadcast_in_dim3A_3 : vector<16xf32> to vector<16xf32>
    tpu.vector_store %arg6[%swap3A_163], %swap3A_166 {strides = array<i32>} : memref<1024xf32, #tpu.memory_space<vmem>>, vector<16xf32>,
    %swap3A_167 = arith.constant 656 : index
    %swap3A_168 = tpu.vector_load %arg6[%swap3A_167] {strides = array<i32>} : memref<1024xf32, #tpu.memory_space<vmem>>, vector<16xf32>,
    %swap3A_169 = vector.shape_cast %swap3A_168 : vector<16xf32> to vector<16xf32>
    %swap3A_170 = vector.shape_cast %broadcast_in_dim3A_3 : vector<16xf32> to vector<16xf32>
    tpu.vector_store %arg6[%swap3A_167], %swap3A_170 {strides = array<i32>} : memref<1024xf32, #tpu.memory_space<vmem>>, vector<16xf32>,
    %swap3A_171 = arith.constant 672 : index
    %swap3A_172 = tpu.vector_load %arg6[%swap3A_171] {strides = array<i32>} : memref<1024xf32, #tpu.memory_space<vmem>>, vector<16xf32>,
    %swap3A_173 = vector.shape_cast %swap3A_172 : vector<16xf32> to vector<16xf32>
    %swap3A_174 = vector.shape_cast %broadcast_in_dim3A_3 : vector<16xf32> to vector<16xf32>
    tpu.vector_store %arg6[%swap3A_171], %swap3A_174 {strides = array<i32>} : memref<1024xf32, #tpu.memory_space<vmem>>, vector<16xf32>,
    %swap3A_175 = arith.constant 688 : index
    %swap3A_176 = tpu.vector_load %arg6[%swap3A_175] {strides = array<i32>} : memref<1024xf32, #tpu.memory_space<vmem>>, vector<16xf32>,
    %swap3A_177 = vector.shape_cast %swap3A_176 : vector<16xf32> to vector<16xf32>
    %swap3A_178 = vector.shape_cast %broadcast_in_dim3A_3 : vector<16xf32> to vector<16xf32>
    tpu.vector_store %arg6[%swap3A_175], %swap3A_178 {strides = array<i32>} : memref<1024xf32, #tpu.memory_space<vmem>>, vector<16xf32>,
    %swap3A_179 = arith.constant 704 : index
    %swap3A_180 = tpu.vector_load %arg6[%swap3A_179] {strides = array<i32>} : memref<1024xf32, #tpu.memory_space<vmem>>, vector<16xf32>,
    %swap3A_181 = vector.shape_cast %swap3A_180 : vector<16xf32> to vector<16xf32>
    %swap3A_182 = vector.shape_cast %broadcast_in_dim3A_3 : vector<16xf32> to vector<16xf32>
    tpu.vector_store %arg6[%swap3A_179], %swap3A_182 {strides = array<i32>} : memref<1024xf32, #tpu.memory_space<vmem>>, vector<16xf32>,
    %swap3A_183 = arith.constant 720 : index
    %swap3A_184 = tpu.vector_load %arg6[%swap3A_183] {strides = array<i32>} : memref<1024xf32, #tpu.memory_space<vmem>>, vector<16xf32>,
    %swap3A_185 = vector.shape_cast %swap3A_184 : vector<16xf32> to vector<16xf32>
    %swap3A_186 = vector.shape_cast %broadcast_in_dim3A_3 : vector<16xf32> to vector<16xf32>
    tpu.vector_store %arg6[%swap3A_183], %swap3A_186 {strides = array<i32>} : memref<1024xf32, #tpu.memory_space<vmem>>, vector<16xf32>,
    %swap3A_187 = arith.constant 736 : index
    %swap3A_188 = tpu.vector_load %arg6[%swap3A_187] {strides = array<i32>} : memref<1024xf32, #tpu.memory_space<vmem>>, vector<16xf32>,
    %swap3A_189 = vector.shape_cast %swap3A_188 : vector<16xf32> to vector<16xf32>
    %swap3A_190 = vector.shape_cast %broadcast_in_dim3A_3 : vector<16xf32> to vector<16xf32>
    tpu.vector_store %arg6[%swap3A_187], %swap3A_190 {strides = array<i32>} : memref<1024xf32, #tpu.memory_space<vmem>>, vector<16xf32>,
    %swap3A_191 = arith.constant 752 : index
    %swap3A_192 = tpu.vector_load %arg6[%swap3A_191] {strides = array<i32>} : memref<1024xf32, #tpu.memory_space<vmem>>, vector<16xf32>,
    %swap3A_193 = vector.shape_cast %swap3A_192 : vector<16xf32> to vector<16xf32>
    %swap3A_194 = vector.shape_cast %broadcast_in_dim3A_3 : vector<16xf32> to vector<16xf32>
    tpu.vector_store %arg6[%swap3A_191], %swap3A_194 {strides = array<i32>} : memref<1024xf32, #tpu.memory_space<vmem>>, vector<16xf32>,
    %swap3A_195 = arith.constant 768 : index
    %swap3A_196 = tpu.vector_load %arg6[%swap3A_195] {strides = array<i32>} : memref<1024xf32, #tpu.memory_space<vmem>>, vector<16xf32>,
    %swap3A_197 = vector.shape_cast %swap3A_196 : vector<16xf32> to vector<16xf32>
    %swap3A_198 = vector.shape_cast %broadcast_in_dim3A_3 : vector<16xf32> to vector<16xf32>
    tpu.vector_store %arg6[%swap3A_195], %swap3A_198 {strides = array<i32>} : memref<1024xf32, #tpu.memory_space<vmem>>, vector<16xf32>,
    %swap3A_199 = arith.constant 784 : index
    %swap3A_200 = tpu.vector_load %arg6[%swap3A_199] {strides = array<i32>} : memref<1024xf32, #tpu.memory_space<vmem>>, vector<16xf32>,
    %swap3A_201 = vector.shape_cast %swap3A_200 : vector<16xf32> to vector<16xf32>
    %swap3A_202 = vector.shape_cast %broadcast_in_dim3A_3 : vector<16xf32> to vector<16xf32>
    tpu.vector_store %arg6[%swap3A_199], %swap3A_202 {strides = array<i32>} : memref<1024xf32, #tpu.memory_space<vmem>>, vector<16xf32>,
    %swap3A_203 = arith.constant 800 : index
    %swap3A_204 = tpu.vector_load %arg6[%swap3A_203] {strides = array<i32>} : memref<1024xf32, #tpu.memory_space<vmem>>, vector<16xf32>,
    %swap3A_205 = vector.shape_cast %swap3A_204 : vector<16xf32> to vector<16xf32>
    %swap3A_206 = vector.shape_cast %broadcast_in_dim3A_3 : vector<16xf32> to vector<16xf32>
    tpu.vector_store %arg6[%swap3A_203], %swap3A_206 {strides = array<i32>} : memref<1024xf32, #tpu.memory_space<vmem>>, vector<16xf32>,
    %swap3A_207 = arith.constant 816 : index
    %swap3A_208 = tpu.vector_load %arg6[%swap3A_207] {strides = array<i32>} : memref<1024xf32, #tpu.memory_space<vmem>>, vector<16xf32>,
    %swap3A_209 = vector.shape_cast %swap3A_208 : vector<16xf32> to vector<16xf32>
    %swap3A_210 = vector.shape_cast %broadcast_in_dim3A_3 : vector<16xf32> to vector<16xf32>
    tpu.vector_store %arg6[%swap3A_207], %swap3A_210 {strides = array<i32>} : memref<1024xf32, #tpu.memory_space<vmem>>, vector<16xf32>,
    %swap3A_211 = arith.constant 832 : index
    %swap3A_212 = tpu.vector_load %arg6[%swap3A_211] {strides = array<i32>} : memref<1024xf32, #tpu.memory_space<vmem>>, vector<16xf32>,
    %swap3A_213 = vector.shape_cast %swap3A_212 : vector<16xf32> to vector<16xf32>
    %swap3A_214 = vector.shape_cast %broadcast_in_dim3A_3 : vector<16xf32> to vector<16xf32>
    tpu.vector_store %arg6[%swap3A_211], %swap3A_214 {strides = array<i32>} : memref<1024xf32, #tpu.memory_space<vmem>>, vector<16xf32>,
    %swap3A_215 = arith.constant 848 : index
    %swap3A_216 = tpu.vector_load %arg6[%swap3A_215] {strides = array<i32>} : memref<1024xf32, #tpu.memory_space<vmem>>, vector<16xf32>,
    %swap3A_217 = vector.shape_cast %swap3A_216 : vector<16xf32> to vector<16xf32>
    %swap3A_218 = vector.shape_cast %broadcast_in_dim3A_3 : vector<16xf32> to vector<16xf32>
    tpu.vector_store %arg6[%swap3A_215], %swap3A_218 {strides = array<i32>} : memref<1024xf32, #tpu.memory_space<vmem>>, vector<16xf32>,
    %swap3A_219 = arith.constant 864 : index
    %swap3A_220 = tpu.vector_load %arg6[%swap3A_219] {strides = array<i32>} : memref<1024xf32, #tpu.memory_space<vmem>>, vector<16xf32>,
    %swap3A_221 = vector.shape_cast %swap3A_220 : vector<16xf32> to vector<16xf32>
    %swap3A_222 = vector.shape_cast %broadcast_in_dim3A_3 : vector<16xf32> to vector<16xf32>
    tpu.vector_store %arg6[%swap3A_219], %swap3A_222 {strides = array<i32>} : memref<1024xf32, #tpu.memory_space<vmem>>, vector<16xf32>,
    %swap3A_223 = arith.constant 880 : index
    %swap3A_224 = tpu.vector_load %arg6[%swap3A_223] {strides = array<i32>} : memref<1024xf32, #tpu.memory_space<vmem>>, vector<16xf32>,
    %swap3A_225 = vector.shape_cast %swap3A_224 : vector<16xf32> to vector<16xf32>
    %swap3A_226 = vector.shape_cast %broadcast_in_dim3A_3 : vector<16xf32> to vector<16xf32>
    tpu.vector_store %arg6[%swap3A_223], %swap3A_226 {strides = array<i32>} : memref<1024xf32, #tpu.memory_space<vmem>>, vector<16xf32>,
    %swap3A_227 = arith.constant 896 : index
    %swap3A_228 = tpu.vector_load %arg6[%swap3A_227] {strides = array<i32>} : memref<1024xf32, #tpu.memory_space<vmem>>, vector<16xf32>,
    %swap3A_229 = vector.shape_cast %swap3A_228 : vector<16xf32> to vector<16xf32>
    %swap3A_230 = vector.shape_cast %broadcast_in_dim3A_3 : vector<16xf32> to vector<16xf32>
    tpu.vector_store %arg6[%swap3A_227], %swap3A_230 {strides = array<i32>} : memref<1024xf32, #tpu.memory_space<vmem>>, vector<16xf32>,
    %swap3A_231 = arith.constant 912 : index
    %swap3A_232 = tpu.vector_load %arg6[%swap3A_231] {strides = array<i32>} : memref<1024xf32, #tpu.memory_space<vmem>>, vector<16xf32>,
    %swap3A_233 = vector.shape_cast %swap3A_232 : vector<16xf32> to vector<16xf32>
    %swap3A_234 = vector.shape_cast %broadcast_in_dim3A_3 : vector<16xf32> to vector<16xf32>
    tpu.vector_store %arg6[%swap3A_231], %swap3A_234 {strides = array<i32>} : memref<1024xf32, #tpu.memory_space<vmem>>, vector<16xf32>,
    %swap3A_235 = arith.constant 928 : index
    %swap3A_236 = tpu.vector_load %arg6[%swap3A_235] {strides = array<i32>} : memref<1024xf32, #tpu.memory_space<vmem>>, vector<16xf32>,
    %swap3A_237 = vector.shape_cast %swap3A_236 : vector<16xf32> to vector<16xf32>
    %swap3A_238 = vector.shape_cast %broadcast_in_dim3A_3 : vector<16xf32> to vector<16xf32>
    tpu.vector_store %arg6[%swap3A_235], %swap3A_238 {strides = array<i32>} : memref<1024xf32, #tpu.memory_space<vmem>>, vector<16xf32>,
    %swap3A_239 = arith.constant 944 : index
    %swap3A_240 = tpu.vector_load %arg6[%swap3A_239] {strides = array<i32>} : memref<1024xf32, #tpu.memory_space<vmem>>, vector<16xf32>,
    %swap3A_241 = vector.shape_cast %swap3A_240 : vector<16xf32> to vector<16xf32>
    %swap3A_242 = vector.shape_cast %broadcast_in_dim3A_3 : vector<16xf32> to vector<16xf32>
    tpu.vector_store %arg6[%swap3A_239], %swap3A_242 {strides = array<i32>} : memref<1024xf32, #tpu.memory_space<vmem>>, vector<16xf32>,
    %swap3A_243 = arith.constant 960 : index
    %swap3A_244 = tpu.vector_load %arg6[%swap3A_243] {strides = array<i32>} : memref<1024xf32, #tpu.memory_space<vmem>>, vector<16xf32>,
    %swap3A_245 = vector.shape_cast %swap3A_244 : vector<16xf32> to vector<16xf32>
    %swap3A_246 = vector.shape_cast %broadcast_in_dim3A_3 : vector<16xf32> to vector<16xf32>
    tpu.vector_store %arg6[%swap3A_243], %swap3A_246 {strides = array<i32>} : memref<1024xf32, #tpu.memory_space<vmem>>, vector<16xf32>,
    %swap3A_247 = arith.constant 976 : index
    %swap3A_248 = tpu.vector_load %arg6[%swap3A_247] {strides = array<i32>} : memref<1024xf32, #tpu.memory_space<vmem>>, vector<16xf32>,
    %swap3A_249 = vector.shape_cast %swap3A_248 : vector<16xf32> to vector<16xf32>
    %swap3A_250 = vector.shape_cast %broadcast_in_dim3A_3 : vector<16xf32> to vector<16xf32>
    tpu.vector_store %arg6[%swap3A_247], %swap3A_250 {strides = array<i32>} : memref<1024xf32, #tpu.memory_space<vmem>>, vector<16xf32>,
    %swap3A_251 = arith.constant 992 : index
    %swap3A_252 = tpu.vector_load %arg6[%swap3A_251] {strides = array<i32>} : memref<1024xf32, #tpu.memory_space<vmem>>, vector<16xf32>,
    %swap3A_253 = vector.shape_cast %swap3A_252 : vector<16xf32> to vector<16xf32>
    %swap3A_254 = vector.shape_cast %broadcast_in_dim3A_3 : vector<16xf32> to vector<16xf32>
    tpu.vector_store %arg6[%swap3A_251], %swap3A_254 {strides = array<i32>} : memref<1024xf32, #tpu.memory_space<vmem>>, vector<16xf32>,
    %swap3A_255 = arith.constant 1008 : index
    %swap3A_256 = tpu.vector_load %arg6[%swap3A_255] {strides = array<i32>} : memref<1024xf32, #tpu.memory_space<vmem>>, vector<16xf32>,
    %swap3A_257 = vector.shape_cast %swap3A_256 : vector<16xf32> to vector<16xf32>
    %swap3A_258 = vector.shape_cast %broadcast_in_dim3A_3 : vector<16xf32> to vector<16xf32>
    tpu.vector_store %arg6[%swap3A_255], %swap3A_258 {strides = array<i32>} : memref<1024xf32, #tpu.memory_space<vmem>>, vector<16xf32>,
    %dma_start3A = arith.constant 0 : i32
    %dma_start3A_259 = arith.constant 0 : i32
    %dma_start3A_260 = arith.constant 0 : i32
    %dma_start3A_261 = tpu.memref_slice %arg2[%dma_start3A, %add3A_2, %dma_start3A_259, %dma_start3A_260] : memref<3x224x224x1024xf32, #tpu.memory_space<hbm>> -> memref<1x1x56x1024xf32, #tpu.memory_space<hbm>>
    %dma_start3A_262 = tpu.memref_squeeze %dma_start3A_261 : memref<1x1x56x1024xf32, #tpu.memory_space<hbm>> -> memref<56x1024xf32, #tpu.memory_space<hbm>>
    %dma_start3A_263 = arith.constant 0 : i32
    %dma_start3A_264 = arith.constant 0 : i32
    %dma_start3A_265 = tpu.memref_slice %arg2[%dma_start3A, %add3A_2, %dma_start3A_263, %dma_start3A_264] : memref<3x224x224x1024xf32, #tpu.memory_space<hbm>> -> memref<1x1x56x1024xf32, #tpu.memory_space<hbm>>
    %dma_start3A_266 = tpu.memref_squeeze %dma_start3A_265 : memref<1x1x56x1024xf32, #tpu.memory_space<hbm>> -> memref<56x1024xf32, #tpu.memory_space<hbm>>
    tpu.enqueue_dma source(%dma_start3A_266 : memref<56x1024xf32, #tpu.memory_space<hbm>>) target(%arg4 : memref<56x1024xf32, #tpu.memory_space<vmem>>) target_semaphore(%arg7 : memref<!tpu.dma_semaphore, #tpu.memory_space<semaphore_mem>>)
    %dma_start3A_267 = arith.constant 0 : i32
    %dma_start3A_268 = arith.constant 56 : i32
    %dma_start3A_269 = arith.constant 0 : i32
    %dma_start3A_270 = tpu.memref_slice %arg2[%dma_start3A_267, %add3A_2, %dma_start3A_268, %dma_start3A_269] : memref<3x224x224x1024xf32, #tpu.memory_space<hbm>> -> memref<1x1x56x1024xf32, #tpu.memory_space<hbm>>
    %dma_start3A_271 = tpu.memref_squeeze %dma_start3A_270 : memref<1x1x56x1024xf32, #tpu.memory_space<hbm>> -> memref<56x1024xf32, #tpu.memory_space<hbm>>
    %dma_start3A_272 = arith.constant 56 : i32
    %dma_start3A_273 = arith.constant 0 : i32
    %dma_start3A_274 = tpu.memref_slice %arg2[%dma_start3A_267, %add3A_2, %dma_start3A_272, %dma_start3A_273] : memref<3x224x224x1024xf32, #tpu.memory_space<hbm>> -> memref<1x1x56x1024xf32, #tpu.memory_space<hbm>>
    %dma_start3A_275 = tpu.memref_squeeze %dma_start3A_274 : memref<1x1x56x1024xf32, #tpu.memory_space<hbm>> -> memref<56x1024xf32, #tpu.memory_space<hbm>>
    tpu.enqueue_dma source(%dma_start3A_275 : memref<56x1024xf32, #tpu.memory_space<hbm>>) target(%arg5 : memref<56x1024xf32, #tpu.memory_space<vmem>>) target_semaphore(%arg8 : memref<!tpu.dma_semaphore, #tpu.memory_space<semaphore_mem>>)
    %scan3A = arith.constant 0 : i32
    %scan3A_276 = arith.constant 0 : i32
    %scan3A_277 = arith.constant 6 : i32
    %scan3A_278 = arith.addi %scan3A_276, %scan3A_277 : i32
    %scan3A_279 = arith.constant 1 : i32
    scf.for %scan3A_281 = %scan3A_276 to %scan3A_278 step %scan3A_279  : i32 {
      %mul3A_282 = arith.constant 2 : i32
      %mul3A_283 = arith.muli %scan3A_281, %mul3A_282 : i32
      %mul3A_284 = arith.constant 2 : i32
      %mul3A_285 = arith.muli %scan3A_281, %mul3A_284 : i32
      %add3A_286 = arith.constant 1 : i32
      %add3A_287 = arith.addi %mul3A_285, %add3A_286 : i32
      %dma_wait3A = arith.constant 0 : i32
      %dma_wait3A_288 = arith.constant 0 : i32
      %dma_wait3A_289 = arith.constant 0 : i32
      %dma_wait3A_290 = arith.constant 0 : i32
      %dma_wait3A_291 = tpu.memref_slice %arg2[%dma_wait3A, %dma_wait3A_288, %dma_wait3A_289, %dma_wait3A_290] : memref<3x224x224x1024xf32, #tpu.memory_space<hbm>> -> memref<1x1x56x1024xf32, #tpu.memory_space<hbm>>
      %dma_wait3A_292 = tpu.memref_squeeze %dma_wait3A_291 : memref<1x1x56x1024xf32, #tpu.memory_space<hbm>> -> memref<56x1024xf32, #tpu.memory_space<hbm>>
      %dma_wait3A_293 = arith.constant 0 : i32
      %dma_wait3A_294 = arith.constant 0 : i32
      %dma_wait3A_295 = tpu.memref_slice %arg2[%dma_wait3A, %dma_wait3A_288, %dma_wait3A_293, %dma_wait3A_294] : memref<3x224x224x1024xf32, #tpu.memory_space<hbm>> -> memref<1x1x56x1024xf32, #tpu.memory_space<hbm>>
      %dma_wait3A_296 = tpu.memref_squeeze %dma_wait3A_295 : memref<1x1x56x1024xf32, #tpu.memory_space<hbm>> -> memref<56x1024xf32, #tpu.memory_space<hbm>>
      tpu.wait_dma2 semaphore(%arg7 : memref<!tpu.dma_semaphore, #tpu.memory_space<semaphore_mem>>) src(%dma_wait3A_296 : memref<56x1024xf32, #tpu.memory_space<hbm>>) dst(%arg4 : memref<56x1024xf32, #tpu.memory_space<vmem>>)
      %scan3A_297 = arith.constant 0 : i32
      %scan3A_298 = arith.constant 0 : i32
      %scan3A_299 = arith.constant 64 : i32
      %scan3A_300 = arith.addi %scan3A_298, %scan3A_299 : i32
      %scan3A_301 = arith.constant 1 : i32
      scf.for %scan3A_366 = %scan3A_298 to %scan3A_300 step %scan3A_301  : i32 {
        %mul3A_367 = arith.constant 16 : i32
        %mul3A_368 = arith.muli %scan3A_366, %mul3A_367 : i32
        %get3A = arith.constant 0 : i32
        %get3A_369 = arith.index_cast %get3A : i32 to index
        %get3A_370 = arith.index_cast %mul3A_368 : i32 to index
        %get3A_371 = tpu.vector_load %arg4[%get3A_369, %get3A_370] {strides = array<i32>} : memref<56x1024xf32, #tpu.memory_space<vmem>>, vector<1x16xf32>,
        %get3A_372 = vector.shape_cast %get3A_371 : vector<1x16xf32> to vector<16xf32>
        %mul3A_373 = arith.constant 16 : i32
        %mul3A_374 = arith.muli %scan3A_366, %mul3A_373 : i32
        %get3A_375 = arith.constant 1 : i32
        %get3A_376 = arith.index_cast %get3A_375 : i32 to index
        %get3A_377 = arith.index_cast %mul3A_374 : i32 to index
        %get3A_378 = tpu.vector_load %arg4[%get3A_376, %get3A_377] {strides = array<i32>} : memref<56x1024xf32, #tpu.memory_space<vmem>>, vector<1x16xf32>,
        %get3A_379 = vector.shape_cast %get3A_378 : vector<1x16xf32> to vector<16xf32>
        %add3A_380 = arith.addf %get3A_372, %get3A_379 : vector<16xf32>
        %mul3A_381 = arith.constant 16 : i32
        %mul3A_382 = arith.muli %scan3A_366, %mul3A_381 : i32
        %get3A_383 = arith.constant 2 : i32
        %get3A_384 = arith.index_cast %get3A_383 : i32 to index
        %get3A_385 = arith.index_cast %mul3A_382 : i32 to index
        %get3A_386 = tpu.vector_load %arg4[%get3A_384, %get3A_385] {strides = array<i32>} : memref<56x1024xf32, #tpu.memory_space<vmem>>, vector<1x16xf32>,
        %get3A_387 = vector.shape_cast %get3A_386 : vector<1x16xf32> to vector<16xf32>
        %add3A_388 = arith.addf %add3A_380, %get3A_387 : vector<16xf32>
        %mul3A_389 = arith.constant 16 : i32
        %mul3A_390 = arith.muli %scan3A_366, %mul3A_389 : i32
        %get3A_391 = arith.constant 3 : i32
        %get3A_392 = arith.index_cast %get3A_391 : i32 to index
        %get3A_393 = arith.index_cast %mul3A_390 : i32 to index
        %get3A_394 = tpu.vector_load %arg4[%get3A_392, %get3A_393] {strides = array<i32>} : memref<56x1024xf32, #tpu.memory_space<vmem>>, vector<1x16xf32>,
        %get3A_395 = vector.shape_cast %get3A_394 : vector<1x16xf32> to vector<16xf32>
        %add3A_396 = arith.addf %add3A_388, %get3A_395 : vector<16xf32>
        %mul3A_397 = arith.constant 16 : i32
        %mul3A_398 = arith.muli %scan3A_366, %mul3A_397 : i32
        %get3A_399 = arith.constant 4 : i32
        %get3A_400 = arith.index_cast %get3A_399 : i32 to index
        %get3A_401 = arith.index_cast %mul3A_398 : i32 to index
        %get3A_402 = tpu.vector_load %arg4[%get3A_400, %get3A_401] {strides = array<i32>} : memref<56x1024xf32, #tpu.memory_space<vmem>>, vector<1x16xf32>,
        %get3A_403 = vector.shape_cast %get3A_402 : vector<1x16xf32> to vector<16xf32>
        %add3A_404 = arith.addf %add3A_396, %get3A_403 : vector<16xf32>
        %mul3A_405 = arith.constant 16 : i32
        %mul3A_406 = arith.muli %scan3A_366, %mul3A_405 : i32
        %get3A_407 = arith.constant 5 : i32
        %get3A_408 = arith.index_cast %get3A_407 : i32 to index
        %get3A_409 = arith.index_cast %mul3A_406 : i32 to index
        %get3A_410 = tpu.vector_load %arg4[%get3A_408, %get3A_409] {strides = array<i32>} : memref<56x1024xf32, #tpu.memory_space<vmem>>, vector<1x16xf32>,
        %get3A_411 = vector.shape_cast %get3A_410 : vector<1x16xf32> to vector<16xf32>
        %add3A_412 = arith.addf %add3A_404, %get3A_411 : vector<16xf32>
        %mul3A_413 = arith.constant 16 : i32
        %mul3A_414 = arith.muli %scan3A_366, %mul3A_413 : i32
        %get3A_415 = arith.constant 6 : i32
        %get3A_416 = arith.index_cast %get3A_415 : i32 to index
        %get3A_417 = arith.index_cast %mul3A_414 : i32 to index
        %get3A_418 = tpu.vector_load %arg4[%get3A_416, %get3A_417] {strides = array<i32>} : memref<56x1024xf32, #tpu.memory_space<vmem>>, vector<1x16xf32>,
        %get3A_419 = vector.shape_cast %get3A_418 : vector<1x16xf32> to vector<16xf32>
        %add3A_420 = arith.addf %add3A_412, %get3A_419 : vector<16xf32>
        %mul3A_421 = arith.constant 16 : i32
        %mul3A_422 = arith.muli %scan3A_366, %mul3A_421 : i32
        %get3A_423 = arith.constant 7 : i32
        %get3A_424 = arith.index_cast %get3A_423 : i32 to index
        %get3A_425 = arith.index_cast %mul3A_422 : i32 to index
        %get3A_426 = tpu.vector_load %arg4[%get3A_424, %get3A_425] {strides = array<i32>} : memref<56x1024xf32, #tpu.memory_space<vmem>>, vector<1x16xf32>,
        %get3A_427 = vector.shape_cast %get3A_426 : vector<1x16xf32> to vector<16xf32>
        %add3A_428 = arith.addf %add3A_420, %get3A_427 : vector<16xf32>
        %mul3A_429 = arith.constant 16 : i32
        %mul3A_430 = arith.muli %scan3A_366, %mul3A_429 : i32
        %get3A_431 = arith.constant 8 : i32
        %get3A_432 = arith.index_cast %get3A_431 : i32 to index
        %get3A_433 = arith.index_cast %mul3A_430 : i32 to index
        %get3A_434 = tpu.vector_load %arg4[%get3A_432, %get3A_433] {strides = array<i32>} : memref<56x1024xf32, #tpu.memory_space<vmem>>, vector<1x16xf32>,
        %get3A_435 = vector.shape_cast %get3A_434 : vector<1x16xf32> to vector<16xf32>
        %add3A_436 = arith.addf %add3A_428, %get3A_435 : vector<16xf32>
        %mul3A_437 = arith.constant 16 : i32
        %mul3A_438 = arith.muli %scan3A_366, %mul3A_437 : i32
        %get3A_439 = arith.constant 9 : i32
        %get3A_440 = arith.index_cast %get3A_439 : i32 to index
        %get3A_441 = arith.index_cast %mul3A_438 : i32 to index
        %get3A_442 = tpu.vector_load %arg4[%get3A_440, %get3A_441] {strides = array<i32>} : memref<56x1024xf32, #tpu.memory_space<vmem>>, vector<1x16xf32>,
        %get3A_443 = vector.shape_cast %get3A_442 : vector<1x16xf32> to vector<16xf32>
        %add3A_444 = arith.addf %add3A_436, %get3A_443 : vector<16xf32>
        %mul3A_445 = arith.constant 16 : i32
        %mul3A_446 = arith.muli %scan3A_366, %mul3A_445 : i32
        %get3A_447 = arith.constant 10 : i32
        %get3A_448 = arith.index_cast %get3A_447 : i32 to index
        %get3A_449 = arith.index_cast %mul3A_446 : i32 to index
        %get3A_450 = tpu.vector_load %arg4[%get3A_448, %get3A_449] {strides = array<i32>} : memref<56x1024xf32, #tpu.memory_space<vmem>>, vector<1x16xf32>,
        %get3A_451 = vector.shape_cast %get3A_450 : vector<1x16xf32> to vector<16xf32>
        %add3A_452 = arith.addf %add3A_444, %get3A_451 : vector<16xf32>
        %mul3A_453 = arith.constant 16 : i32
        %mul3A_454 = arith.muli %scan3A_366, %mul3A_453 : i32
        %get3A_455 = arith.constant 11 : i32
        %get3A_456 = arith.index_cast %get3A_455 : i32 to index
        %get3A_457 = arith.index_cast %mul3A_454 : i32 to index
        %get3A_458 = tpu.vector_load %arg4[%get3A_456, %get3A_457] {strides = array<i32>} : memref<56x1024xf32, #tpu.memory_space<vmem>>, vector<1x16xf32>,
        %get3A_459 = vector.shape_cast %get3A_458 : vector<1x16xf32> to vector<16xf32>
        %add3A_460 = arith.addf %add3A_452, %get3A_459 : vector<16xf32>
        %mul3A_461 = arith.constant 16 : i32
        %mul3A_462 = arith.muli %scan3A_366, %mul3A_461 : i32
        %get3A_463 = arith.constant 12 : i32
        %get3A_464 = arith.index_cast %get3A_463 : i32 to index
        %get3A_465 = arith.index_cast %mul3A_462 : i32 to index
        %get3A_466 = tpu.vector_load %arg4[%get3A_464, %get3A_465] {strides = array<i32>} : memref<56x1024xf32, #tpu.memory_space<vmem>>, vector<1x16xf32>,
        %get3A_467 = vector.shape_cast %get3A_466 : vector<1x16xf32> to vector<16xf32>
        %add3A_468 = arith.addf %add3A_460, %get3A_467 : vector<16xf32>
        %mul3A_469 = arith.constant 16 : i32
        %mul3A_470 = arith.muli %scan3A_366, %mul3A_469 : i32
        %get3A_471 = arith.constant 13 : i32
        %get3A_472 = arith.index_cast %get3A_471 : i32 to index
        %get3A_473 = arith.index_cast %mul3A_470 : i32 to index
        %get3A_474 = tpu.vector_load %arg4[%get3A_472, %get3A_473] {strides = array<i32>} : memref<56x1024xf32, #tpu.memory_space<vmem>>, vector<1x16xf32>,
        %get3A_475 = vector.shape_cast %get3A_474 : vector<1x16xf32> to vector<16xf32>
        %add3A_476 = arith.addf %add3A_468, %get3A_475 : vector<16xf32>
        %mul3A_477 = arith.constant 16 : i32
        %mul3A_478 = arith.muli %scan3A_366, %mul3A_477 : i32
        %get3A_479 = arith.constant 14 : i32
        %get3A_480 = arith.index_cast %get3A_479 : i32 to index
        %get3A_481 = arith.index_cast %mul3A_478 : i32 to index
        %get3A_482 = tpu.vector_load %arg4[%get3A_480, %get3A_481] {strides = array<i32>} : memref<56x1024xf32, #tpu.memory_space<vmem>>, vector<1x16xf32>,
        %get3A_483 = vector.shape_cast %get3A_482 : vector<1x16xf32> to vector<16xf32>
        %add3A_484 = arith.addf %add3A_476, %get3A_483 : vector<16xf32>
        %mul3A_485 = arith.constant 16 : i32
        %mul3A_486 = arith.muli %scan3A_366, %mul3A_485 : i32
        %get3A_487 = arith.constant 15 : i32
        %get3A_488 = arith.index_cast %get3A_487 : i32 to index
        %get3A_489 = arith.index_cast %mul3A_486 : i32 to index
        %get3A_490 = tpu.vector_load %arg4[%get3A_488, %get3A_489] {strides = array<i32>} : memref<56x1024xf32, #tpu.memory_space<vmem>>, vector<1x16xf32>,
        %get3A_491 = vector.shape_cast %get3A_490 : vector<1x16xf32> to vector<16xf32>
        %add3A_492 = arith.addf %add3A_484, %get3A_491 : vector<16xf32>
        %mul3A_493 = arith.constant 16 : i32
        %mul3A_494 = arith.muli %scan3A_366, %mul3A_493 : i32
        %get3A_495 = arith.constant 16 : i32
        %get3A_496 = arith.index_cast %get3A_495 : i32 to index
        %get3A_497 = arith.index_cast %mul3A_494 : i32 to index
        %get3A_498 = tpu.vector_load %arg4[%get3A_496, %get3A_497] {strides = array<i32>} : memref<56x1024xf32, #tpu.memory_space<vmem>>, vector<1x16xf32>,
        %get3A_499 = vector.shape_cast %get3A_498 : vector<1x16xf32> to vector<16xf32>
        %add3A_500 = arith.addf %add3A_492, %get3A_499 : vector<16xf32>
        %mul3A_501 = arith.constant 16 : i32
        %mul3A_502 = arith.muli %scan3A_366, %mul3A_501 : i32
        %get3A_503 = arith.constant 17 : i32
        %get3A_504 = arith.index_cast %get3A_503 : i32 to index
        %get3A_505 = arith.index_cast %mul3A_502 : i32 to index
        %get3A_506 = tpu.vector_load %arg4[%get3A_504, %get3A_505] {strides = array<i32>} : memref<56x1024xf32, #tpu.memory_space<vmem>>, vector<1x16xf32>,
        %get3A_507 = vector.shape_cast %get3A_506 : vector<1x16xf32> to vector<16xf32>
        %add3A_508 = arith.addf %add3A_500, %get3A_507 : vector<16xf32>
        %mul3A_509 = arith.constant 16 : i32
        %mul3A_510 = arith.muli %scan3A_366, %mul3A_509 : i32
        %get3A_511 = arith.constant 18 : i32
        %get3A_512 = arith.index_cast %get3A_511 : i32 to index
        %get3A_513 = arith.index_cast %mul3A_510 : i32 to index
        %get3A_514 = tpu.vector_load %arg4[%get3A_512, %get3A_513] {strides = array<i32>} : memref<56x1024xf32, #tpu.memory_space<vmem>>, vector<1x16xf32>,
        %get3A_515 = vector.shape_cast %get3A_514 : vector<1x16xf32> to vector<16xf32>
        %add3A_516 = arith.addf %add3A_508, %get3A_515 : vector<16xf32>
        %mul3A_517 = arith.constant 16 : i32
        %mul3A_518 = arith.muli %scan3A_366, %mul3A_517 : i32
        %get3A_519 = arith.constant 19 : i32
        %get3A_520 = arith.index_cast %get3A_519 : i32 to index
        %get3A_521 = arith.index_cast %mul3A_518 : i32 to index
        %get3A_522 = tpu.vector_load %arg4[%get3A_520, %get3A_521] {strides = array<i32>} : memref<56x1024xf32, #tpu.memory_space<vmem>>, vector<1x16xf32>,
        %get3A_523 = vector.shape_cast %get3A_522 : vector<1x16xf32> to vector<16xf32>
        %add3A_524 = arith.addf %add3A_516, %get3A_523 : vector<16xf32>
        %mul3A_525 = arith.constant 16 : i32
        %mul3A_526 = arith.muli %scan3A_366, %mul3A_525 : i32
        %get3A_527 = arith.constant 20 : i32
        %get3A_528 = arith.index_cast %get3A_527 : i32 to index
        %get3A_529 = arith.index_cast %mul3A_526 : i32 to index
        %get3A_530 = tpu.vector_load %arg4[%get3A_528, %get3A_529] {strides = array<i32>} : memref<56x1024xf32, #tpu.memory_space<vmem>>, vector<1x16xf32>,
        %get3A_531 = vector.shape_cast %get3A_530 : vector<1x16xf32> to vector<16xf32>
        %add3A_532 = arith.addf %add3A_524, %get3A_531 : vector<16xf32>
        %mul3A_533 = arith.constant 16 : i32
        %mul3A_534 = arith.muli %scan3A_366, %mul3A_533 : i32
        %get3A_535 = arith.constant 21 : i32
        %get3A_536 = arith.index_cast %get3A_535 : i32 to index
        %get3A_537 = arith.index_cast %mul3A_534 : i32 to index
        %get3A_538 = tpu.vector_load %arg4[%get3A_536, %get3A_537] {strides = array<i32>} : memref<56x1024xf32, #tpu.memory_space<vmem>>, vector<1x16xf32>,
        %get3A_539 = vector.shape_cast %get3A_538 : vector<1x16xf32> to vector<16xf32>
        %add3A_540 = arith.addf %add3A_532, %get3A_539 : vector<16xf32>
        %mul3A_541 = arith.constant 16 : i32
        %mul3A_542 = arith.muli %scan3A_366, %mul3A_541 : i32
        %get3A_543 = arith.constant 22 : i32
        %get3A_544 = arith.index_cast %get3A_543 : i32 to index
        %get3A_545 = arith.index_cast %mul3A_542 : i32 to index
        %get3A_546 = tpu.vector_load %arg4[%get3A_544, %get3A_545] {strides = array<i32>} : memref<56x1024xf32, #tpu.memory_space<vmem>>, vector<1x16xf32>,
        %get3A_547 = vector.shape_cast %get3A_546 : vector<1x16xf32> to vector<16xf32>
        %add3A_548 = arith.addf %add3A_540, %get3A_547 : vector<16xf32>
        %mul3A_549 = arith.constant 16 : i32
        %mul3A_550 = arith.muli %scan3A_366, %mul3A_549 : i32
        %get3A_551 = arith.constant 23 : i32
        %get3A_552 = arith.index_cast %get3A_551 : i32 to index
        %get3A_553 = arith.index_cast %mul3A_550 : i32 to index
        %get3A_554 = tpu.vector_load %arg4[%get3A_552, %get3A_553] {strides = array<i32>} : memref<56x1024xf32, #tpu.memory_space<vmem>>, vector<1x16xf32>,
        %get3A_555 = vector.shape_cast %get3A_554 : vector<1x16xf32> to vector<16xf32>
        %add3A_556 = arith.addf %add3A_548, %get3A_555 : vector<16xf32>
        %mul3A_557 = arith.constant 16 : i32
        %mul3A_558 = arith.muli %scan3A_366, %mul3A_557 : i32
        %get3A_559 = arith.constant 24 : i32
        %get3A_560 = arith.index_cast %get3A_559 : i32 to index
        %get3A_561 = arith.index_cast %mul3A_558 : i32 to index
        %get3A_562 = tpu.vector_load %arg4[%get3A_560, %get3A_561] {strides = array<i32>} : memref<56x1024xf32, #tpu.memory_space<vmem>>, vector<1x16xf32>,
        %get3A_563 = vector.shape_cast %get3A_562 : vector<1x16xf32> to vector<16xf32>
        %add3A_564 = arith.addf %add3A_556, %get3A_563 : vector<16xf32>
        %mul3A_565 = arith.constant 16 : i32
        %mul3A_566 = arith.muli %scan3A_366, %mul3A_565 : i32
        %get3A_567 = arith.constant 25 : i32
        %get3A_568 = arith.index_cast %get3A_567 : i32 to index
        %get3A_569 = arith.index_cast %mul3A_566 : i32 to index
        %get3A_570 = tpu.vector_load %arg4[%get3A_568, %get3A_569] {strides = array<i32>} : memref<56x1024xf32, #tpu.memory_space<vmem>>, vector<1x16xf32>,
        %get3A_571 = vector.shape_cast %get3A_570 : vector<1x16xf32> to vector<16xf32>
        %add3A_572 = arith.addf %add3A_564, %get3A_571 : vector<16xf32>
        %mul3A_573 = arith.constant 16 : i32
        %mul3A_574 = arith.muli %scan3A_366, %mul3A_573 : i32
        %get3A_575 = arith.constant 26 : i32
        %get3A_576 = arith.index_cast %get3A_575 : i32 to index
        %get3A_577 = arith.index_cast %mul3A_574 : i32 to index
        %get3A_578 = tpu.vector_load %arg4[%get3A_576, %get3A_577] {strides = array<i32>} : memref<56x1024xf32, #tpu.memory_space<vmem>>, vector<1x16xf32>,
        %get3A_579 = vector.shape_cast %get3A_578 : vector<1x16xf32> to vector<16xf32>
        %add3A_580 = arith.addf %add3A_572, %get3A_579 : vector<16xf32>
        %mul3A_581 = arith.constant 16 : i32
        %mul3A_582 = arith.muli %scan3A_366, %mul3A_581 : i32
        %get3A_583 = arith.constant 27 : i32
        %get3A_584 = arith.index_cast %get3A_583 : i32 to index
        %get3A_585 = arith.index_cast %mul3A_582 : i32 to index
        %get3A_586 = tpu.vector_load %arg4[%get3A_584, %get3A_585] {strides = array<i32>} : memref<56x1024xf32, #tpu.memory_space<vmem>>, vector<1x16xf32>,
        %get3A_587 = vector.shape_cast %get3A_586 : vector<1x16xf32> to vector<16xf32>
        %add3A_588 = arith.addf %add3A_580, %get3A_587 : vector<16xf32>
        %mul3A_589 = arith.constant 16 : i32
        %mul3A_590 = arith.muli %scan3A_366, %mul3A_589 : i32
        %get3A_591 = arith.constant 28 : i32
        %get3A_592 = arith.index_cast %get3A_591 : i32 to index
        %get3A_593 = arith.index_cast %mul3A_590 : i32 to index
        %get3A_594 = tpu.vector_load %arg4[%get3A_592, %get3A_593] {strides = array<i32>} : memref<56x1024xf32, #tpu.memory_space<vmem>>, vector<1x16xf32>,
        %get3A_595 = vector.shape_cast %get3A_594 : vector<1x16xf32> to vector<16xf32>
        %add3A_596 = arith.addf %add3A_588, %get3A_595 : vector<16xf32>
        %mul3A_597 = arith.constant 16 : i32
        %mul3A_598 = arith.muli %scan3A_366, %mul3A_597 : i32
        %get3A_599 = arith.constant 29 : i32
        %get3A_600 = arith.index_cast %get3A_599 : i32 to index
        %get3A_601 = arith.index_cast %mul3A_598 : i32 to index
        %get3A_602 = tpu.vector_load %arg4[%get3A_600, %get3A_601] {strides = array<i32>} : memref<56x1024xf32, #tpu.memory_space<vmem>>, vector<1x16xf32>,
        %get3A_603 = vector.shape_cast %get3A_602 : vector<1x16xf32> to vector<16xf32>
        %add3A_604 = arith.addf %add3A_596, %get3A_603 : vector<16xf32>
        %mul3A_605 = arith.constant 16 : i32
        %mul3A_606 = arith.muli %scan3A_366, %mul3A_605 : i32
        %get3A_607 = arith.constant 30 : i32
        %get3A_608 = arith.index_cast %get3A_607 : i32 to index
        %get3A_609 = arith.index_cast %mul3A_606 : i32 to index
        %get3A_610 = tpu.vector_load %arg4[%get3A_608, %get3A_609] {strides = array<i32>} : memref<56x1024xf32, #tpu.memory_space<vmem>>, vector<1x16xf32>,
        %get3A_611 = vector.shape_cast %get3A_610 : vector<1x16xf32> to vector<16xf32>
        %add3A_612 = arith.addf %add3A_604, %get3A_611 : vector<16xf32>
        %mul3A_613 = arith.constant 16 : i32
        %mul3A_614 = arith.muli %scan3A_366, %mul3A_613 : i32
        %get3A_615 = arith.constant 31 : i32
        %get3A_616 = arith.index_cast %get3A_615 : i32 to index
        %get3A_617 = arith.index_cast %mul3A_614 : i32 to index
        %get3A_618 = tpu.vector_load %arg4[%get3A_616, %get3A_617] {strides = array<i32>} : memref<56x1024xf32, #tpu.memory_space<vmem>>, vector<1x16xf32>,
        %get3A_619 = vector.shape_cast %get3A_618 : vector<1x16xf32> to vector<16xf32>
        %add3A_620 = arith.addf %add3A_612, %get3A_619 : vector<16xf32>
        %mul3A_621 = arith.constant 16 : i32
        %mul3A_622 = arith.muli %scan3A_366, %mul3A_621 : i32
        %get3A_623 = arith.constant 32 : i32
        %get3A_624 = arith.index_cast %get3A_623 : i32 to index
        %get3A_625 = arith.index_cast %mul3A_622 : i32 to index
        %get3A_626 = tpu.vector_load %arg4[%get3A_624, %get3A_625] {strides = array<i32>} : memref<56x1024xf32, #tpu.memory_space<vmem>>, vector<1x16xf32>,
        %get3A_627 = vector.shape_cast %get3A_626 : vector<1x16xf32> to vector<16xf32>
        %add3A_628 = arith.addf %add3A_620, %get3A_627 : vector<16xf32>
        %mul3A_629 = arith.constant 16 : i32
        %mul3A_630 = arith.muli %scan3A_366, %mul3A_629 : i32
        %get3A_631 = arith.constant 33 : i32
        %get3A_632 = arith.index_cast %get3A_631 : i32 to index
        %get3A_633 = arith.index_cast %mul3A_630 : i32 to index
        %get3A_634 = tpu.vector_load %arg4[%get3A_632, %get3A_633] {strides = array<i32>} : memref<56x1024xf32, #tpu.memory_space<vmem>>, vector<1x16xf32>,
        %get3A_635 = vector.shape_cast %get3A_634 : vector<1x16xf32> to vector<16xf32>
        %add3A_636 = arith.addf %add3A_628, %get3A_635 : vector<16xf32>
        %mul3A_637 = arith.constant 16 : i32
        %mul3A_638 = arith.muli %scan3A_366, %mul3A_637 : i32
        %get3A_639 = arith.constant 34 : i32
        %get3A_640 = arith.index_cast %get3A_639 : i32 to index
        %get3A_641 = arith.index_cast %mul3A_638 : i32 to index
        %get3A_642 = tpu.vector_load %arg4[%get3A_640, %get3A_641] {strides = array<i32>} : memref<56x1024xf32, #tpu.memory_space<vmem>>, vector<1x16xf32>,
        %get3A_643 = vector.shape_cast %get3A_642 : vector<1x16xf32> to vector<16xf32>
        %add3A_644 = arith.addf %add3A_636, %get3A_643 : vector<16xf32>
        %mul3A_645 = arith.constant 16 : i32
        %mul3A_646 = arith.muli %scan3A_366, %mul3A_645 : i32
        %get3A_647 = arith.constant 35 : i32
        %get3A_648 = arith.index_cast %get3A_647 : i32 to index
        %get3A_649 = arith.index_cast %mul3A_646 : i32 to index
        %get3A_650 = tpu.vector_load %arg4[%get3A_648, %get3A_649] {strides = array<i32>} : memref<56x1024xf32, #tpu.memory_space<vmem>>, vector<1x16xf32>,
        %get3A_651 = vector.shape_cast %get3A_650 : vector<1x16xf32> to vector<16xf32>
        %add3A_652 = arith.addf %add3A_644, %get3A_651 : vector<16xf32>
        %mul3A_653 = arith.constant 16 : i32
        %mul3A_654 = arith.muli %scan3A_366, %mul3A_653 : i32
        %get3A_655 = arith.constant 36 : i32
        %get3A_656 = arith.index_cast %get3A_655 : i32 to index
        %get3A_657 = arith.index_cast %mul3A_654 : i32 to index
        %get3A_658 = tpu.vector_load %arg4[%get3A_656, %get3A_657] {strides = array<i32>} : memref<56x1024xf32, #tpu.memory_space<vmem>>, vector<1x16xf32>,
        %get3A_659 = vector.shape_cast %get3A_658 : vector<1x16xf32> to vector<16xf32>
        %add3A_660 = arith.addf %add3A_652, %get3A_659 : vector<16xf32>
        %mul3A_661 = arith.constant 16 : i32
        %mul3A_662 = arith.muli %scan3A_366, %mul3A_661 : i32
        %get3A_663 = arith.constant 37 : i32
        %get3A_664 = arith.index_cast %get3A_663 : i32 to index
        %get3A_665 = arith.index_cast %mul3A_662 : i32 to index
        %get3A_666 = tpu.vector_load %arg4[%get3A_664, %get3A_665] {strides = array<i32>} : memref<56x1024xf32, #tpu.memory_space<vmem>>, vector<1x16xf32>,
        %get3A_667 = vector.shape_cast %get3A_666 : vector<1x16xf32> to vector<16xf32>
        %add3A_668 = arith.addf %add3A_660, %get3A_667 : vector<16xf32>
        %mul3A_669 = arith.constant 16 : i32
        %mul3A_670 = arith.muli %scan3A_366, %mul3A_669 : i32
        %get3A_671 = arith.constant 38 : i32
        %get3A_672 = arith.index_cast %get3A_671 : i32 to index
        %get3A_673 = arith.index_cast %mul3A_670 : i32 to index
        %get3A_674 = tpu.vector_load %arg4[%get3A_672, %get3A_673] {strides = array<i32>} : memref<56x1024xf32, #tpu.memory_space<vmem>>, vector<1x16xf32>,
        %get3A_675 = vector.shape_cast %get3A_674 : vector<1x16xf32> to vector<16xf32>
        %add3A_676 = arith.addf %add3A_668, %get3A_675 : vector<16xf32>
        %mul3A_677 = arith.constant 16 : i32
        %mul3A_678 = arith.muli %scan3A_366, %mul3A_677 : i32
        %get3A_679 = arith.constant 39 : i32
        %get3A_680 = arith.index_cast %get3A_679 : i32 to index
        %get3A_681 = arith.index_cast %mul3A_678 : i32 to index
        %get3A_682 = tpu.vector_load %arg4[%get3A_680, %get3A_681] {strides = array<i32>} : memref<56x1024xf32, #tpu.memory_space<vmem>>, vector<1x16xf32>,
        %get3A_683 = vector.shape_cast %get3A_682 : vector<1x16xf32> to vector<16xf32>
        %add3A_684 = arith.addf %add3A_676, %get3A_683 : vector<16xf32>
        %mul3A_685 = arith.constant 16 : i32
        %mul3A_686 = arith.muli %scan3A_366, %mul3A_685 : i32
        %get3A_687 = arith.constant 40 : i32
        %get3A_688 = arith.index_cast %get3A_687 : i32 to index
        %get3A_689 = arith.index_cast %mul3A_686 : i32 to index
        %get3A_690 = tpu.vector_load %arg4[%get3A_688, %get3A_689] {strides = array<i32>} : memref<56x1024xf32, #tpu.memory_space<vmem>>, vector<1x16xf32>,
        %get3A_691 = vector.shape_cast %get3A_690 : vector<1x16xf32> to vector<16xf32>
        %add3A_692 = arith.addf %add3A_684, %get3A_691 : vector<16xf32>
        %mul3A_693 = arith.constant 16 : i32
        %mul3A_694 = arith.muli %scan3A_366, %mul3A_693 : i32
        %get3A_695 = arith.constant 41 : i32
        %get3A_696 = arith.index_cast %get3A_695 : i32 to index
        %get3A_697 = arith.index_cast %mul3A_694 : i32 to index
        %get3A_698 = tpu.vector_load %arg4[%get3A_696, %get3A_697] {strides = array<i32>} : memref<56x1024xf32, #tpu.memory_space<vmem>>, vector<1x16xf32>,
        %get3A_699 = vector.shape_cast %get3A_698 : vector<1x16xf32> to vector<16xf32>
        %add3A_700 = arith.addf %add3A_692, %get3A_699 : vector<16xf32>
        %mul3A_701 = arith.constant 16 : i32
        %mul3A_702 = arith.muli %scan3A_366, %mul3A_701 : i32
        %get3A_703 = arith.constant 42 : i32
        %get3A_704 = arith.index_cast %get3A_703 : i32 to index
        %get3A_705 = arith.index_cast %mul3A_702 : i32 to index
        %get3A_706 = tpu.vector_load %arg4[%get3A_704, %get3A_705] {strides = array<i32>} : memref<56x1024xf32, #tpu.memory_space<vmem>>, vector<1x16xf32>,
        %get3A_707 = vector.shape_cast %get3A_706 : vector<1x16xf32> to vector<16xf32>
        %add3A_708 = arith.addf %add3A_700, %get3A_707 : vector<16xf32>
        %mul3A_709 = arith.constant 16 : i32
        %mul3A_710 = arith.muli %scan3A_366, %mul3A_709 : i32
        %get3A_711 = arith.constant 43 : i32
        %get3A_712 = arith.index_cast %get3A_711 : i32 to index
        %get3A_713 = arith.index_cast %mul3A_710 : i32 to index
        %get3A_714 = tpu.vector_load %arg4[%get3A_712, %get3A_713] {strides = array<i32>} : memref<56x1024xf32, #tpu.memory_space<vmem>>, vector<1x16xf32>,
        %get3A_715 = vector.shape_cast %get3A_714 : vector<1x16xf32> to vector<16xf32>
        %add3A_716 = arith.addf %add3A_708, %get3A_715 : vector<16xf32>
        %mul3A_717 = arith.constant 16 : i32
        %mul3A_718 = arith.muli %scan3A_366, %mul3A_717 : i32
        %get3A_719 = arith.constant 44 : i32
        %get3A_720 = arith.index_cast %get3A_719 : i32 to index
        %get3A_721 = arith.index_cast %mul3A_718 : i32 to index
        %get3A_722 = tpu.vector_load %arg4[%get3A_720, %get3A_721] {strides = array<i32>} : memref<56x1024xf32, #tpu.memory_space<vmem>>, vector<1x16xf32>,
        %get3A_723 = vector.shape_cast %get3A_722 : vector<1x16xf32> to vector<16xf32>
        %add3A_724 = arith.addf %add3A_716, %get3A_723 : vector<16xf32>
        %mul3A_725 = arith.constant 16 : i32
        %mul3A_726 = arith.muli %scan3A_366, %mul3A_725 : i32
        %get3A_727 = arith.constant 45 : i32
        %get3A_728 = arith.index_cast %get3A_727 : i32 to index
        %get3A_729 = arith.index_cast %mul3A_726 : i32 to index
        %get3A_730 = tpu.vector_load %arg4[%get3A_728, %get3A_729] {strides = array<i32>} : memref<56x1024xf32, #tpu.memory_space<vmem>>, vector<1x16xf32>,
        %get3A_731 = vector.shape_cast %get3A_730 : vector<1x16xf32> to vector<16xf32>
        %add3A_732 = arith.addf %add3A_724, %get3A_731 : vector<16xf32>
        %mul3A_733 = arith.constant 16 : i32
        %mul3A_734 = arith.muli %scan3A_366, %mul3A_733 : i32
        %get3A_735 = arith.constant 46 : i32
        %get3A_736 = arith.index_cast %get3A_735 : i32 to index
        %get3A_737 = arith.index_cast %mul3A_734 : i32 to index
        %get3A_738 = tpu.vector_load %arg4[%get3A_736, %get3A_737] {strides = array<i32>} : memref<56x1024xf32, #tpu.memory_space<vmem>>, vector<1x16xf32>,
        %get3A_739 = vector.shape_cast %get3A_738 : vector<1x16xf32> to vector<16xf32>
        %add3A_740 = arith.addf %add3A_732, %get3A_739 : vector<16xf32>
        %mul3A_741 = arith.constant 16 : i32
        %mul3A_742 = arith.muli %scan3A_366, %mul3A_741 : i32
        %get3A_743 = arith.constant 47 : i32
        %get3A_744 = arith.index_cast %get3A_743 : i32 to index
        %get3A_745 = arith.index_cast %mul3A_742 : i32 to index
        %get3A_746 = tpu.vector_load %arg4[%get3A_744, %get3A_745] {strides = array<i32>} : memref<56x1024xf32, #tpu.memory_space<vmem>>, vector<1x16xf32>,
        %get3A_747 = vector.shape_cast %get3A_746 : vector<1x16xf32> to vector<16xf32>
        %add3A_748 = arith.addf %add3A_740, %get3A_747 : vector<16xf32>
        %mul3A_749 = arith.constant 16 : i32
        %mul3A_750 = arith.muli %scan3A_366, %mul3A_749 : i32
        %get3A_751 = arith.constant 48 : i32
        %get3A_752 = arith.index_cast %get3A_751 : i32 to index
        %get3A_753 = arith.index_cast %mul3A_750 : i32 to index
        %get3A_754 = tpu.vector_load %arg4[%get3A_752, %get3A_753] {strides = array<i32>} : memref<56x1024xf32, #tpu.memory_space<vmem>>, vector<1x16xf32>,
        %get3A_755 = vector.shape_cast %get3A_754 : vector<1x16xf32> to vector<16xf32>
        %add3A_756 = arith.addf %add3A_748, %get3A_755 : vector<16xf32>
        %mul3A_757 = arith.constant 16 : i32
        %mul3A_758 = arith.muli %scan3A_366, %mul3A_757 : i32
        %get3A_759 = arith.constant 49 : i32
        %get3A_760 = arith.index_cast %get3A_759 : i32 to index
        %get3A_761 = arith.index_cast %mul3A_758 : i32 to index
        %get3A_762 = tpu.vector_load %arg4[%get3A_760, %get3A_761] {strides = array<i32>} : memref<56x1024xf32, #tpu.memory_space<vmem>>, vector<1x16xf32>,
        %get3A_763 = vector.shape_cast %get3A_762 : vector<1x16xf32> to vector<16xf32>
        %add3A_764 = arith.addf %add3A_756, %get3A_763 : vector<16xf32>
        %mul3A_765 = arith.constant 16 : i32
        %mul3A_766 = arith.muli %scan3A_366, %mul3A_765 : i32
        %get3A_767 = arith.constant 50 : i32
        %get3A_768 = arith.index_cast %get3A_767 : i32 to index
        %get3A_769 = arith.index_cast %mul3A_766 : i32 to index
        %get3A_770 = tpu.vector_load %arg4[%get3A_768, %get3A_769] {strides = array<i32>} : memref<56x1024xf32, #tpu.memory_space<vmem>>, vector<1x16xf32>,
        %get3A_771 = vector.shape_cast %get3A_770 : vector<1x16xf32> to vector<16xf32>
        %add3A_772 = arith.addf %add3A_764, %get3A_771 : vector<16xf32>
        %mul3A_773 = arith.constant 16 : i32
        %mul3A_774 = arith.muli %scan3A_366, %mul3A_773 : i32
        %get3A_775 = arith.constant 51 : i32
        %get3A_776 = arith.index_cast %get3A_775 : i32 to index
        %get3A_777 = arith.index_cast %mul3A_774 : i32 to index
        %get3A_778 = tpu.vector_load %arg4[%get3A_776, %get3A_777] {strides = array<i32>} : memref<56x1024xf32, #tpu.memory_space<vmem>>, vector<1x16xf32>,
        %get3A_779 = vector.shape_cast %get3A_778 : vector<1x16xf32> to vector<16xf32>
        %add3A_780 = arith.addf %add3A_772, %get3A_779 : vector<16xf32>
        %mul3A_781 = arith.constant 16 : i32
        %mul3A_782 = arith.muli %scan3A_366, %mul3A_781 : i32
        %get3A_783 = arith.constant 52 : i32
        %get3A_784 = arith.index_cast %get3A_783 : i32 to index
        %get3A_785 = arith.index_cast %mul3A_782 : i32 to index
        %get3A_786 = tpu.vector_load %arg4[%get3A_784, %get3A_785] {strides = array<i32>} : memref<56x1024xf32, #tpu.memory_space<vmem>>, vector<1x16xf32>,
        %get3A_787 = vector.shape_cast %get3A_786 : vector<1x16xf32> to vector<16xf32>
        %add3A_788 = arith.addf %add3A_780, %get3A_787 : vector<16xf32>
        %mul3A_789 = arith.constant 16 : i32
        %mul3A_790 = arith.muli %scan3A_366, %mul3A_789 : i32
        %get3A_791 = arith.constant 53 : i32
        %get3A_792 = arith.index_cast %get3A_791 : i32 to index
        %get3A_793 = arith.index_cast %mul3A_790 : i32 to index
        %get3A_794 = tpu.vector_load %arg4[%get3A_792, %get3A_793] {strides = array<i32>} : memref<56x1024xf32, #tpu.memory_space<vmem>>, vector<1x16xf32>,
        %get3A_795 = vector.shape_cast %get3A_794 : vector<1x16xf32> to vector<16xf32>
        %add3A_796 = arith.addf %add3A_788, %get3A_795 : vector<16xf32>
        %mul3A_797 = arith.constant 16 : i32
        %mul3A_798 = arith.muli %scan3A_366, %mul3A_797 : i32
        %get3A_799 = arith.constant 54 : i32
        %get3A_800 = arith.index_cast %get3A_799 : i32 to index
        %get3A_801 = arith.index_cast %mul3A_798 : i32 to index
        %get3A_802 = tpu.vector_load %arg4[%get3A_800, %get3A_801] {strides = array<i32>} : memref<56x1024xf32, #tpu.memory_space<vmem>>, vector<1x16xf32>,
        %get3A_803 = vector.shape_cast %get3A_802 : vector<1x16xf32> to vector<16xf32>
        %add3A_804 = arith.addf %add3A_796, %get3A_803 : vector<16xf32>
        %mul3A_805 = arith.constant 16 : i32
        %mul3A_806 = arith.muli %scan3A_366, %mul3A_805 : i32
        %get3A_807 = arith.constant 55 : i32
        %get3A_808 = arith.index_cast %get3A_807 : i32 to index
        %get3A_809 = arith.index_cast %mul3A_806 : i32 to index
        %get3A_810 = tpu.vector_load %arg4[%get3A_808, %get3A_809] {strides = array<i32>} : memref<56x1024xf32, #tpu.memory_space<vmem>>, vector<1x16xf32>,
        %get3A_811 = vector.shape_cast %get3A_810 : vector<1x16xf32> to vector<16xf32>
        %add3A_812 = arith.addf %add3A_804, %get3A_811 : vector<16xf32>
        %mul3A_813 = arith.constant 16 : i32
        %mul3A_814 = arith.muli %scan3A_366, %mul3A_813 : i32
        %swap3A_815 = arith.index_cast %mul3A_814 : i32 to index
        %swap3A_816 = tpu.vector_load %arg6[%swap3A_815] {strides = array<i32>} : memref<1024xf32, #tpu.memory_space<vmem>>, vector<16xf32>,
        %swap3A_817 = vector.shape_cast %swap3A_816 : vector<16xf32> to vector<16xf32>
        %swap3A_818 = vector.shape_cast %add3A_812 : vector<16xf32> to vector<16xf32>
        tpu.vector_store %arg6[%swap3A_815], %swap3A_818 {add = true, strides = array<i32>} : memref<1024xf32, #tpu.memory_space<vmem>>, vector<16xf32>,
      }
      %scan3A_302 = arith.constant 64 : i32
      %jit3A = arith.constant 4 : i32
      %eq3A = arith.constant 0 : i32
      %eq3A_303 = arith.cmpi eq, %jit3A, %eq3A : i32
      %jit3A_304 = arith.constant 1 : i32
      %select_n3A = arith.select %eq3A_303, %jit3A_304, %jit3A : i32
      %rem3A = arith.remsi %mul3A_283, %select_n3A : i32
      %ne3A = arith.constant 0 : i32
      %ne3A_305 = arith.cmpi ne, %rem3A, %ne3A : i32
      %lt3A = arith.constant 0 : i32
      %lt3A_306 = arith.cmpi slt, %rem3A, %lt3A : i32
      %lt3A_307 = arith.constant 0 : i32
      %lt3A_308 = arith.cmpi slt, %select_n3A, %lt3A_307 : i32
      %ne3A_309 = arith.xori %lt3A_306, %lt3A_308 : i1
      %and3A = arith.andi %ne3A_309, %ne3A_305 : i1
      %add3A_310 = arith.addi %rem3A, %select_n3A : i32
      %select_n3A_311 = arith.select %and3A, %add3A_310, %rem3A : i32
      %eq3A_312 = arith.constant 3 : i32
      %eq3A_313 = arith.cmpi eq, %select_n3A_311, %eq3A_312 : i32
      %convert_element_type3A = arith.extui %eq3A_313 : i1 to i32
      %cond3A = arith.constant 0 : i32
      %cond3A_314 = arith.cmpi ne, %convert_element_type3A, %cond3A : i32
      scf.if %cond3A_314 {
        %jit3A_366 = arith.constant 4 : i32
        %div3A = arith.divsi %mul3A_283, %jit3A_366 : i32
        %sign3A = arith.constant 0 : i32
        %sign3A_367 = arith.cmpi sgt, %mul3A_283, %sign3A : i32
        %sign3A_368 = arith.extui %sign3A_367 : i1 to i32
        %sign3A_369 = arith.constant 0 : i32
        %sign3A_370 = arith.cmpi slt, %mul3A_283, %sign3A_369 : i32
        %sign3A_371 = arith.extui %sign3A_370 : i1 to i32
        %sign3A_372 = arith.subi %sign3A_368, %sign3A_371 : i32
        %sign3A_373 = arith.constant 0 : i32
        %sign3A_374 = arith.cmpi sgt, %jit3A_366, %sign3A_373 : i32
        %sign3A_375 = arith.extui %sign3A_374 : i1 to i32
        %sign3A_376 = arith.constant 0 : i32
        %sign3A_377 = arith.cmpi slt, %jit3A_366, %sign3A_376 : i32
        %sign3A_378 = arith.extui %sign3A_377 : i1 to i32
        %sign3A_379 = arith.subi %sign3A_375, %sign3A_378 : i32
        %ne3A_380 = arith.cmpi ne, %sign3A_372, %sign3A_379 : i32
        %rem3A_381 = arith.remsi %mul3A_283, %jit3A_366 : i32
        %ne3A_382 = arith.constant 0 : i32
        %ne3A_383 = arith.cmpi ne, %rem3A_381, %ne3A_382 : i32
        %and3A_384 = arith.andi %ne3A_380, %ne3A_383 : i1
        %sub3A = arith.constant 1 : i32
        %sub3A_385 = arith.subi %div3A, %sub3A : i32
        %select_n3A_386 = arith.select %and3A_384, %sub3A_385, %div3A : i32
        "tpu.region"() ({
          %run_scoped3A = tpu.sem_alloc : memref<!tpu.dma_semaphore, #tpu.memory_space<semaphore_mem>>
          %dma_start3A_645 = arith.constant 0 : i32
          %dma_start3A_646 = tpu.memref_slice %arg3[%select_n3A_386, %add3A, %dma_start3A_645] : memref<3x32x1024xf32, #tpu.memory_space<hbm>> -> memref<1x1x1024xf32, #tpu.memory_space<hbm>>
          %dma_start3A_647 = tpu.memref_squeeze %dma_start3A_646 : memref<1x1x1024xf32, #tpu.memory_space<hbm>> -> memref<1024xf32, #tpu.memory_space<hbm>>
          %dma_start3A_648 = arith.constant 0 : i32
          %dma_start3A_649 = tpu.memref_slice %arg3[%select_n3A_386, %add3A, %dma_start3A_648] : memref<3x32x1024xf32, #tpu.memory_space<hbm>> -> memref<1x1x1024xf32, #tpu.memory_space<hbm>>
          %dma_start3A_650 = tpu.memref_squeeze %dma_start3A_649 : memref<1x1x1024xf32, #tpu.memory_space<hbm>> -> memref<1024xf32, #tpu.memory_space<hbm>>
          tpu.enqueue_dma source(%arg6 : memref<1024xf32, #tpu.memory_space<vmem>>) target(%dma_start3A_650 : memref<1024xf32, #tpu.memory_space<hbm>>) target_semaphore(%run_scoped3A : memref<!tpu.dma_semaphore, #tpu.memory_space<semaphore_mem>>)
          %dma_wait3A_651 = arith.constant 0 : i32
          %dma_wait3A_652 = tpu.memref_slice %arg3[%select_n3A_386, %add3A, %dma_wait3A_651] : memref<3x32x1024xf32, #tpu.memory_space<hbm>> -> memref<1x1x1024xf32, #tpu.memory_space<hbm>>
          %dma_wait3A_653 = tpu.memref_squeeze %dma_wait3A_652 : memref<1x1x1024xf32, #tpu.memory_space<hbm>> -> memref<1024xf32, #tpu.memory_space<hbm>>
          %dma_wait3A_654 = arith.constant 0 : i32
          %dma_wait3A_655 = tpu.memref_slice %arg3[%select_n3A_386, %add3A, %dma_wait3A_654] : memref<3x32x1024xf32, #tpu.memory_space<hbm>> -> memref<1x1x1024xf32, #tpu.memory_space<hbm>>
          %dma_wait3A_656 = tpu.memref_squeeze %dma_wait3A_655 : memref<1x1x1024xf32, #tpu.memory_space<hbm>> -> memref<1024xf32, #tpu.memory_space<hbm>>
          tpu.wait_dma2 semaphore(%run_scoped3A : memref<!tpu.dma_semaphore, #tpu.memory_space<semaphore_mem>>) src(%arg6 : memref<1024xf32, #tpu.memory_space<vmem>>) dst(%dma_wait3A_656 : memref<1024xf32, #tpu.memory_space<hbm>>)
          tpu.yield
        }) : () -> ()
        %broadcast_in_dim3A_387 = arith.constant 0.000000e+00 : f32
        %broadcast_in_dim3A_388 = vector.broadcast %broadcast_in_dim3A_387 : f32 to vector<16xf32>
        %swap3A_389 = arith.constant 0 : index
        %swap3A_390 = tpu.vector_load %arg6[%swap3A_389] {strides = array<i32>} : memref<1024xf32, #tpu.memory_space<vmem>>, vector<16xf32>,
        %swap3A_391 = vector.shape_cast %swap3A_390 : vector<16xf32> to vector<16xf32>
        %swap3A_392 = vector.shape_cast %broadcast_in_dim3A_388 : vector<16xf32> to vector<16xf32>
        tpu.vector_store %arg6[%swap3A_389], %swap3A_392 {strides = array<i32>} : memref<1024xf32, #tpu.memory_space<vmem>>, vector<16xf32>,
        %swap3A_393 = arith.constant 16 : index
        %swap3A_394 = tpu.vector_load %arg6[%swap3A_393] {strides = array<i32>} : memref<1024xf32, #tpu.memory_space<vmem>>, vector<16xf32>,
        %swap3A_395 = vector.shape_cast %swap3A_394 : vector<16xf32> to vector<16xf32>
        %swap3A_396 = vector.shape_cast %broadcast_in_dim3A_388 : vector<16xf32> to vector<16xf32>
        tpu.vector_store %arg6[%swap3A_393], %swap3A_396 {strides = array<i32>} : memref<1024xf32, #tpu.memory_space<vmem>>, vector<16xf32>,
        %swap3A_397 = arith.constant 32 : index
        %swap3A_398 = tpu.vector_load %arg6[%swap3A_397] {strides = array<i32>} : memref<1024xf32, #tpu.memory_space<vmem>>, vector<16xf32>,
        %swap3A_399 = vector.shape_cast %swap3A_398 : vector<16xf32> to vector<16xf32>
        %swap3A_400 = vector.shape_cast %broadcast_in_dim3A_388 : vector<16xf32> to vector<16xf32>
        tpu.vector_store %arg6[%swap3A_397], %swap3A_400 {strides = array<i32>} : memref<1024xf32, #tpu.memory_space<vmem>>, vector<16xf32>,
        %swap3A_401 = arith.constant 48 : index
        %swap3A_402 = tpu.vector_load %arg6[%swap3A_401] {strides = array<i32>} : memref<1024xf32, #tpu.memory_space<vmem>>, vector<16xf32>,
        %swap3A_403 = vector.shape_cast %swap3A_402 : vector<16xf32> to vector<16xf32>
        %swap3A_404 = vector.shape_cast %broadcast_in_dim3A_388 : vector<16xf32> to vector<16xf32>
        tpu.vector_store %arg6[%swap3A_401], %swap3A_404 {strides = array<i32>} : memref<1024xf32, #tpu.memory_space<vmem>>, vector<16xf32>,
        %swap3A_405 = arith.constant 64 : index
        %swap3A_406 = tpu.vector_load %arg6[%swap3A_405] {strides = array<i32>} : memref<1024xf32, #tpu.memory_space<vmem>>, vector<16xf32>,
        %swap3A_407 = vector.shape_cast %swap3A_406 : vector<16xf32> to vector<16xf32>
        %swap3A_408 = vector.shape_cast %broadcast_in_dim3A_388 : vector<16xf32> to vector<16xf32>
        tpu.vector_store %arg6[%swap3A_405], %swap3A_408 {strides = array<i32>} : memref<1024xf32, #tpu.memory_space<vmem>>, vector<16xf32>,
        %swap3A_409 = arith.constant 80 : index
        %swap3A_410 = tpu.vector_load %arg6[%swap3A_409] {strides = array<i32>} : memref<1024xf32, #tpu.memory_space<vmem>>, vector<16xf32>,
        %swap3A_411 = vector.shape_cast %swap3A_410 : vector<16xf32> to vector<16xf32>
        %swap3A_412 = vector.shape_cast %broadcast_in_dim3A_388 : vector<16xf32> to vector<16xf32>
        tpu.vector_store %arg6[%swap3A_409], %swap3A_412 {strides = array<i32>} : memref<1024xf32, #tpu.memory_space<vmem>>, vector<16xf32>,
        %swap3A_413 = arith.constant 96 : index
        %swap3A_414 = tpu.vector_load %arg6[%swap3A_413] {strides = array<i32>} : memref<1024xf32, #tpu.memory_space<vmem>>, vector<16xf32>,
        %swap3A_415 = vector.shape_cast %swap3A_414 : vector<16xf32> to vector<16xf32>
        %swap3A_416 = vector.shape_cast %broadcast_in_dim3A_388 : vector<16xf32> to vector<16xf32>
        tpu.vector_store %arg6[%swap3A_413], %swap3A_416 {strides = array<i32>} : memref<1024xf32, #tpu.memory_space<vmem>>, vector<16xf32>,
        %swap3A_417 = arith.constant 112 : index
        %swap3A_418 = tpu.vector_load %arg6[%swap3A_417] {strides = array<i32>} : memref<1024xf32, #tpu.memory_space<vmem>>, vector<16xf32>,
        %swap3A_419 = vector.shape_cast %swap3A_418 : vector<16xf32> to vector<16xf32>
        %swap3A_420 = vector.shape_cast %broadcast_in_dim3A_388 : vector<16xf32> to vector<16xf32>
        tpu.vector_store %arg6[%swap3A_417], %swap3A_420 {strides = array<i32>} : memref<1024xf32, #tpu.memory_space<vmem>>, vector<16xf32>,
        %swap3A_421 = arith.constant 128 : index
        %swap3A_422 = tpu.vector_load %arg6[%swap3A_421] {strides = array<i32>} : memref<1024xf32, #tpu.memory_space<vmem>>, vector<16xf32>,
        %swap3A_423 = vector.shape_cast %swap3A_422 : vector<16xf32> to vector<16xf32>
        %swap3A_424 = vector.shape_cast %broadcast_in_dim3A_388 : vector<16xf32> to vector<16xf32>
        tpu.vector_store %arg6[%swap3A_421], %swap3A_424 {strides = array<i32>} : memref<1024xf32, #tpu.memory_space<vmem>>, vector<16xf32>,
        %swap3A_425 = arith.constant 144 : index
        %swap3A_426 = tpu.vector_load %arg6[%swap3A_425] {strides = array<i32>} : memref<1024xf32, #tpu.memory_space<vmem>>, vector<16xf32>,
        %swap3A_427 = vector.shape_cast %swap3A_426 : vector<16xf32> to vector<16xf32>
        %swap3A_428 = vector.shape_cast %broadcast_in_dim3A_388 : vector<16xf32> to vector<16xf32>
        tpu.vector_store %arg6[%swap3A_425], %swap3A_428 {strides = array<i32>} : memref<1024xf32, #tpu.memory_space<vmem>>, vector<16xf32>,
        %swap3A_429 = arith.constant 160 : index
        %swap3A_430 = tpu.vector_load %arg6[%swap3A_429] {strides = array<i32>} : memref<1024xf32, #tpu.memory_space<vmem>>, vector<16xf32>,
        %swap3A_431 = vector.shape_cast %swap3A_430 : vector<16xf32> to vector<16xf32>
        %swap3A_432 = vector.shape_cast %broadcast_in_dim3A_388 : vector<16xf32> to vector<16xf32>
        tpu.vector_store %arg6[%swap3A_429], %swap3A_432 {strides = array<i32>} : memref<1024xf32, #tpu.memory_space<vmem>>, vector<16xf32>,
        %swap3A_433 = arith.constant 176 : index
        %swap3A_434 = tpu.vector_load %arg6[%swap3A_433] {strides = array<i32>} : memref<1024xf32, #tpu.memory_space<vmem>>, vector<16xf32>,
        %swap3A_435 = vector.shape_cast %swap3A_434 : vector<16xf32> to vector<16xf32>
        %swap3A_436 = vector.shape_cast %broadcast_in_dim3A_388 : vector<16xf32> to vector<16xf32>
        tpu.vector_store %arg6[%swap3A_433], %swap3A_436 {strides = array<i32>} : memref<1024xf32, #tpu.memory_space<vmem>>, vector<16xf32>,
        %swap3A_437 = arith.constant 192 : index
        %swap3A_438 = tpu.vector_load %arg6[%swap3A_437] {strides = array<i32>} : memref<1024xf32, #tpu.memory_space<vmem>>, vector<16xf32>,
        %swap3A_439 = vector.shape_cast %swap3A_438 : vector<16xf32> to vector<16xf32>
        %swap3A_440 = vector.shape_cast %broadcast_in_dim3A_388 : vector<16xf32> to vector<16xf32>
        tpu.vector_store %arg6[%swap3A_437], %swap3A_440 {strides = array<i32>} : memref<1024xf32, #tpu.memory_space<vmem>>, vector<16xf32>,
        %swap3A_441 = arith.constant 208 : index
        %swap3A_442 = tpu.vector_load %arg6[%swap3A_441] {strides = array<i32>} : memref<1024xf32, #tpu.memory_space<vmem>>, vector<16xf32>,
        %swap3A_443 = vector.shape_cast %swap3A_442 : vector<16xf32> to vector<16xf32>
        %swap3A_444 = vector.shape_cast %broadcast_in_dim3A_388 : vector<16xf32> to vector<16xf32>
        tpu.vector_store %arg6[%swap3A_441], %swap3A_444 {strides = array<i32>} : memref<1024xf32, #tpu.memory_space<vmem>>, vector<16xf32>,
        %swap3A_445 = arith.constant 224 : index
        %swap3A_446 = tpu.vector_load %arg6[%swap3A_445] {strides = array<i32>} : memref<1024xf32, #tpu.memory_space<vmem>>, vector<16xf32>,
        %swap3A_447 = vector.shape_cast %swap3A_446 : vector<16xf32> to vector<16xf32>
        %swap3A_448 = vector.shape_cast %broadcast_in_dim3A_388 : vector<16xf32> to vector<16xf32>
        tpu.vector_store %arg6[%swap3A_445], %swap3A_448 {strides = array<i32>} : memref<1024xf32, #tpu.memory_space<vmem>>, vector<16xf32>,
        %swap3A_449 = arith.constant 240 : index
        %swap3A_450 = tpu.vector_load %arg6[%swap3A_449] {strides = array<i32>} : memref<1024xf32, #tpu.memory_space<vmem>>, vector<16xf32>,
        %swap3A_451 = vector.shape_cast %swap3A_450 : vector<16xf32> to vector<16xf32>
        %swap3A_452 = vector.shape_cast %broadcast_in_dim3A_388 : vector<16xf32> to vector<16xf32>
        tpu.vector_store %arg6[%swap3A_449], %swap3A_452 {strides = array<i32>} : memref<1024xf32, #tpu.memory_space<vmem>>, vector<16xf32>,
        %swap3A_453 = arith.constant 256 : index
        %swap3A_454 = tpu.vector_load %arg6[%swap3A_453] {strides = array<i32>} : memref<1024xf32, #tpu.memory_space<vmem>>, vector<16xf32>,
        %swap3A_455 = vector.shape_cast %swap3A_454 : vector<16xf32> to vector<16xf32>
        %swap3A_456 = vector.shape_cast %broadcast_in_dim3A_388 : vector<16xf32> to vector<16xf32>
        tpu.vector_store %arg6[%swap3A_453], %swap3A_456 {strides = array<i32>} : memref<1024xf32, #tpu.memory_space<vmem>>, vector<16xf32>,
        %swap3A_457 = arith.constant 272 : index
        %swap3A_458 = tpu.vector_load %arg6[%swap3A_457] {strides = array<i32>} : memref<1024xf32, #tpu.memory_space<vmem>>, vector<16xf32>,
        %swap3A_459 = vector.shape_cast %swap3A_458 : vector<16xf32> to vector<16xf32>
        %swap3A_460 = vector.shape_cast %broadcast_in_dim3A_388 : vector<16xf32> to vector<16xf32>
        tpu.vector_store %arg6[%swap3A_457], %swap3A_460 {strides = array<i32>} : memref<1024xf32, #tpu.memory_space<vmem>>, vector<16xf32>,
        %swap3A_461 = arith.constant 288 : index
        %swap3A_462 = tpu.vector_load %arg6[%swap3A_461] {strides = array<i32>} : memref<1024xf32, #tpu.memory_space<vmem>>, vector<16xf32>,
        %swap3A_463 = vector.shape_cast %swap3A_462 : vector<16xf32> to vector<16xf32>
        %swap3A_464 = vector.shape_cast %broadcast_in_dim3A_388 : vector<16xf32> to vector<16xf32>
        tpu.vector_store %arg6[%swap3A_461], %swap3A_464 {strides = array<i32>} : memref<1024xf32, #tpu.memory_space<vmem>>, vector<16xf32>,
        %swap3A_465 = arith.constant 304 : index
        %swap3A_466 = tpu.vector_load %arg6[%swap3A_465] {strides = array<i32>} : memref<1024xf32, #tpu.memory_space<vmem>>, vector<16xf32>,
        %swap3A_467 = vector.shape_cast %swap3A_466 : vector<16xf32> to vector<16xf32>
        %swap3A_468 = vector.shape_cast %broadcast_in_dim3A_388 : vector<16xf32> to vector<16xf32>
        tpu.vector_store %arg6[%swap3A_465], %swap3A_468 {strides = array<i32>} : memref<1024xf32, #tpu.memory_space<vmem>>, vector<16xf32>,
        %swap3A_469 = arith.constant 320 : index
        %swap3A_470 = tpu.vector_load %arg6[%swap3A_469] {strides = array<i32>} : memref<1024xf32, #tpu.memory_space<vmem>>, vector<16xf32>,
        %swap3A_471 = vector.shape_cast %swap3A_470 : vector<16xf32> to vector<16xf32>
        %swap3A_472 = vector.shape_cast %broadcast_in_dim3A_388 : vector<16xf32> to vector<16xf32>
        tpu.vector_store %arg6[%swap3A_469], %swap3A_472 {strides = array<i32>} : memref<1024xf32, #tpu.memory_space<vmem>>, vector<16xf32>,
        %swap3A_473 = arith.constant 336 : index
        %swap3A_474 = tpu.vector_load %arg6[%swap3A_473] {strides = array<i32>} : memref<1024xf32, #tpu.memory_space<vmem>>, vector<16xf32>,
        %swap3A_475 = vector.shape_cast %swap3A_474 : vector<16xf32> to vector<16xf32>
        %swap3A_476 = vector.shape_cast %broadcast_in_dim3A_388 : vector<16xf32> to vector<16xf32>
        tpu.vector_store %arg6[%swap3A_473], %swap3A_476 {strides = array<i32>} : memref<1024xf32, #tpu.memory_space<vmem>>, vector<16xf32>,
        %swap3A_477 = arith.constant 352 : index
        %swap3A_478 = tpu.vector_load %arg6[%swap3A_477] {strides = array<i32>} : memref<1024xf32, #tpu.memory_space<vmem>>, vector<16xf32>,
        %swap3A_479 = vector.shape_cast %swap3A_478 : vector<16xf32> to vector<16xf32>
        %swap3A_480 = vector.shape_cast %broadcast_in_dim3A_388 : vector<16xf32> to vector<16xf32>
        tpu.vector_store %arg6[%swap3A_477], %swap3A_480 {strides = array<i32>} : memref<1024xf32, #tpu.memory_space<vmem>>, vector<16xf32>,
        %swap3A_481 = arith.constant 368 : index
        %swap3A_482 = tpu.vector_load %arg6[%swap3A_481] {strides = array<i32>} : memref<1024xf32, #tpu.memory_space<vmem>>, vector<16xf32>,
        %swap3A_483 = vector.shape_cast %swap3A_482 : vector<16xf32> to vector<16xf32>
        %swap3A_484 = vector.shape_cast %broadcast_in_dim3A_388 : vector<16xf32> to vector<16xf32>
        tpu.vector_store %arg6[%swap3A_481], %swap3A_484 {strides = array<i32>} : memref<1024xf32, #tpu.memory_space<vmem>>, vector<16xf32>,
        %swap3A_485 = arith.constant 384 : index
        %swap3A_486 = tpu.vector_load %arg6[%swap3A_485] {strides = array<i32>} : memref<1024xf32, #tpu.memory_space<vmem>>, vector<16xf32>,
        %swap3A_487 = vector.shape_cast %swap3A_486 : vector<16xf32> to vector<16xf32>
        %swap3A_488 = vector.shape_cast %broadcast_in_dim3A_388 : vector<16xf32> to vector<16xf32>
        tpu.vector_store %arg6[%swap3A_485], %swap3A_488 {strides = array<i32>} : memref<1024xf32, #tpu.memory_space<vmem>>, vector<16xf32>,
        %swap3A_489 = arith.constant 400 : index
        %swap3A_490 = tpu.vector_load %arg6[%swap3A_489] {strides = array<i32>} : memref<1024xf32, #tpu.memory_space<vmem>>, vector<16xf32>,
        %swap3A_491 = vector.shape_cast %swap3A_490 : vector<16xf32> to vector<16xf32>
        %swap3A_492 = vector.shape_cast %broadcast_in_dim3A_388 : vector<16xf32> to vector<16xf32>
        tpu.vector_store %arg6[%swap3A_489], %swap3A_492 {strides = array<i32>} : memref<1024xf32, #tpu.memory_space<vmem>>, vector<16xf32>,
        %swap3A_493 = arith.constant 416 : index
        %swap3A_494 = tpu.vector_load %arg6[%swap3A_493] {strides = array<i32>} : memref<1024xf32, #tpu.memory_space<vmem>>, vector<16xf32>,
        %swap3A_495 = vector.shape_cast %swap3A_494 : vector<16xf32> to vector<16xf32>
        %swap3A_496 = vector.shape_cast %broadcast_in_dim3A_388 : vector<16xf32> to vector<16xf32>
        tpu.vector_store %arg6[%swap3A_493], %swap3A_496 {strides = array<i32>} : memref<1024xf32, #tpu.memory_space<vmem>>, vector<16xf32>,
        %swap3A_497 = arith.constant 432 : index
        %swap3A_498 = tpu.vector_load %arg6[%swap3A_497] {strides = array<i32>} : memref<1024xf32, #tpu.memory_space<vmem>>, vector<16xf32>,
        %swap3A_499 = vector.shape_cast %swap3A_498 : vector<16xf32> to vector<16xf32>
        %swap3A_500 = vector.shape_cast %broadcast_in_dim3A_388 : vector<16xf32> to vector<16xf32>
        tpu.vector_store %arg6[%swap3A_497], %swap3A_500 {strides = array<i32>} : memref<1024xf32, #tpu.memory_space<vmem>>, vector<16xf32>,
        %swap3A_501 = arith.constant 448 : index
        %swap3A_502 = tpu.vector_load %arg6[%swap3A_501] {strides = array<i32>} : memref<1024xf32, #tpu.memory_space<vmem>>, vector<16xf32>,
        %swap3A_503 = vector.shape_cast %swap3A_502 : vector<16xf32> to vector<16xf32>
        %swap3A_504 = vector.shape_cast %broadcast_in_dim3A_388 : vector<16xf32> to vector<16xf32>
        tpu.vector_store %arg6[%swap3A_501], %swap3A_504 {strides = array<i32>} : memref<1024xf32, #tpu.memory_space<vmem>>, vector<16xf32>,
        %swap3A_505 = arith.constant 464 : index
        %swap3A_506 = tpu.vector_load %arg6[%swap3A_505] {strides = array<i32>} : memref<1024xf32, #tpu.memory_space<vmem>>, vector<16xf32>,
        %swap3A_507 = vector.shape_cast %swap3A_506 : vector<16xf32> to vector<16xf32>
        %swap3A_508 = vector.shape_cast %broadcast_in_dim3A_388 : vector<16xf32> to vector<16xf32>
        tpu.vector_store %arg6[%swap3A_505], %swap3A_508 {strides = array<i32>} : memref<1024xf32, #tpu.memory_space<vmem>>, vector<16xf32>,
        %swap3A_509 = arith.constant 480 : index
        %swap3A_510 = tpu.vector_load %arg6[%swap3A_509] {strides = array<i32>} : memref<1024xf32, #tpu.memory_space<vmem>>, vector<16xf32>,
        %swap3A_511 = vector.shape_cast %swap3A_510 : vector<16xf32> to vector<16xf32>
        %swap3A_512 = vector.shape_cast %broadcast_in_dim3A_388 : vector<16xf32> to vector<16xf32>
        tpu.vector_store %arg6[%swap3A_509], %swap3A_512 {strides = array<i32>} : memref<1024xf32, #tpu.memory_space<vmem>>, vector<16xf32>,
        %swap3A_513 = arith.constant 496 : index
        %swap3A_514 = tpu.vector_load %arg6[%swap3A_513] {strides = array<i32>} : memref<1024xf32, #tpu.memory_space<vmem>>, vector<16xf32>,
        %swap3A_515 = vector.shape_cast %swap3A_514 : vector<16xf32> to vector<16xf32>
        %swap3A_516 = vector.shape_cast %broadcast_in_dim3A_388 : vector<16xf32> to vector<16xf32>
        tpu.vector_store %arg6[%swap3A_513], %swap3A_516 {strides = array<i32>} : memref<1024xf32, #tpu.memory_space<vmem>>, vector<16xf32>,
        %swap3A_517 = arith.constant 512 : index
        %swap3A_518 = tpu.vector_load %arg6[%swap3A_517] {strides = array<i32>} : memref<1024xf32, #tpu.memory_space<vmem>>, vector<16xf32>,
        %swap3A_519 = vector.shape_cast %swap3A_518 : vector<16xf32> to vector<16xf32>
        %swap3A_520 = vector.shape_cast %broadcast_in_dim3A_388 : vector<16xf32> to vector<16xf32>
        tpu.vector_store %arg6[%swap3A_517], %swap3A_520 {strides = array<i32>} : memref<1024xf32, #tpu.memory_space<vmem>>, vector<16xf32>,
        %swap3A_521 = arith.constant 528 : index
        %swap3A_522 = tpu.vector_load %arg6[%swap3A_521] {strides = array<i32>} : memref<1024xf32, #tpu.memory_space<vmem>>, vector<16xf32>,
        %swap3A_523 = vector.shape_cast %swap3A_522 : vector<16xf32> to vector<16xf32>
        %swap3A_524 = vector.shape_cast %broadcast_in_dim3A_388 : vector<16xf32> to vector<16xf32>
        tpu.vector_store %arg6[%swap3A_521], %swap3A_524 {strides = array<i32>} : memref<1024xf32, #tpu.memory_space<vmem>>, vector<16xf32>,
        %swap3A_525 = arith.constant 544 : index
        %swap3A_526 = tpu.vector_load %arg6[%swap3A_525] {strides = array<i32>} : memref<1024xf32, #tpu.memory_space<vmem>>, vector<16xf32>,
        %swap3A_527 = vector.shape_cast %swap3A_526 : vector<16xf32> to vector<16xf32>
        %swap3A_528 = vector.shape_cast %broadcast_in_dim3A_388 : vector<16xf32> to vector<16xf32>
        tpu.vector_store %arg6[%swap3A_525], %swap3A_528 {strides = array<i32>} : memref<1024xf32, #tpu.memory_space<vmem>>, vector<16xf32>,
        %swap3A_529 = arith.constant 560 : index
        %swap3A_530 = tpu.vector_load %arg6[%swap3A_529] {strides = array<i32>} : memref<1024xf32, #tpu.memory_space<vmem>>, vector<16xf32>,
        %swap3A_531 = vector.shape_cast %swap3A_530 : vector<16xf32> to vector<16xf32>
        %swap3A_532 = vector.shape_cast %broadcast_in_dim3A_388 : vector<16xf32> to vector<16xf32>
        tpu.vector_store %arg6[%swap3A_529], %swap3A_532 {strides = array<i32>} : memref<1024xf32, #tpu.memory_space<vmem>>, vector<16xf32>,
        %swap3A_533 = arith.constant 576 : index
        %swap3A_534 = tpu.vector_load %arg6[%swap3A_533] {strides = array<i32>} : memref<1024xf32, #tpu.memory_space<vmem>>, vector<16xf32>,
        %swap3A_535 = vector.shape_cast %swap3A_534 : vector<16xf32> to vector<16xf32>
        %swap3A_536 = vector.shape_cast %broadcast_in_dim3A_388 : vector<16xf32> to vector<16xf32>
        tpu.vector_store %arg6[%swap3A_533], %swap3A_536 {strides = array<i32>} : memref<1024xf32, #tpu.memory_space<vmem>>, vector<16xf32>,
        %swap3A_537 = arith.constant 592 : index
        %swap3A_538 = tpu.vector_load %arg6[%swap3A_537] {strides = array<i32>} : memref<1024xf32, #tpu.memory_space<vmem>>, vector<16xf32>,
        %swap3A_539 = vector.shape_cast %swap3A_538 : vector<16xf32> to vector<16xf32>
        %swap3A_540 = vector.shape_cast %broadcast_in_dim3A_388 : vector<16xf32> to vector<16xf32>
        tpu.vector_store %arg6[%swap3A_537], %swap3A_540 {strides = array<i32>} : memref<1024xf32, #tpu.memory_space<vmem>>, vector<16xf32>,
        %swap3A_541 = arith.constant 608 : index
        %swap3A_542 = tpu.vector_load %arg6[%swap3A_541] {strides = array<i32>} : memref<1024xf32, #tpu.memory_space<vmem>>, vector<16xf32>,
        %swap3A_543 = vector.shape_cast %swap3A_542 : vector<16xf32> to vector<16xf32>
        %swap3A_544 = vector.shape_cast %broadcast_in_dim3A_388 : vector<16xf32> to vector<16xf32>
        tpu.vector_store %arg6[%swap3A_541], %swap3A_544 {strides = array<i32>} : memref<1024xf32, #tpu.memory_space<vmem>>, vector<16xf32>,
        %swap3A_545 = arith.constant 624 : index
        %swap3A_546 = tpu.vector_load %arg6[%swap3A_545] {strides = array<i32>} : memref<1024xf32, #tpu.memory_space<vmem>>, vector<16xf32>,
        %swap3A_547 = vector.shape_cast %swap3A_546 : vector<16xf32> to vector<16xf32>
        %swap3A_548 = vector.shape_cast %broadcast_in_dim3A_388 : vector<16xf32> to vector<16xf32>
        tpu.vector_store %arg6[%swap3A_545], %swap3A_548 {strides = array<i32>} : memref<1024xf32, #tpu.memory_space<vmem>>, vector<16xf32>,
        %swap3A_549 = arith.constant 640 : index
        %swap3A_550 = tpu.vector_load %arg6[%swap3A_549] {strides = array<i32>} : memref<1024xf32, #tpu.memory_space<vmem>>, vector<16xf32>,
        %swap3A_551 = vector.shape_cast %swap3A_550 : vector<16xf32> to vector<16xf32>
        %swap3A_552 = vector.shape_cast %broadcast_in_dim3A_388 : vector<16xf32> to vector<16xf32>
        tpu.vector_store %arg6[%swap3A_549], %swap3A_552 {strides = array<i32>} : memref<1024xf32, #tpu.memory_space<vmem>>, vector<16xf32>,
        %swap3A_553 = arith.constant 656 : index
        %swap3A_554 = tpu.vector_load %arg6[%swap3A_553] {strides = array<i32>} : memref<1024xf32, #tpu.memory_space<vmem>>, vector<16xf32>,
        %swap3A_555 = vector.shape_cast %swap3A_554 : vector<16xf32> to vector<16xf32>
        %swap3A_556 = vector.shape_cast %broadcast_in_dim3A_388 : vector<16xf32> to vector<16xf32>
        tpu.vector_store %arg6[%swap3A_553], %swap3A_556 {strides = array<i32>} : memref<1024xf32, #tpu.memory_space<vmem>>, vector<16xf32>,
        %swap3A_557 = arith.constant 672 : index
        %swap3A_558 = tpu.vector_load %arg6[%swap3A_557] {strides = array<i32>} : memref<1024xf32, #tpu.memory_space<vmem>>, vector<16xf32>,
        %swap3A_559 = vector.shape_cast %swap3A_558 : vector<16xf32> to vector<16xf32>
        %swap3A_560 = vector.shape_cast %broadcast_in_dim3A_388 : vector<16xf32> to vector<16xf32>
        tpu.vector_store %arg6[%swap3A_557], %swap3A_560 {strides = array<i32>} : memref<1024xf32, #tpu.memory_space<vmem>>, vector<16xf32>,
        %swap3A_561 = arith.constant 688 : index
        %swap3A_562 = tpu.vector_load %arg6[%swap3A_561] {strides = array<i32>} : memref<1024xf32, #tpu.memory_space<vmem>>, vector<16xf32>,
        %swap3A_563 = vector.shape_cast %swap3A_562 : vector<16xf32> to vector<16xf32>
        %swap3A_564 = vector.shape_cast %broadcast_in_dim3A_388 : vector<16xf32> to vector<16xf32>
        tpu.vector_store %arg6[%swap3A_561], %swap3A_564 {strides = array<i32>} : memref<1024xf32, #tpu.memory_space<vmem>>, vector<16xf32>,
        %swap3A_565 = arith.constant 704 : index
        %swap3A_566 = tpu.vector_load %arg6[%swap3A_565] {strides = array<i32>} : memref<1024xf32, #tpu.memory_space<vmem>>, vector<16xf32>,
        %swap3A_567 = vector.shape_cast %swap3A_566 : vector<16xf32> to vector<16xf32>
        %swap3A_568 = vector.shape_cast %broadcast_in_dim3A_388 : vector<16xf32> to vector<16xf32>
        tpu.vector_store %arg6[%swap3A_565], %swap3A_568 {strides = array<i32>} : memref<1024xf32, #tpu.memory_space<vmem>>, vector<16xf32>,
        %swap3A_569 = arith.constant 720 : index
        %swap3A_570 = tpu.vector_load %arg6[%swap3A_569] {strides = array<i32>} : memref<1024xf32, #tpu.memory_space<vmem>>, vector<16xf32>,
        %swap3A_571 = vector.shape_cast %swap3A_570 : vector<16xf32> to vector<16xf32>
        %swap3A_572 = vector.shape_cast %broadcast_in_dim3A_388 : vector<16xf32> to vector<16xf32>
        tpu.vector_store %arg6[%swap3A_569], %swap3A_572 {strides = array<i32>} : memref<1024xf32, #tpu.memory_space<vmem>>, vector<16xf32>,
        %swap3A_573 = arith.constant 736 : index
        %swap3A_574 = tpu.vector_load %arg6[%swap3A_573] {strides = array<i32>} : memref<1024xf32, #tpu.memory_space<vmem>>, vector<16xf32>,
        %swap3A_575 = vector.shape_cast %swap3A_574 : vector<16xf32> to vector<16xf32>
        %swap3A_576 = vector.shape_cast %broadcast_in_dim3A_388 : vector<16xf32> to vector<16xf32>
        tpu.vector_store %arg6[%swap3A_573], %swap3A_576 {strides = array<i32>} : memref<1024xf32, #tpu.memory_space<vmem>>, vector<16xf32>,
        %swap3A_577 = arith.constant 752 : index
        %swap3A_578 = tpu.vector_load %arg6[%swap3A_577] {strides = array<i32>} : memref<1024xf32, #tpu.memory_space<vmem>>, vector<16xf32>,
        %swap3A_579 = vector.shape_cast %swap3A_578 : vector<16xf32> to vector<16xf32>
        %swap3A_580 = vector.shape_cast %broadcast_in_dim3A_388 : vector<16xf32> to vector<16xf32>
        tpu.vector_store %arg6[%swap3A_577], %swap3A_580 {strides = array<i32>} : memref<1024xf32, #tpu.memory_space<vmem>>, vector<16xf32>,
        %swap3A_581 = arith.constant 768 : index
        %swap3A_582 = tpu.vector_load %arg6[%swap3A_581] {strides = array<i32>} : memref<1024xf32, #tpu.memory_space<vmem>>, vector<16xf32>,
        %swap3A_583 = vector.shape_cast %swap3A_582 : vector<16xf32> to vector<16xf32>
        %swap3A_584 = vector.shape_cast %broadcast_in_dim3A_388 : vector<16xf32> to vector<16xf32>
        tpu.vector_store %arg6[%swap3A_581], %swap3A_584 {strides = array<i32>} : memref<1024xf32, #tpu.memory_space<vmem>>, vector<16xf32>,
        %swap3A_585 = arith.constant 784 : index
        %swap3A_586 = tpu.vector_load %arg6[%swap3A_585] {strides = array<i32>} : memref<1024xf32, #tpu.memory_space<vmem>>, vector<16xf32>,
        %swap3A_587 = vector.shape_cast %swap3A_586 : vector<16xf32> to vector<16xf32>
        %swap3A_588 = vector.shape_cast %broadcast_in_dim3A_388 : vector<16xf32> to vector<16xf32>
        tpu.vector_store %arg6[%swap3A_585], %swap3A_588 {strides = array<i32>} : memref<1024xf32, #tpu.memory_space<vmem>>, vector<16xf32>,
        %swap3A_589 = arith.constant 800 : index
        %swap3A_590 = tpu.vector_load %arg6[%swap3A_589] {strides = array<i32>} : memref<1024xf32, #tpu.memory_space<vmem>>, vector<16xf32>,
        %swap3A_591 = vector.shape_cast %swap3A_590 : vector<16xf32> to vector<16xf32>
        %swap3A_592 = vector.shape_cast %broadcast_in_dim3A_388 : vector<16xf32> to vector<16xf32>
        tpu.vector_store %arg6[%swap3A_589], %swap3A_592 {strides = array<i32>} : memref<1024xf32, #tpu.memory_space<vmem>>, vector<16xf32>,
        %swap3A_593 = arith.constant 816 : index
        %swap3A_594 = tpu.vector_load %arg6[%swap3A_593] {strides = array<i32>} : memref<1024xf32, #tpu.memory_space<vmem>>, vector<16xf32>,
        %swap3A_595 = vector.shape_cast %swap3A_594 : vector<16xf32> to vector<16xf32>
        %swap3A_596 = vector.shape_cast %broadcast_in_dim3A_388 : vector<16xf32> to vector<16xf32>
        tpu.vector_store %arg6[%swap3A_593], %swap3A_596 {strides = array<i32>} : memref<1024xf32, #tpu.memory_space<vmem>>, vector<16xf32>,
        %swap3A_597 = arith.constant 832 : index
        %swap3A_598 = tpu.vector_load %arg6[%swap3A_597] {strides = array<i32>} : memref<1024xf32, #tpu.memory_space<vmem>>, vector<16xf32>,
        %swap3A_599 = vector.shape_cast %swap3A_598 : vector<16xf32> to vector<16xf32>
        %swap3A_600 = vector.shape_cast %broadcast_in_dim3A_388 : vector<16xf32> to vector<16xf32>
        tpu.vector_store %arg6[%swap3A_597], %swap3A_600 {strides = array<i32>} : memref<1024xf32, #tpu.memory_space<vmem>>, vector<16xf32>,
        %swap3A_601 = arith.constant 848 : index
        %swap3A_602 = tpu.vector_load %arg6[%swap3A_601] {strides = array<i32>} : memref<1024xf32, #tpu.memory_space<vmem>>, vector<16xf32>,
        %swap3A_603 = vector.shape_cast %swap3A_602 : vector<16xf32> to vector<16xf32>
        %swap3A_604 = vector.shape_cast %broadcast_in_dim3A_388 : vector<16xf32> to vector<16xf32>
        tpu.vector_store %arg6[%swap3A_601], %swap3A_604 {strides = array<i32>} : memref<1024xf32, #tpu.memory_space<vmem>>, vector<16xf32>,
        %swap3A_605 = arith.constant 864 : index
        %swap3A_606 = tpu.vector_load %arg6[%swap3A_605] {strides = array<i32>} : memref<1024xf32, #tpu.memory_space<vmem>>, vector<16xf32>,
        %swap3A_607 = vector.shape_cast %swap3A_606 : vector<16xf32> to vector<16xf32>
        %swap3A_608 = vector.shape_cast %broadcast_in_dim3A_388 : vector<16xf32> to vector<16xf32>
        tpu.vector_store %arg6[%swap3A_605], %swap3A_608 {strides = array<i32>} : memref<1024xf32, #tpu.memory_space<vmem>>, vector<16xf32>,
        %swap3A_609 = arith.constant 880 : index
        %swap3A_610 = tpu.vector_load %arg6[%swap3A_609] {strides = array<i32>} : memref<1024xf32, #tpu.memory_space<vmem>>, vector<16xf32>,
        %swap3A_611 = vector.shape_cast %swap3A_610 : vector<16xf32> to vector<16xf32>
        %swap3A_612 = vector.shape_cast %broadcast_in_dim3A_388 : vector<16xf32> to vector<16xf32>
        tpu.vector_store %arg6[%swap3A_609], %swap3A_612 {strides = array<i32>} : memref<1024xf32, #tpu.memory_space<vmem>>, vector<16xf32>,
        %swap3A_613 = arith.constant 896 : index
        %swap3A_614 = tpu.vector_load %arg6[%swap3A_613] {strides = array<i32>} : memref<1024xf32, #tpu.memory_space<vmem>>, vector<16xf32>,
        %swap3A_615 = vector.shape_cast %swap3A_614 : vector<16xf32> to vector<16xf32>
        %swap3A_616 = vector.shape_cast %broadcast_in_dim3A_388 : vector<16xf32> to vector<16xf32>
        tpu.vector_store %arg6[%swap3A_613], %swap3A_616 {strides = array<i32>} : memref<1024xf32, #tpu.memory_space<vmem>>, vector<16xf32>,
        %swap3A_617 = arith.constant 912 : index
        %swap3A_618 = tpu.vector_load %arg6[%swap3A_617] {strides = array<i32>} : memref<1024xf32, #tpu.memory_space<vmem>>, vector<16xf32>,
        %swap3A_619 = vector.shape_cast %swap3A_618 : vector<16xf32> to vector<16xf32>
        %swap3A_620 = vector.shape_cast %broadcast_in_dim3A_388 : vector<16xf32> to vector<16xf32>
        tpu.vector_store %arg6[%swap3A_617], %swap3A_620 {strides = array<i32>} : memref<1024xf32, #tpu.memory_space<vmem>>, vector<16xf32>,
        %swap3A_621 = arith.constant 928 : index
        %swap3A_622 = tpu.vector_load %arg6[%swap3A_621] {strides = array<i32>} : memref<1024xf32, #tpu.memory_space<vmem>>, vector<16xf32>,
        %swap3A_623 = vector.shape_cast %swap3A_622 : vector<16xf32> to vector<16xf32>
        %swap3A_624 = vector.shape_cast %broadcast_in_dim3A_388 : vector<16xf32> to vector<16xf32>
        tpu.vector_store %arg6[%swap3A_621], %swap3A_624 {strides = array<i32>} : memref<1024xf32, #tpu.memory_space<vmem>>, vector<16xf32>,
        %swap3A_625 = arith.constant 944 : index
        %swap3A_626 = tpu.vector_load %arg6[%swap3A_625] {strides = array<i32>} : memref<1024xf32, #tpu.memory_space<vmem>>, vector<16xf32>,
        %swap3A_627 = vector.shape_cast %swap3A_626 : vector<16xf32> to vector<16xf32>
        %swap3A_628 = vector.shape_cast %broadcast_in_dim3A_388 : vector<16xf32> to vector<16xf32>
        tpu.vector_store %arg6[%swap3A_625], %swap3A_628 {strides = array<i32>} : memref<1024xf32, #tpu.memory_space<vmem>>, vector<16xf32>,
        %swap3A_629 = arith.constant 960 : index
        %swap3A_630 = tpu.vector_load %arg6[%swap3A_629] {strides = array<i32>} : memref<1024xf32, #tpu.memory_space<vmem>>, vector<16xf32>,
        %swap3A_631 = vector.shape_cast %swap3A_630 : vector<16xf32> to vector<16xf32>
        %swap3A_632 = vector.shape_cast %broadcast_in_dim3A_388 : vector<16xf32> to vector<16xf32>
        tpu.vector_store %arg6[%swap3A_629], %swap3A_632 {strides = array<i32>} : memref<1024xf32, #tpu.memory_space<vmem>>, vector<16xf32>,
        %swap3A_633 = arith.constant 976 : index
        %swap3A_634 = tpu.vector_load %arg6[%swap3A_633] {strides = array<i32>} : memref<1024xf32, #tpu.memory_space<vmem>>, vector<16xf32>,
        %swap3A_635 = vector.shape_cast %swap3A_634 : vector<16xf32> to vector<16xf32>
        %swap3A_636 = vector.shape_cast %broadcast_in_dim3A_388 : vector<16xf32> to vector<16xf32>
        tpu.vector_store %arg6[%swap3A_633], %swap3A_636 {strides = array<i32>} : memref<1024xf32, #tpu.memory_space<vmem>>, vector<16xf32>,
        %swap3A_637 = arith.constant 992 : index
        %swap3A_638 = tpu.vector_load %arg6[%swap3A_637] {strides = array<i32>} : memref<1024xf32, #tpu.memory_space<vmem>>, vector<16xf32>,
        %swap3A_639 = vector.shape_cast %swap3A_638 : vector<16xf32> to vector<16xf32>
        %swap3A_640 = vector.shape_cast %broadcast_in_dim3A_388 : vector<16xf32> to vector<16xf32>
        tpu.vector_store %arg6[%swap3A_637], %swap3A_640 {strides = array<i32>} : memref<1024xf32, #tpu.memory_space<vmem>>, vector<16xf32>,
        %swap3A_641 = arith.constant 1008 : index
        %swap3A_642 = tpu.vector_load %arg6[%swap3A_641] {strides = array<i32>} : memref<1024xf32, #tpu.memory_space<vmem>>, vector<16xf32>,
        %swap3A_643 = vector.shape_cast %swap3A_642 : vector<16xf32> to vector<16xf32>
        %swap3A_644 = vector.shape_cast %broadcast_in_dim3A_388 : vector<16xf32> to vector<16xf32>
        tpu.vector_store %arg6[%swap3A_641], %swap3A_644 {strides = array<i32>} : memref<1024xf32, #tpu.memory_space<vmem>>, vector<16xf32>,
      } else {
      }
      %add3A_315 = arith.constant 2 : i32
      %add3A_316 = arith.addi %mul3A_283, %add3A_315 : i32
      %lt3A_317 = arith.constant 12 : i32
      %lt3A_318 = arith.cmpi slt, %add3A_316, %lt3A_317 : i32
      %convert_element_type3A_319 = arith.extui %lt3A_318 : i1 to i32
      %cond3A_320 = arith.constant 0 : i32
      %cond3A_321 = arith.cmpi ne, %convert_element_type3A_319, %cond3A_320 : i32
      scf.if %cond3A_321 {
        %add3A_366 = arith.constant 2 : i32
        %add3A_367 = arith.addi %mul3A_283, %add3A_366 : i32
        %jit3A_368 = arith.constant 4 : i32
        %div3A = arith.divsi %add3A_367, %jit3A_368 : i32
        %sign3A = arith.constant 0 : i32
        %sign3A_369 = arith.cmpi sgt, %add3A_367, %sign3A : i32
        %sign3A_370 = arith.extui %sign3A_369 : i1 to i32
        %sign3A_371 = arith.constant 0 : i32
        %sign3A_372 = arith.cmpi slt, %add3A_367, %sign3A_371 : i32
        %sign3A_373 = arith.extui %sign3A_372 : i1 to i32
        %sign3A_374 = arith.subi %sign3A_370, %sign3A_373 : i32
        %sign3A_375 = arith.constant 0 : i32
        %sign3A_376 = arith.cmpi sgt, %jit3A_368, %sign3A_375 : i32
        %sign3A_377 = arith.extui %sign3A_376 : i1 to i32
        %sign3A_378 = arith.constant 0 : i32
        %sign3A_379 = arith.cmpi slt, %jit3A_368, %sign3A_378 : i32
        %sign3A_380 = arith.extui %sign3A_379 : i1 to i32
        %sign3A_381 = arith.subi %sign3A_377, %sign3A_380 : i32
        %ne3A_382 = arith.cmpi ne, %sign3A_374, %sign3A_381 : i32
        %rem3A_383 = arith.remsi %add3A_367, %jit3A_368 : i32
        %ne3A_384 = arith.constant 0 : i32
        %ne3A_385 = arith.cmpi ne, %rem3A_383, %ne3A_384 : i32
        %and3A_386 = arith.andi %ne3A_382, %ne3A_385 : i1
        %sub3A = arith.constant 1 : i32
        %sub3A_387 = arith.subi %div3A, %sub3A : i32
        %select_n3A_388 = arith.select %and3A_386, %sub3A_387, %div3A : i32
        %jit3A_389 = arith.constant 4 : i32
        %eq3A_390 = arith.constant 0 : i32
        %eq3A_391 = arith.cmpi eq, %jit3A_389, %eq3A_390 : i32
        %jit3A_392 = arith.constant 1 : i32
        %select_n3A_393 = arith.select %eq3A_391, %jit3A_392, %jit3A_389 : i32
        %rem3A_394 = arith.remsi %add3A_367, %select_n3A_393 : i32
        %ne3A_395 = arith.constant 0 : i32
        %ne3A_396 = arith.cmpi ne, %rem3A_394, %ne3A_395 : i32
        %lt3A_397 = arith.constant 0 : i32
        %lt3A_398 = arith.cmpi slt, %rem3A_394, %lt3A_397 : i32
        %lt3A_399 = arith.constant 0 : i32
        %lt3A_400 = arith.cmpi slt, %select_n3A_393, %lt3A_399 : i32
        %ne3A_401 = arith.xori %lt3A_398, %lt3A_400 : i1
        %and3A_402 = arith.andi %ne3A_401, %ne3A_396 : i1
        %add3A_403 = arith.addi %rem3A_394, %select_n3A_393 : i32
        %select_n3A_404 = arith.select %and3A_402, %add3A_403, %rem3A_394 : i32
        %mul3A_405 = arith.constant 56 : i32
        %mul3A_406 = arith.muli %select_n3A_404, %mul3A_405 : i32
        %dma_start3A_407 = arith.constant 0 : i32
        %dma_start3A_408 = tpu.memref_slice %arg2[%select_n3A_388, %add3A_2, %mul3A_406, %dma_start3A_407] : memref<3x224x224x1024xf32, #tpu.memory_space<hbm>> -> memref<1x1x56x1024xf32, #tpu.memory_space<hbm>>
        %dma_start3A_409 = tpu.memref_squeeze %dma_start3A_408 : memref<1x1x56x1024xf32, #tpu.memory_space<hbm>> -> memref<56x1024xf32, #tpu.memory_space<hbm>>
        %dma_start3A_410 = arith.constant 0 : i32
        %dma_start3A_411 = tpu.memref_slice %arg2[%select_n3A_388, %add3A_2, %mul3A_406, %dma_start3A_410] : memref<3x224x224x1024xf32, #tpu.memory_space<hbm>> -> memref<1x1x56x1024xf32, #tpu.memory_space<hbm>>
        %dma_start3A_412 = tpu.memref_squeeze %dma_start3A_411 : memref<1x1x56x1024xf32, #tpu.memory_space<hbm>> -> memref<56x1024xf32, #tpu.memory_space<hbm>>
        tpu.enqueue_dma source(%dma_start3A_412 : memref<56x1024xf32, #tpu.memory_space<hbm>>) target(%arg4 : memref<56x1024xf32, #tpu.memory_space<vmem>>) target_semaphore(%arg7 : memref<!tpu.dma_semaphore, #tpu.memory_space<semaphore_mem>>)
      } else {
      }
      %dma_wait3A_322 = arith.constant 0 : i32
      %dma_wait3A_323 = arith.constant 0 : i32
      %dma_wait3A_324 = arith.constant 0 : i32
      %dma_wait3A_325 = arith.constant 0 : i32
      %dma_wait3A_326 = tpu.memref_slice %arg2[%dma_wait3A_322, %dma_wait3A_323, %dma_wait3A_324, %dma_wait3A_325] : memref<3x224x224x1024xf32, #tpu.memory_space<hbm>> -> memref<1x1x56x1024xf32, #tpu.memory_space<hbm>>
      %dma_wait3A_327 = tpu.memref_squeeze %dma_wait3A_326 : memref<1x1x56x1024xf32, #tpu.memory_space<hbm>> -> memref<56x1024xf32, #tpu.memory_space<hbm>>
      %dma_wait3A_328 = arith.constant 0 : i32
      %dma_wait3A_329 = arith.constant 0 : i32
      %dma_wait3A_330 = tpu.memref_slice %arg2[%dma_wait3A_322, %dma_wait3A_323, %dma_wait3A_328, %dma_wait3A_329] : memref<3x224x224x1024xf32, #tpu.memory_space<hbm>> -> memref<1x1x56x1024xf32, #tpu.memory_space<hbm>>
      %dma_wait3A_331 = tpu.memref_squeeze %dma_wait3A_330 : memref<1x1x56x1024xf32, #tpu.memory_space<hbm>> -> memref<56x1024xf32, #tpu.memory_space<hbm>>
      tpu.wait_dma2 semaphore(%arg8 : memref<!tpu.dma_semaphore, #tpu.memory_space<semaphore_mem>>) src(%dma_wait3A_331 : memref<56x1024xf32, #tpu.memory_space<hbm>>) dst(%arg5 : memref<56x1024xf32, #tpu.memory_space<vmem>>)
      %scan3A_332 = arith.constant 0 : i32
      %scan3A_333 = arith.constant 0 : i32
      %scan3A_334 = arith.constant 64 : i32
      %scan3A_335 = arith.addi %scan3A_333, %scan3A_334 : i32
      %scan3A_336 = arith.constant 1 : i32
      scf.for %scan3A_366 = %scan3A_333 to %scan3A_335 step %scan3A_336  : i32 {
        %mul3A_367 = arith.constant 16 : i32
        %mul3A_368 = arith.muli %scan3A_366, %mul3A_367 : i32
        %get3A = arith.constant 0 : i32
        %get3A_369 = arith.index_cast %get3A : i32 to index
        %get3A_370 = arith.index_cast %mul3A_368 : i32 to index
        %get3A_371 = tpu.vector_load %arg5[%get3A_369, %get3A_370] {strides = array<i32>} : memref<56x1024xf32, #tpu.memory_space<vmem>>, vector<1x16xf32>,
        %get3A_372 = vector.shape_cast %get3A_371 : vector<1x16xf32> to vector<16xf32>
        %mul3A_373 = arith.constant 16 : i32
        %mul3A_374 = arith.muli %scan3A_366, %mul3A_373 : i32
        %get3A_375 = arith.constant 1 : i32
        %get3A_376 = arith.index_cast %get3A_375 : i32 to index
        %get3A_377 = arith.index_cast %mul3A_374 : i32 to index
        %get3A_378 = tpu.vector_load %arg5[%get3A_376, %get3A_377] {strides = array<i32>} : memref<56x1024xf32, #tpu.memory_space<vmem>>, vector<1x16xf32>,
        %get3A_379 = vector.shape_cast %get3A_378 : vector<1x16xf32> to vector<16xf32>
        %add3A_380 = arith.addf %get3A_372, %get3A_379 : vector<16xf32>
        %mul3A_381 = arith.constant 16 : i32
        %mul3A_382 = arith.muli %scan3A_366, %mul3A_381 : i32
        %get3A_383 = arith.constant 2 : i32
        %get3A_384 = arith.index_cast %get3A_383 : i32 to index
        %get3A_385 = arith.index_cast %mul3A_382 : i32 to index
        %get3A_386 = tpu.vector_load %arg5[%get3A_384, %get3A_385] {strides = array<i32>} : memref<56x1024xf32, #tpu.memory_space<vmem>>, vector<1x16xf32>,
        %get3A_387 = vector.shape_cast %get3A_386 : vector<1x16xf32> to vector<16xf32>
        %add3A_388 = arith.addf %add3A_380, %get3A_387 : vector<16xf32>
        %mul3A_389 = arith.constant 16 : i32
        %mul3A_390 = arith.muli %scan3A_366, %mul3A_389 : i32
        %get3A_391 = arith.constant 3 : i32
        %get3A_392 = arith.index_cast %get3A_391 : i32 to index
        %get3A_393 = arith.index_cast %mul3A_390 : i32 to index
        %get3A_394 = tpu.vector_load %arg5[%get3A_392, %get3A_393] {strides = array<i32>} : memref<56x1024xf32, #tpu.memory_space<vmem>>, vector<1x16xf32>,
        %get3A_395 = vector.shape_cast %get3A_394 : vector<1x16xf32> to vector<16xf32>
        %add3A_396 = arith.addf %add3A_388, %get3A_395 : vector<16xf32>
        %mul3A_397 = arith.constant 16 : i32
        %mul3A_398 = arith.muli %scan3A_366, %mul3A_397 : i32
        %get3A_399 = arith.constant 4 : i32
        %get3A_400 = arith.index_cast %get3A_399 : i32 to index
        %get3A_401 = arith.index_cast %mul3A_398 : i32 to index
        %get3A_402 = tpu.vector_load %arg5[%get3A_400, %get3A_401] {strides = array<i32>} : memref<56x1024xf32, #tpu.memory_space<vmem>>, vector<1x16xf32>,
        %get3A_403 = vector.shape_cast %get3A_402 : vector<1x16xf32> to vector<16xf32>
        %add3A_404 = arith.addf %add3A_396, %get3A_403 : vector<16xf32>
        %mul3A_405 = arith.constant 16 : i32
        %mul3A_406 = arith.muli %scan3A_366, %mul3A_405 : i32
        %get3A_407 = arith.constant 5 : i32
        %get3A_408 = arith.index_cast %get3A_407 : i32 to index
        %get3A_409 = arith.index_cast %mul3A_406 : i32 to index
        %get3A_410 = tpu.vector_load %arg5[%get3A_408, %get3A_409] {strides = array<i32>} : memref<56x1024xf32, #tpu.memory_space<vmem>>, vector<1x16xf32>,
        %get3A_411 = vector.shape_cast %get3A_410 : vector<1x16xf32> to vector<16xf32>
        %add3A_412 = arith.addf %add3A_404, %get3A_411 : vector<16xf32>
        %mul3A_413 = arith.constant 16 : i32
        %mul3A_414 = arith.muli %scan3A_366, %mul3A_413 : i32
        %get3A_415 = arith.constant 6 : i32
        %get3A_416 = arith.index_cast %get3A_415 : i32 to index
        %get3A_417 = arith.index_cast %mul3A_414 : i32 to index
        %get3A_418 = tpu.vector_load %arg5[%get3A_416, %get3A_417] {strides = array<i32>} : memref<56x1024xf32, #tpu.memory_space<vmem>>, vector<1x16xf32>,
        %get3A_419 = vector.shape_cast %get3A_418 : vector<1x16xf32> to vector<16xf32>
        %add3A_420 = arith.addf %add3A_412, %get3A_419 : vector<16xf32>
        %mul3A_421 = arith.constant 16 : i32
        %mul3A_422 = arith.muli %scan3A_366, %mul3A_421 : i32
        %get3A_423 = arith.constant 7 : i32
        %get3A_424 = arith.index_cast %get3A_423 : i32 to index
        %get3A_425 = arith.index_cast %mul3A_422 : i32 to index
        %get3A_426 = tpu.vector_load %arg5[%get3A_424, %get3A_425] {strides = array<i32>} : memref<56x1024xf32, #tpu.memory_space<vmem>>, vector<1x16xf32>,
        %get3A_427 = vector.shape_cast %get3A_426 : vector<1x16xf32> to vector<16xf32>
        %add3A_428 = arith.addf %add3A_420, %get3A_427 : vector<16xf32>
        %mul3A_429 = arith.constant 16 : i32
        %mul3A_430 = arith.muli %scan3A_366, %mul3A_429 : i32
        %get3A_431 = arith.constant 8 : i32
        %get3A_432 = arith.index_cast %get3A_431 : i32 to index
        %get3A_433 = arith.index_cast %mul3A_430 : i32 to index
        %get3A_434 = tpu.vector_load %arg5[%get3A_432, %get3A_433] {strides = array<i32>} : memref<56x1024xf32, #tpu.memory_space<vmem>>, vector<1x16xf32>,
        %get3A_435 = vector.shape_cast %get3A_434 : vector<1x16xf32> to vector<16xf32>
        %add3A_436 = arith.addf %add3A_428, %get3A_435 : vector<16xf32>
        %mul3A_437 = arith.constant 16 : i32
        %mul3A_438 = arith.muli %scan3A_366, %mul3A_437 : i32
        %get3A_439 = arith.constant 9 : i32
        %get3A_440 = arith.index_cast %get3A_439 : i32 to index
        %get3A_441 = arith.index_cast %mul3A_438 : i32 to index
        %get3A_442 = tpu.vector_load %arg5[%get3A_440, %get3A_441] {strides = array<i32>} : memref<56x1024xf32, #tpu.memory_space<vmem>>, vector<1x16xf32>,
        %get3A_443 = vector.shape_cast %get3A_442 : vector<1x16xf32> to vector<16xf32>
        %add3A_444 = arith.addf %add3A_436, %get3A_443 : vector<16xf32>
        %mul3A_445 = arith.constant 16 : i32
        %mul3A_446 = arith.muli %scan3A_366, %mul3A_445 : i32
        %get3A_447 = arith.constant 10 : i32
        %get3A_448 = arith.index_cast %get3A_447 : i32 to index
        %get3A_449 = arith.index_cast %mul3A_446 : i32 to index
        %get3A_450 = tpu.vector_load %arg5[%get3A_448, %get3A_449] {strides = array<i32>} : memref<56x1024xf32, #tpu.memory_space<vmem>>, vector<1x16xf32>,
        %get3A_451 = vector.shape_cast %get3A_450 : vector<1x16xf32> to vector<16xf32>
        %add3A_452 = arith.addf %add3A_444, %get3A_451 : vector<16xf32>
        %mul3A_453 = arith.constant 16 : i32
        %mul3A_454 = arith.muli %scan3A_366, %mul3A_453 : i32
        %get3A_455 = arith.constant 11 : i32
        %get3A_456 = arith.index_cast %get3A_455 : i32 to index
        %get3A_457 = arith.index_cast %mul3A_454 : i32 to index
        %get3A_458 = tpu.vector_load %arg5[%get3A_456, %get3A_457] {strides = array<i32>} : memref<56x1024xf32, #tpu.memory_space<vmem>>, vector<1x16xf32>,
        %get3A_459 = vector.shape_cast %get3A_458 : vector<1x16xf32> to vector<16xf32>
        %add3A_460 = arith.addf %add3A_452, %get3A_459 : vector<16xf32>
        %mul3A_461 = arith.constant 16 : i32
        %mul3A_462 = arith.muli %scan3A_366, %mul3A_461 : i32
        %get3A_463 = arith.constant 12 : i32
        %get3A_464 = arith.index_cast %get3A_463 : i32 to index
        %get3A_465 = arith.index_cast %mul3A_462 : i32 to index
        %get3A_466 = tpu.vector_load %arg5[%get3A_464, %get3A_465] {strides = array<i32>} : memref<56x1024xf32, #tpu.memory_space<vmem>>, vector<1x16xf32>,
        %get3A_467 = vector.shape_cast %get3A_466 : vector<1x16xf32> to vector<16xf32>
        %add3A_468 = arith.addf %add3A_460, %get3A_467 : vector<16xf32>
        %mul3A_469 = arith.constant 16 : i32
        %mul3A_470 = arith.muli %scan3A_366, %mul3A_469 : i32
        %get3A_471 = arith.constant 13 : i32
        %get3A_472 = arith.index_cast %get3A_471 : i32 to index
        %get3A_473 = arith.index_cast %mul3A_470 : i32 to index
        %get3A_474 = tpu.vector_load %arg5[%get3A_472, %get3A_473] {strides = array<i32>} : memref<56x1024xf32, #tpu.memory_space<vmem>>, vector<1x16xf32>,
        %get3A_475 = vector.shape_cast %get3A_474 : vector<1x16xf32> to vector<16xf32>
        %add3A_476 = arith.addf %add3A_468, %get3A_475 : vector<16xf32>
        %mul3A_477 = arith.constant 16 : i32
        %mul3A_478 = arith.muli %scan3A_366, %mul3A_477 : i32
        %get3A_479 = arith.constant 14 : i32
        %get3A_480 = arith.index_cast %get3A_479 : i32 to index
        %get3A_481 = arith.index_cast %mul3A_478 : i32 to index
        %get3A_482 = tpu.vector_load %arg5[%get3A_480, %get3A_481] {strides = array<i32>} : memref<56x1024xf32, #tpu.memory_space<vmem>>, vector<1x16xf32>,
        %get3A_483 = vector.shape_cast %get3A_482 : vector<1x16xf32> to vector<16xf32>
        %add3A_484 = arith.addf %add3A_476, %get3A_483 : vector<16xf32>
        %mul3A_485 = arith.constant 16 : i32
        %mul3A_486 = arith.muli %scan3A_366, %mul3A_485 : i32
        %get3A_487 = arith.constant 15 : i32
        %get3A_488 = arith.index_cast %get3A_487 : i32 to index
        %get3A_489 = arith.index_cast %mul3A_486 : i32 to index
        %get3A_490 = tpu.vector_load %arg5[%get3A_488, %get3A_489] {strides = array<i32>} : memref<56x1024xf32, #tpu.memory_space<vmem>>, vector<1x16xf32>,
        %get3A_491 = vector.shape_cast %get3A_490 : vector<1x16xf32> to vector<16xf32>
        %add3A_492 = arith.addf %add3A_484, %get3A_491 : vector<16xf32>
        %mul3A_493 = arith.constant 16 : i32
        %mul3A_494 = arith.muli %scan3A_366, %mul3A_493 : i32
        %get3A_495 = arith.constant 16 : i32
        %get3A_496 = arith.index_cast %get3A_495 : i32 to index
        %get3A_497 = arith.index_cast %mul3A_494 : i32 to index
        %get3A_498 = tpu.vector_load %arg5[%get3A_496, %get3A_497] {strides = array<i32>} : memref<56x1024xf32, #tpu.memory_space<vmem>>, vector<1x16xf32>,
        %get3A_499 = vector.shape_cast %get3A_498 : vector<1x16xf32> to vector<16xf32>
        %add3A_500 = arith.addf %add3A_492, %get3A_499 : vector<16xf32>
        %mul3A_501 = arith.constant 16 : i32
        %mul3A_502 = arith.muli %scan3A_366, %mul3A_501 : i32
        %get3A_503 = arith.constant 17 : i32
        %get3A_504 = arith.index_cast %get3A_503 : i32 to index
        %get3A_505 = arith.index_cast %mul3A_502 : i32 to index
        %get3A_506 = tpu.vector_load %arg5[%get3A_504, %get3A_505] {strides = array<i32>} : memref<56x1024xf32, #tpu.memory_space<vmem>>, vector<1x16xf32>,
        %get3A_507 = vector.shape_cast %get3A_506 : vector<1x16xf32> to vector<16xf32>
        %add3A_508 = arith.addf %add3A_500, %get3A_507 : vector<16xf32>
        %mul3A_509 = arith.constant 16 : i32
        %mul3A_510 = arith.muli %scan3A_366, %mul3A_509 : i32
        %get3A_511 = arith.constant 18 : i32
        %get3A_512 = arith.index_cast %get3A_511 : i32 to index
        %get3A_513 = arith.index_cast %mul3A_510 : i32 to index
        %get3A_514 = tpu.vector_load %arg5[%get3A_512, %get3A_513] {strides = array<i32>} : memref<56x1024xf32, #tpu.memory_space<vmem>>, vector<1x16xf32>,
        %get3A_515 = vector.shape_cast %get3A_514 : vector<1x16xf32> to vector<16xf32>
        %add3A_516 = arith.addf %add3A_508, %get3A_515 : vector<16xf32>
        %mul3A_517 = arith.constant 16 : i32
        %mul3A_518 = arith.muli %scan3A_366, %mul3A_517 : i32
        %get3A_519 = arith.constant 19 : i32
        %get3A_520 = arith.index_cast %get3A_519 : i32 to index
        %get3A_521 = arith.index_cast %mul3A_518 : i32 to index
        %get3A_522 = tpu.vector_load %arg5[%get3A_520, %get3A_521] {strides = array<i32>} : memref<56x1024xf32, #tpu.memory_space<vmem>>, vector<1x16xf32>,
        %get3A_523 = vector.shape_cast %get3A_522 : vector<1x16xf32> to vector<16xf32>
        %add3A_524 = arith.addf %add3A_516, %get3A_523 : vector<16xf32>
        %mul3A_525 = arith.constant 16 : i32
        %mul3A_526 = arith.muli %scan3A_366, %mul3A_525 : i32
        %get3A_527 = arith.constant 20 : i32
        %get3A_528 = arith.index_cast %get3A_527 : i32 to index
        %get3A_529 = arith.index_cast %mul3A_526 : i32 to index
        %get3A_530 = tpu.vector_load %arg5[%get3A_528, %get3A_529] {strides = array<i32>} : memref<56x1024xf32, #tpu.memory_space<vmem>>, vector<1x16xf32>,
        %get3A_531 = vector.shape_cast %get3A_530 : vector<1x16xf32> to vector<16xf32>
        %add3A_532 = arith.addf %add3A_524, %get3A_531 : vector<16xf32>
        %mul3A_533 = arith.constant 16 : i32
        %mul3A_534 = arith.muli %scan3A_366, %mul3A_533 : i32
        %get3A_535 = arith.constant 21 : i32
        %get3A_536 = arith.index_cast %get3A_535 : i32 to index
        %get3A_537 = arith.index_cast %mul3A_534 : i32 to index
        %get3A_538 = tpu.vector_load %arg5[%get3A_536, %get3A_537] {strides = array<i32>} : memref<56x1024xf32, #tpu.memory_space<vmem>>, vector<1x16xf32>,
        %get3A_539 = vector.shape_cast %get3A_538 : vector<1x16xf32> to vector<16xf32>
        %add3A_540 = arith.addf %add3A_532, %get3A_539 : vector<16xf32>
        %mul3A_541 = arith.constant 16 : i32
        %mul3A_542 = arith.muli %scan3A_366, %mul3A_541 : i32
        %get3A_543 = arith.constant 22 : i32
        %get3A_544 = arith.index_cast %get3A_543 : i32 to index
        %get3A_545 = arith.index_cast %mul3A_542 : i32 to index
        %get3A_546 = tpu.vector_load %arg5[%get3A_544, %get3A_545] {strides = array<i32>} : memref<56x1024xf32, #tpu.memory_space<vmem>>, vector<1x16xf32>,
        %get3A_547 = vector.shape_cast %get3A_546 : vector<1x16xf32> to vector<16xf32>
        %add3A_548 = arith.addf %add3A_540, %get3A_547 : vector<16xf32>
        %mul3A_549 = arith.constant 16 : i32
        %mul3A_550 = arith.muli %scan3A_366, %mul3A_549 : i32
        %get3A_551 = arith.constant 23 : i32
        %get3A_552 = arith.index_cast %get3A_551 : i32 to index
        %get3A_553 = arith.index_cast %mul3A_550 : i32 to index
        %get3A_554 = tpu.vector_load %arg5[%get3A_552, %get3A_553] {strides = array<i32>} : memref<56x1024xf32, #tpu.memory_space<vmem>>, vector<1x16xf32>,
        %get3A_555 = vector.shape_cast %get3A_554 : vector<1x16xf32> to vector<16xf32>
        %add3A_556 = arith.addf %add3A_548, %get3A_555 : vector<16xf32>
        %mul3A_557 = arith.constant 16 : i32
        %mul3A_558 = arith.muli %scan3A_366, %mul3A_557 : i32
        %get3A_559 = arith.constant 24 : i32
        %get3A_560 = arith.index_cast %get3A_559 : i32 to index
        %get3A_561 = arith.index_cast %mul3A_558 : i32 to index
        %get3A_562 = tpu.vector_load %arg5[%get3A_560, %get3A_561] {strides = array<i32>} : memref<56x1024xf32, #tpu.memory_space<vmem>>, vector<1x16xf32>,
        %get3A_563 = vector.shape_cast %get3A_562 : vector<1x16xf32> to vector<16xf32>
        %add3A_564 = arith.addf %add3A_556, %get3A_563 : vector<16xf32>
        %mul3A_565 = arith.constant 16 : i32
        %mul3A_566 = arith.muli %scan3A_366, %mul3A_565 : i32
        %get3A_567 = arith.constant 25 : i32
        %get3A_568 = arith.index_cast %get3A_567 : i32 to index
        %get3A_569 = arith.index_cast %mul3A_566 : i32 to index
        %get3A_570 = tpu.vector_load %arg5[%get3A_568, %get3A_569] {strides = array<i32>} : memref<56x1024xf32, #tpu.memory_space<vmem>>, vector<1x16xf32>,
        %get3A_571 = vector.shape_cast %get3A_570 : vector<1x16xf32> to vector<16xf32>
        %add3A_572 = arith.addf %add3A_564, %get3A_571 : vector<16xf32>
        %mul3A_573 = arith.constant 16 : i32
        %mul3A_574 = arith.muli %scan3A_366, %mul3A_573 : i32
        %get3A_575 = arith.constant 26 : i32
        %get3A_576 = arith.index_cast %get3A_575 : i32 to index
        %get3A_577 = arith.index_cast %mul3A_574 : i32 to index
        %get3A_578 = tpu.vector_load %arg5[%get3A_576, %get3A_577] {strides = array<i32>} : memref<56x1024xf32, #tpu.memory_space<vmem>>, vector<1x16xf32>,
        %get3A_579 = vector.shape_cast %get3A_578 : vector<1x16xf32> to vector<16xf32>
        %add3A_580 = arith.addf %add3A_572, %get3A_579 : vector<16xf32>
        %mul3A_581 = arith.constant 16 : i32
        %mul3A_582 = arith.muli %scan3A_366, %mul3A_581 : i32
        %get3A_583 = arith.constant 27 : i32
        %get3A_584 = arith.index_cast %get3A_583 : i32 to index
        %get3A_585 = arith.index_cast %mul3A_582 : i32 to index
        %get3A_586 = tpu.vector_load %arg5[%get3A_584, %get3A_585] {strides = array<i32>} : memref<56x1024xf32, #tpu.memory_space<vmem>>, vector<1x16xf32>,
        %get3A_587 = vector.shape_cast %get3A_586 : vector<1x16xf32> to vector<16xf32>
        %add3A_588 = arith.addf %add3A_580, %get3A_587 : vector<16xf32>
        %mul3A_589 = arith.constant 16 : i32
        %mul3A_590 = arith.muli %scan3A_366, %mul3A_589 : i32
        %get3A_591 = arith.constant 28 : i32
        %get3A_592 = arith.index_cast %get3A_591 : i32 to index
        %get3A_593 = arith.index_cast %mul3A_590 : i32 to index
        %get3A_594 = tpu.vector_load %arg5[%get3A_592, %get3A_593] {strides = array<i32>} : memref<56x1024xf32, #tpu.memory_space<vmem>>, vector<1x16xf32>,
        %get3A_595 = vector.shape_cast %get3A_594 : vector<1x16xf32> to vector<16xf32>
        %add3A_596 = arith.addf %add3A_588, %get3A_595 : vector<16xf32>
        %mul3A_597 = arith.constant 16 : i32
        %mul3A_598 = arith.muli %scan3A_366, %mul3A_597 : i32
        %get3A_599 = arith.constant 29 : i32
        %get3A_600 = arith.index_cast %get3A_599 : i32 to index
        %get3A_601 = arith.index_cast %mul3A_598 : i32 to index
        %get3A_602 = tpu.vector_load %arg5[%get3A_600, %get3A_601] {strides = array<i32>} : memref<56x1024xf32, #tpu.memory_space<vmem>>, vector<1x16xf32>,
        %get3A_603 = vector.shape_cast %get3A_602 : vector<1x16xf32> to vector<16xf32>
        %add3A_604 = arith.addf %add3A_596, %get3A_603 : vector<16xf32>
        %mul3A_605 = arith.constant 16 : i32
        %mul3A_606 = arith.muli %scan3A_366, %mul3A_605 : i32
        %get3A_607 = arith.constant 30 : i32
        %get3A_608 = arith.index_cast %get3A_607 : i32 to index
        %get3A_609 = arith.index_cast %mul3A_606 : i32 to index
        %get3A_610 = tpu.vector_load %arg5[%get3A_608, %get3A_609] {strides = array<i32>} : memref<56x1024xf32, #tpu.memory_space<vmem>>, vector<1x16xf32>,
        %get3A_611 = vector.shape_cast %get3A_610 : vector<1x16xf32> to vector<16xf32>
        %add3A_612 = arith.addf %add3A_604, %get3A_611 : vector<16xf32>
        %mul3A_613 = arith.constant 16 : i32
        %mul3A_614 = arith.muli %scan3A_366, %mul3A_613 : i32
        %get3A_615 = arith.constant 31 : i32
        %get3A_616 = arith.index_cast %get3A_615 : i32 to index
        %get3A_617 = arith.index_cast %mul3A_614 : i32 to index
        %get3A_618 = tpu.vector_load %arg5[%get3A_616, %get3A_617] {strides = array<i32>} : memref<56x1024xf32, #tpu.memory_space<vmem>>, vector<1x16xf32>,
        %get3A_619 = vector.shape_cast %get3A_618 : vector<1x16xf32> to vector<16xf32>
        %add3A_620 = arith.addf %add3A_612, %get3A_619 : vector<16xf32>
        %mul3A_621 = arith.constant 16 : i32
        %mul3A_622 = arith.muli %scan3A_366, %mul3A_621 : i32
        %get3A_623 = arith.constant 32 : i32
        %get3A_624 = arith.index_cast %get3A_623 : i32 to index
        %get3A_625 = arith.index_cast %mul3A_622 : i32 to index
        %get3A_626 = tpu.vector_load %arg5[%get3A_624, %get3A_625] {strides = array<i32>} : memref<56x1024xf32, #tpu.memory_space<vmem>>, vector<1x16xf32>,
        %get3A_627 = vector.shape_cast %get3A_626 : vector<1x16xf32> to vector<16xf32>
        %add3A_628 = arith.addf %add3A_620, %get3A_627 : vector<16xf32>
        %mul3A_629 = arith.constant 16 : i32
        %mul3A_630 = arith.muli %scan3A_366, %mul3A_629 : i32
        %get3A_631 = arith.constant 33 : i32
        %get3A_632 = arith.index_cast %get3A_631 : i32 to index
        %get3A_633 = arith.index_cast %mul3A_630 : i32 to index
        %get3A_634 = tpu.vector_load %arg5[%get3A_632, %get3A_633] {strides = array<i32>} : memref<56x1024xf32, #tpu.memory_space<vmem>>, vector<1x16xf32>,
        %get3A_635 = vector.shape_cast %get3A_634 : vector<1x16xf32> to vector<16xf32>
        %add3A_636 = arith.addf %add3A_628, %get3A_635 : vector<16xf32>
        %mul3A_637 = arith.constant 16 : i32
        %mul3A_638 = arith.muli %scan3A_366, %mul3A_637 : i32
        %get3A_639 = arith.constant 34 : i32
        %get3A_640 = arith.index_cast %get3A_639 : i32 to index
        %get3A_641 = arith.index_cast %mul3A_638 : i32 to index
        %get3A_642 = tpu.vector_load %arg5[%get3A_640, %get3A_641] {strides = array<i32>} : memref<56x1024xf32, #tpu.memory_space<vmem>>, vector<1x16xf32>,
        %get3A_643 = vector.shape_cast %get3A_642 : vector<1x16xf32> to vector<16xf32>
        %add3A_644 = arith.addf %add3A_636, %get3A_643 : vector<16xf32>
        %mul3A_645 = arith.constant 16 : i32
        %mul3A_646 = arith.muli %scan3A_366, %mul3A_645 : i32
        %get3A_647 = arith.constant 35 : i32
        %get3A_648 = arith.index_cast %get3A_647 : i32 to index
        %get3A_649 = arith.index_cast %mul3A_646 : i32 to index
        %get3A_650 = tpu.vector_load %arg5[%get3A_648, %get3A_649] {strides = array<i32>} : memref<56x1024xf32, #tpu.memory_space<vmem>>, vector<1x16xf32>,
        %get3A_651 = vector.shape_cast %get3A_650 : vector<1x16xf32> to vector<16xf32>
        %add3A_652 = arith.addf %add3A_644, %get3A_651 : vector<16xf32>
        %mul3A_653 = arith.constant 16 : i32
        %mul3A_654 = arith.muli %scan3A_366, %mul3A_653 : i32
        %get3A_655 = arith.constant 36 : i32
        %get3A_656 = arith.index_cast %get3A_655 : i32 to index
        %get3A_657 = arith.index_cast %mul3A_654 : i32 to index
        %get3A_658 = tpu.vector_load %arg5[%get3A_656, %get3A_657] {strides = array<i32>} : memref<56x1024xf32, #tpu.memory_space<vmem>>, vector<1x16xf32>,
        %get3A_659 = vector.shape_cast %get3A_658 : vector<1x16xf32> to vector<16xf32>
        %add3A_660 = arith.addf %add3A_652, %get3A_659 : vector<16xf32>
        %mul3A_661 = arith.constant 16 : i32
        %mul3A_662 = arith.muli %scan3A_366, %mul3A_661 : i32
        %get3A_663 = arith.constant 37 : i32
        %get3A_664 = arith.index_cast %get3A_663 : i32 to index
        %get3A_665 = arith.index_cast %mul3A_662 : i32 to index
        %get3A_666 = tpu.vector_load %arg5[%get3A_664, %get3A_665] {strides = array<i32>} : memref<56x1024xf32, #tpu.memory_space<vmem>>, vector<1x16xf32>,
        %get3A_667 = vector.shape_cast %get3A_666 : vector<1x16xf32> to vector<16xf32>
        %add3A_668 = arith.addf %add3A_660, %get3A_667 : vector<16xf32>
        %mul3A_669 = arith.constant 16 : i32
        %mul3A_670 = arith.muli %scan3A_366, %mul3A_669 : i32
        %get3A_671 = arith.constant 38 : i32
        %get3A_672 = arith.index_cast %get3A_671 : i32 to index
        %get3A_673 = arith.index_cast %mul3A_670 : i32 to index
        %get3A_674 = tpu.vector_load %arg5[%get3A_672, %get3A_673] {strides = array<i32>} : memref<56x1024xf32, #tpu.memory_space<vmem>>, vector<1x16xf32>,
        %get3A_675 = vector.shape_cast %get3A_674 : vector<1x16xf32> to vector<16xf32>
        %add3A_676 = arith.addf %add3A_668, %get3A_675 : vector<16xf32>
        %mul3A_677 = arith.constant 16 : i32
        %mul3A_678 = arith.muli %scan3A_366, %mul3A_677 : i32
        %get3A_679 = arith.constant 39 : i32
        %get3A_680 = arith.index_cast %get3A_679 : i32 to index
        %get3A_681 = arith.index_cast %mul3A_678 : i32 to index
        %get3A_682 = tpu.vector_load %arg5[%get3A_680, %get3A_681] {strides = array<i32>} : memref<56x1024xf32, #tpu.memory_space<vmem>>, vector<1x16xf32>,
        %get3A_683 = vector.shape_cast %get3A_682 : vector<1x16xf32> to vector<16xf32>
        %add3A_684 = arith.addf %add3A_676, %get3A_683 : vector<16xf32>
        %mul3A_685 = arith.constant 16 : i32
        %mul3A_686 = arith.muli %scan3A_366, %mul3A_685 : i32
        %get3A_687 = arith.constant 40 : i32
        %get3A_688 = arith.index_cast %get3A_687 : i32 to index
        %get3A_689 = arith.index_cast %mul3A_686 : i32 to index
        %get3A_690 = tpu.vector_load %arg5[%get3A_688, %get3A_689] {strides = array<i32>} : memref<56x1024xf32, #tpu.memory_space<vmem>>, vector<1x16xf32>,
        %get3A_691 = vector.shape_cast %get3A_690 : vector<1x16xf32> to vector<16xf32>
        %add3A_692 = arith.addf %add3A_684, %get3A_691 : vector<16xf32>
        %mul3A_693 = arith.constant 16 : i32
        %mul3A_694 = arith.muli %scan3A_366, %mul3A_693 : i32
        %get3A_695 = arith.constant 41 : i32
        %get3A_696 = arith.index_cast %get3A_695 : i32 to index
        %get3A_697 = arith.index_cast %mul3A_694 : i32 to index
        %get3A_698 = tpu.vector_load %arg5[%get3A_696, %get3A_697] {strides = array<i32>} : memref<56x1024xf32, #tpu.memory_space<vmem>>, vector<1x16xf32>,
        %get3A_699 = vector.shape_cast %get3A_698 : vector<1x16xf32> to vector<16xf32>
        %add3A_700 = arith.addf %add3A_692, %get3A_699 : vector<16xf32>
        %mul3A_701 = arith.constant 16 : i32
        %mul3A_702 = arith.muli %scan3A_366, %mul3A_701 : i32
        %get3A_703 = arith.constant 42 : i32
        %get3A_704 = arith.index_cast %get3A_703 : i32 to index
        %get3A_705 = arith.index_cast %mul3A_702 : i32 to index
        %get3A_706 = tpu.vector_load %arg5[%get3A_704, %get3A_705] {strides = array<i32>} : memref<56x1024xf32, #tpu.memory_space<vmem>>, vector<1x16xf32>,
        %get3A_707 = vector.shape_cast %get3A_706 : vector<1x16xf32> to vector<16xf32>
        %add3A_708 = arith.addf %add3A_700, %get3A_707 : vector<16xf32>
        %mul3A_709 = arith.constant 16 : i32
        %mul3A_710 = arith.muli %scan3A_366, %mul3A_709 : i32
        %get3A_711 = arith.constant 43 : i32
        %get3A_712 = arith.index_cast %get3A_711 : i32 to index
        %get3A_713 = arith.index_cast %mul3A_710 : i32 to index
        %get3A_714 = tpu.vector_load %arg5[%get3A_712, %get3A_713] {strides = array<i32>} : memref<56x1024xf32, #tpu.memory_space<vmem>>, vector<1x16xf32>,
        %get3A_715 = vector.shape_cast %get3A_714 : vector<1x16xf32> to vector<16xf32>
        %add3A_716 = arith.addf %add3A_708, %get3A_715 : vector<16xf32>
        %mul3A_717 = arith.constant 16 : i32
        %mul3A_718 = arith.muli %scan3A_366, %mul3A_717 : i32
        %get3A_719 = arith.constant 44 : i32
        %get3A_720 = arith.index_cast %get3A_719 : i32 to index
        %get3A_721 = arith.index_cast %mul3A_718 : i32 to index
        %get3A_722 = tpu.vector_load %arg5[%get3A_720, %get3A_721] {strides = array<i32>} : memref<56x1024xf32, #tpu.memory_space<vmem>>, vector<1x16xf32>,
        %get3A_723 = vector.shape_cast %get3A_722 : vector<1x16xf32> to vector<16xf32>
        %add3A_724 = arith.addf %add3A_716, %get3A_723 : vector<16xf32>
        %mul3A_725 = arith.constant 16 : i32
        %mul3A_726 = arith.muli %scan3A_366, %mul3A_725 : i32
        %get3A_727 = arith.constant 45 : i32
        %get3A_728 = arith.index_cast %get3A_727 : i32 to index
        %get3A_729 = arith.index_cast %mul3A_726 : i32 to index
        %get3A_730 = tpu.vector_load %arg5[%get3A_728, %get3A_729] {strides = array<i32>} : memref<56x1024xf32, #tpu.memory_space<vmem>>, vector<1x16xf32>,
        %get3A_731 = vector.shape_cast %get3A_730 : vector<1x16xf32> to vector<16xf32>
        %add3A_732 = arith.addf %add3A_724, %get3A_731 : vector<16xf32>
        %mul3A_733 = arith.constant 16 : i32
        %mul3A_734 = arith.muli %scan3A_366, %mul3A_733 : i32
        %get3A_735 = arith.constant 46 : i32
        %get3A_736 = arith.index_cast %get3A_735 : i32 to index
        %get3A_737 = arith.index_cast %mul3A_734 : i32 to index
        %get3A_738 = tpu.vector_load %arg5[%get3A_736, %get3A_737] {strides = array<i32>} : memref<56x1024xf32, #tpu.memory_space<vmem>>, vector<1x16xf32>,
        %get3A_739 = vector.shape_cast %get3A_738 : vector<1x16xf32> to vector<16xf32>
        %add3A_740 = arith.addf %add3A_732, %get3A_739 : vector<16xf32>
        %mul3A_741 = arith.constant 16 : i32
        %mul3A_742 = arith.muli %scan3A_366, %mul3A_741 : i32
        %get3A_743 = arith.constant 47 : i32
        %get3A_744 = arith.index_cast %get3A_743 : i32 to index
        %get3A_745 = arith.index_cast %mul3A_742 : i32 to index
        %get3A_746 = tpu.vector_load %arg5[%get3A_744, %get3A_745] {strides = array<i32>} : memref<56x1024xf32, #tpu.memory_space<vmem>>, vector<1x16xf32>,
        %get3A_747 = vector.shape_cast %get3A_746 : vector<1x16xf32> to vector<16xf32>
        %add3A_748 = arith.addf %add3A_740, %get3A_747 : vector<16xf32>
        %mul3A_749 = arith.constant 16 : i32
        %mul3A_750 = arith.muli %scan3A_366, %mul3A_749 : i32
        %get3A_751 = arith.constant 48 : i32
        %get3A_752 = arith.index_cast %get3A_751 : i32 to index
        %get3A_753 = arith.index_cast %mul3A_750 : i32 to index
        %get3A_754 = tpu.vector_load %arg5[%get3A_752, %get3A_753] {strides = array<i32>} : memref<56x1024xf32, #tpu.memory_space<vmem>>, vector<1x16xf32>,
        %get3A_755 = vector.shape_cast %get3A_754 : vector<1x16xf32> to vector<16xf32>
        %add3A_756 = arith.addf %add3A_748, %get3A_755 : vector<16xf32>
        %mul3A_757 = arith.constant 16 : i32
        %mul3A_758 = arith.muli %scan3A_366, %mul3A_757 : i32
        %get3A_759 = arith.constant 49 : i32
        %get3A_760 = arith.index_cast %get3A_759 : i32 to index
        %get3A_761 = arith.index_cast %mul3A_758 : i32 to index
        %get3A_762 = tpu.vector_load %arg5[%get3A_760, %get3A_761] {strides = array<i32>} : memref<56x1024xf32, #tpu.memory_space<vmem>>, vector<1x16xf32>,
        %get3A_763 = vector.shape_cast %get3A_762 : vector<1x16xf32> to vector<16xf32>
        %add3A_764 = arith.addf %add3A_756, %get3A_763 : vector<16xf32>
        %mul3A_765 = arith.constant 16 : i32
        %mul3A_766 = arith.muli %scan3A_366, %mul3A_765 : i32
        %get3A_767 = arith.constant 50 : i32
        %get3A_768 = arith.index_cast %get3A_767 : i32 to index
        %get3A_769 = arith.index_cast %mul3A_766 : i32 to index
        %get3A_770 = tpu.vector_load %arg5[%get3A_768, %get3A_769] {strides = array<i32>} : memref<56x1024xf32, #tpu.memory_space<vmem>>, vector<1x16xf32>,
        %get3A_771 = vector.shape_cast %get3A_770 : vector<1x16xf32> to vector<16xf32>
        %add3A_772 = arith.addf %add3A_764, %get3A_771 : vector<16xf32>
        %mul3A_773 = arith.constant 16 : i32
        %mul3A_774 = arith.muli %scan3A_366, %mul3A_773 : i32
        %get3A_775 = arith.constant 51 : i32
        %get3A_776 = arith.index_cast %get3A_775 : i32 to index
        %get3A_777 = arith.index_cast %mul3A_774 : i32 to index
        %get3A_778 = tpu.vector_load %arg5[%get3A_776, %get3A_777] {strides = array<i32>} : memref<56x1024xf32, #tpu.memory_space<vmem>>, vector<1x16xf32>,
        %get3A_779 = vector.shape_cast %get3A_778 : vector<1x16xf32> to vector<16xf32>
        %add3A_780 = arith.addf %add3A_772, %get3A_779 : vector<16xf32>
        %mul3A_781 = arith.constant 16 : i32
        %mul3A_782 = arith.muli %scan3A_366, %mul3A_781 : i32
        %get3A_783 = arith.constant 52 : i32
        %get3A_784 = arith.index_cast %get3A_783 : i32 to index
        %get3A_785 = arith.index_cast %mul3A_782 : i32 to index
        %get3A_786 = tpu.vector_load %arg5[%get3A_784, %get3A_785] {strides = array<i32>} : memref<56x1024xf32, #tpu.memory_space<vmem>>, vector<1x16xf32>,
        %get3A_787 = vector.shape_cast %get3A_786 : vector<1x16xf32> to vector<16xf32>
        %add3A_788 = arith.addf %add3A_780, %get3A_787 : vector<16xf32>
        %mul3A_789 = arith.constant 16 : i32
        %mul3A_790 = arith.muli %scan3A_366, %mul3A_789 : i32
        %get3A_791 = arith.constant 53 : i32
        %get3A_792 = arith.index_cast %get3A_791 : i32 to index
        %get3A_793 = arith.index_cast %mul3A_790 : i32 to index
        %get3A_794 = tpu.vector_load %arg5[%get3A_792, %get3A_793] {strides = array<i32>} : memref<56x1024xf32, #tpu.memory_space<vmem>>, vector<1x16xf32>,
        %get3A_795 = vector.shape_cast %get3A_794 : vector<1x16xf32> to vector<16xf32>
        %add3A_796 = arith.addf %add3A_788, %get3A_795 : vector<16xf32>
        %mul3A_797 = arith.constant 16 : i32
        %mul3A_798 = arith.muli %scan3A_366, %mul3A_797 : i32
        %get3A_799 = arith.constant 54 : i32
        %get3A_800 = arith.index_cast %get3A_799 : i32 to index
        %get3A_801 = arith.index_cast %mul3A_798 : i32 to index
        %get3A_802 = tpu.vector_load %arg5[%get3A_800, %get3A_801] {strides = array<i32>} : memref<56x1024xf32, #tpu.memory_space<vmem>>, vector<1x16xf32>,
        %get3A_803 = vector.shape_cast %get3A_802 : vector<1x16xf32> to vector<16xf32>
        %add3A_804 = arith.addf %add3A_796, %get3A_803 : vector<16xf32>
        %mul3A_805 = arith.constant 16 : i32
        %mul3A_806 = arith.muli %scan3A_366, %mul3A_805 : i32
        %get3A_807 = arith.constant 55 : i32
        %get3A_808 = arith.index_cast %get3A_807 : i32 to index
        %get3A_809 = arith.index_cast %mul3A_806 : i32 to index
        %get3A_810 = tpu.vector_load %arg5[%get3A_808, %get3A_809] {strides = array<i32>} : memref<56x1024xf32, #tpu.memory_space<vmem>>, vector<1x16xf32>,
        %get3A_811 = vector.shape_cast %get3A_810 : vector<1x16xf32> to vector<16xf32>
        %add3A_812 = arith.addf %add3A_804, %get3A_811 : vector<16xf32>
        %mul3A_813 = arith.constant 16 : i32
        %mul3A_814 = arith.muli %scan3A_366, %mul3A_813 : i32
        %swap3A_815 = arith.index_cast %mul3A_814 : i32 to index
        %swap3A_816 = tpu.vector_load %arg6[%swap3A_815] {strides = array<i32>} : memref<1024xf32, #tpu.memory_space<vmem>>, vector<16xf32>,
        %swap3A_817 = vector.shape_cast %swap3A_816 : vector<16xf32> to vector<16xf32>
        %swap3A_818 = vector.shape_cast %add3A_812 : vector<16xf32> to vector<16xf32>
        tpu.vector_store %arg6[%swap3A_815], %swap3A_818 {add = true, strides = array<i32>} : memref<1024xf32, #tpu.memory_space<vmem>>, vector<16xf32>,
      }
      %scan3A_337 = arith.constant 64 : i32
      %jit3A_338 = arith.constant 4 : i32
      %eq3A_339 = arith.constant 0 : i32
      %eq3A_340 = arith.cmpi eq, %jit3A_338, %eq3A_339 : i32
      %jit3A_341 = arith.constant 1 : i32
      %select_n3A_342 = arith.select %eq3A_340, %jit3A_341, %jit3A_338 : i32
      %rem3A_343 = arith.remsi %add3A_287, %select_n3A_342 : i32
      %ne3A_344 = arith.constant 0 : i32
      %ne3A_345 = arith.cmpi ne, %rem3A_343, %ne3A_344 : i32
      %lt3A_346 = arith.constant 0 : i32
      %lt3A_347 = arith.cmpi slt, %rem3A_343, %lt3A_346 : i32
      %lt3A_348 = arith.constant 0 : i32
      %lt3A_349 = arith.cmpi slt, %select_n3A_342, %lt3A_348 : i32
      %ne3A_350 = arith.xori %lt3A_347, %lt3A_349 : i1
      %and3A_351 = arith.andi %ne3A_350, %ne3A_345 : i1
      %add3A_352 = arith.addi %rem3A_343, %select_n3A_342 : i32
      %select_n3A_353 = arith.select %and3A_351, %add3A_352, %rem3A_343 : i32
      %eq3A_354 = arith.constant 3 : i32
      %eq3A_355 = arith.cmpi eq, %select_n3A_353, %eq3A_354 : i32
      %convert_element_type3A_356 = arith.extui %eq3A_355 : i1 to i32
      %cond3A_357 = arith.constant 0 : i32
      %cond3A_358 = arith.cmpi ne, %convert_element_type3A_356, %cond3A_357 : i32
      scf.if %cond3A_358 {
        %jit3A_366 = arith.constant 4 : i32
        %div3A = arith.divsi %add3A_287, %jit3A_366 : i32
        %sign3A = arith.constant 0 : i32
        %sign3A_367 = arith.cmpi sgt, %add3A_287, %sign3A : i32
        %sign3A_368 = arith.extui %sign3A_367 : i1 to i32
        %sign3A_369 = arith.constant 0 : i32
        %sign3A_370 = arith.cmpi slt, %add3A_287, %sign3A_369 : i32
        %sign3A_371 = arith.extui %sign3A_370 : i1 to i32
        %sign3A_372 = arith.subi %sign3A_368, %sign3A_371 : i32
        %sign3A_373 = arith.constant 0 : i32
        %sign3A_374 = arith.cmpi sgt, %jit3A_366, %sign3A_373 : i32
        %sign3A_375 = arith.extui %sign3A_374 : i1 to i32
        %sign3A_376 = arith.constant 0 : i32
        %sign3A_377 = arith.cmpi slt, %jit3A_366, %sign3A_376 : i32
        %sign3A_378 = arith.extui %sign3A_377 : i1 to i32
        %sign3A_379 = arith.subi %sign3A_375, %sign3A_378 : i32
        %ne3A_380 = arith.cmpi ne, %sign3A_372, %sign3A_379 : i32
        %rem3A_381 = arith.remsi %add3A_287, %jit3A_366 : i32
        %ne3A_382 = arith.constant 0 : i32
        %ne3A_383 = arith.cmpi ne, %rem3A_381, %ne3A_382 : i32
        %and3A_384 = arith.andi %ne3A_380, %ne3A_383 : i1
        %sub3A = arith.constant 1 : i32
        %sub3A_385 = arith.subi %div3A, %sub3A : i32
        %select_n3A_386 = arith.select %and3A_384, %sub3A_385, %div3A : i32
        "tpu.region"() ({
          %run_scoped3A = tpu.sem_alloc : memref<!tpu.dma_semaphore, #tpu.memory_space<semaphore_mem>>
          %dma_start3A_645 = arith.constant 0 : i32
          %dma_start3A_646 = tpu.memref_slice %arg3[%select_n3A_386, %add3A, %dma_start3A_645] : memref<3x32x1024xf32, #tpu.memory_space<hbm>> -> memref<1x1x1024xf32, #tpu.memory_space<hbm>>
          %dma_start3A_647 = tpu.memref_squeeze %dma_start3A_646 : memref<1x1x1024xf32, #tpu.memory_space<hbm>> -> memref<1024xf32, #tpu.memory_space<hbm>>
          %dma_start3A_648 = arith.constant 0 : i32
          %dma_start3A_649 = tpu.memref_slice %arg3[%select_n3A_386, %add3A, %dma_start3A_648] : memref<3x32x1024xf32, #tpu.memory_space<hbm>> -> memref<1x1x1024xf32, #tpu.memory_space<hbm>>
          %dma_start3A_650 = tpu.memref_squeeze %dma_start3A_649 : memref<1x1x1024xf32, #tpu.memory_space<hbm>> -> memref<1024xf32, #tpu.memory_space<hbm>>
          tpu.enqueue_dma source(%arg6 : memref<1024xf32, #tpu.memory_space<vmem>>) target(%dma_start3A_650 : memref<1024xf32, #tpu.memory_space<hbm>>) target_semaphore(%run_scoped3A : memref<!tpu.dma_semaphore, #tpu.memory_space<semaphore_mem>>)
          %dma_wait3A_651 = arith.constant 0 : i32
          %dma_wait3A_652 = tpu.memref_slice %arg3[%select_n3A_386, %add3A, %dma_wait3A_651] : memref<3x32x1024xf32, #tpu.memory_space<hbm>> -> memref<1x1x1024xf32, #tpu.memory_space<hbm>>
          %dma_wait3A_653 = tpu.memref_squeeze %dma_wait3A_652 : memref<1x1x1024xf32, #tpu.memory_space<hbm>> -> memref<1024xf32, #tpu.memory_space<hbm>>
          %dma_wait3A_654 = arith.constant 0 : i32
          %dma_wait3A_655 = tpu.memref_slice %arg3[%select_n3A_386, %add3A, %dma_wait3A_654] : memref<3x32x1024xf32, #tpu.memory_space<hbm>> -> memref<1x1x1024xf32, #tpu.memory_space<hbm>>
          %dma_wait3A_656 = tpu.memref_squeeze %dma_wait3A_655 : memref<1x1x1024xf32, #tpu.memory_space<hbm>> -> memref<1024xf32, #tpu.memory_space<hbm>>
          tpu.wait_dma2 semaphore(%run_scoped3A : memref<!tpu.dma_semaphore, #tpu.memory_space<semaphore_mem>>) src(%arg6 : memref<1024xf32, #tpu.memory_space<vmem>>) dst(%dma_wait3A_656 : memref<1024xf32, #tpu.memory_space<hbm>>)
          tpu.yield
        }) : () -> ()
        %broadcast_in_dim3A_387 = arith.constant 0.000000e+00 : f32
        %broadcast_in_dim3A_388 = vector.broadcast %broadcast_in_dim3A_387 : f32 to vector<16xf32>
        %swap3A_389 = arith.constant 0 : index
        %swap3A_390 = tpu.vector_load %arg6[%swap3A_389] {strides = array<i32>} : memref<1024xf32, #tpu.memory_space<vmem>>, vector<16xf32>,
        %swap3A_391 = vector.shape_cast %swap3A_390 : vector<16xf32> to vector<16xf32>
        %swap3A_392 = vector.shape_cast %broadcast_in_dim3A_388 : vector<16xf32> to vector<16xf32>
        tpu.vector_store %arg6[%swap3A_389], %swap3A_392 {strides = array<i32>} : memref<1024xf32, #tpu.memory_space<vmem>>, vector<16xf32>,
        %swap3A_393 = arith.constant 16 : index
        %swap3A_394 = tpu.vector_load %arg6[%swap3A_393] {strides = array<i32>} : memref<1024xf32, #tpu.memory_space<vmem>>, vector<16xf32>,
        %swap3A_395 = vector.shape_cast %swap3A_394 : vector<16xf32> to vector<16xf32>
        %swap3A_396 = vector.shape_cast %broadcast_in_dim3A_388 : vector<16xf32> to vector<16xf32>
        tpu.vector_store %arg6[%swap3A_393], %swap3A_396 {strides = array<i32>} : memref<1024xf32, #tpu.memory_space<vmem>>, vector<16xf32>,
        %swap3A_397 = arith.constant 32 : index
        %swap3A_398 = tpu.vector_load %arg6[%swap3A_397] {strides = array<i32>} : memref<1024xf32, #tpu.memory_space<vmem>>, vector<16xf32>,
        %swap3A_399 = vector.shape_cast %swap3A_398 : vector<16xf32> to vector<16xf32>
        %swap3A_400 = vector.shape_cast %broadcast_in_dim3A_388 : vector<16xf32> to vector<16xf32>
        tpu.vector_store %arg6[%swap3A_397], %swap3A_400 {strides = array<i32>} : memref<1024xf32, #tpu.memory_space<vmem>>, vector<16xf32>,
        %swap3A_401 = arith.constant 48 : index
        %swap3A_402 = tpu.vector_load %arg6[%swap3A_401] {strides = array<i32>} : memref<1024xf32, #tpu.memory_space<vmem>>, vector<16xf32>,
        %swap3A_403 = vector.shape_cast %swap3A_402 : vector<16xf32> to vector<16xf32>
        %swap3A_404 = vector.shape_cast %broadcast_in_dim3A_388 : vector<16xf32> to vector<16xf32>
        tpu.vector_store %arg6[%swap3A_401], %swap3A_404 {strides = array<i32>} : memref<1024xf32, #tpu.memory_space<vmem>>, vector<16xf32>,
        %swap3A_405 = arith.constant 64 : index
        %swap3A_406 = tpu.vector_load %arg6[%swap3A_405] {strides = array<i32>} : memref<1024xf32, #tpu.memory_space<vmem>>, vector<16xf32>,
        %swap3A_407 = vector.shape_cast %swap3A_406 : vector<16xf32> to vector<16xf32>
        %swap3A_408 = vector.shape_cast %broadcast_in_dim3A_388 : vector<16xf32> to vector<16xf32>
        tpu.vector_store %arg6[%swap3A_405], %swap3A_408 {strides = array<i32>} : memref<1024xf32, #tpu.memory_space<vmem>>, vector<16xf32>,
        %swap3A_409 = arith.constant 80 : index
        %swap3A_410 = tpu.vector_load %arg6[%swap3A_409] {strides = array<i32>} : memref<1024xf32, #tpu.memory_space<vmem>>, vector<16xf32>,
        %swap3A_411 = vector.shape_cast %swap3A_410 : vector<16xf32> to vector<16xf32>
        %swap3A_412 = vector.shape_cast %broadcast_in_dim3A_388 : vector<16xf32> to vector<16xf32>
        tpu.vector_store %arg6[%swap3A_409], %swap3A_412 {strides = array<i32>} : memref<1024xf32, #tpu.memory_space<vmem>>, vector<16xf32>,
        %swap3A_413 = arith.constant 96 : index
        %swap3A_414 = tpu.vector_load %arg6[%swap3A_413] {strides = array<i32>} : memref<1024xf32, #tpu.memory_space<vmem>>, vector<16xf32>,
        %swap3A_415 = vector.shape_cast %swap3A_414 : vector<16xf32> to vector<16xf32>
        %swap3A_416 = vector.shape_cast %broadcast_in_dim3A_388 : vector<16xf32> to vector<16xf32>
        tpu.vector_store %arg6[%swap3A_413], %swap3A_416 {strides = array<i32>} : memref<1024xf32, #tpu.memory_space<vmem>>, vector<16xf32>,
        %swap3A_417 = arith.constant 112 : index
        %swap3A_418 = tpu.vector_load %arg6[%swap3A_417] {strides = array<i32>} : memref<1024xf32, #tpu.memory_space<vmem>>, vector<16xf32>,
        %swap3A_419 = vector.shape_cast %swap3A_418 : vector<16xf32> to vector<16xf32>
        %swap3A_420 = vector.shape_cast %broadcast_in_dim3A_388 : vector<16xf32> to vector<16xf32>
        tpu.vector_store %arg6[%swap3A_417], %swap3A_420 {strides = array<i32>} : memref<1024xf32, #tpu.memory_space<vmem>>, vector<16xf32>,
        %swap3A_421 = arith.constant 128 : index
        %swap3A_422 = tpu.vector_load %arg6[%swap3A_421] {strides = array<i32>} : memref<1024xf32, #tpu.memory_space<vmem>>, vector<16xf32>,
        %swap3A_423 = vector.shape_cast %swap3A_422 : vector<16xf32> to vector<16xf32>
        %swap3A_424 = vector.shape_cast %broadcast_in_dim3A_388 : vector<16xf32> to vector<16xf32>
        tpu.vector_store %arg6[%swap3A_421], %swap3A_424 {strides = array<i32>} : memref<1024xf32, #tpu.memory_space<vmem>>, vector<16xf32>,
        %swap3A_425 = arith.constant 144 : index
        %swap3A_426 = tpu.vector_load %arg6[%swap3A_425] {strides = array<i32>} : memref<1024xf32, #tpu.memory_space<vmem>>, vector<16xf32>,
        %swap3A_427 = vector.shape_cast %swap3A_426 : vector<16xf32> to vector<16xf32>
        %swap3A_428 = vector.shape_cast %broadcast_in_dim3A_388 : vector<16xf32> to vector<16xf32>
        tpu.vector_store %arg6[%swap3A_425], %swap3A_428 {strides = array<i32>} : memref<1024xf32, #tpu.memory_space<vmem>>, vector<16xf32>,
        %swap3A_429 = arith.constant 160 : index
        %swap3A_430 = tpu.vector_load %arg6[%swap3A_429] {strides = array<i32>} : memref<1024xf32, #tpu.memory_space<vmem>>, vector<16xf32>,
        %swap3A_431 = vector.shape_cast %swap3A_430 : vector<16xf32> to vector<16xf32>
        %swap3A_432 = vector.shape_cast %broadcast_in_dim3A_388 : vector<16xf32> to vector<16xf32>
        tpu.vector_store %arg6[%swap3A_429], %swap3A_432 {strides = array<i32>} : memref<1024xf32, #tpu.memory_space<vmem>>, vector<16xf32>,
        %swap3A_433 = arith.constant 176 : index
        %swap3A_434 = tpu.vector_load %arg6[%swap3A_433] {strides = array<i32>} : memref<1024xf32, #tpu.memory_space<vmem>>, vector<16xf32>,
        %swap3A_435 = vector.shape_cast %swap3A_434 : vector<16xf32> to vector<16xf32>
        %swap3A_436 = vector.shape_cast %broadcast_in_dim3A_388 : vector<16xf32> to vector<16xf32>
        tpu.vector_store %arg6[%swap3A_433], %swap3A_436 {strides = array<i32>} : memref<1024xf32, #tpu.memory_space<vmem>>, vector<16xf32>,
        %swap3A_437 = arith.constant 192 : index
        %swap3A_438 = tpu.vector_load %arg6[%swap3A_437] {strides = array<i32>} : memref<1024xf32, #tpu.memory_space<vmem>>, vector<16xf32>,
        %swap3A_439 = vector.shape_cast %swap3A_438 : vector<16xf32> to vector<16xf32>
        %swap3A_440 = vector.shape_cast %broadcast_in_dim3A_388 : vector<16xf32> to vector<16xf32>
        tpu.vector_store %arg6[%swap3A_437], %swap3A_440 {strides = array<i32>} : memref<1024xf32, #tpu.memory_space<vmem>>, vector<16xf32>,
        %swap3A_441 = arith.constant 208 : index
        %swap3A_442 = tpu.vector_load %arg6[%swap3A_441] {strides = array<i32>} : memref<1024xf32, #tpu.memory_space<vmem>>, vector<16xf32>,
        %swap3A_443 = vector.shape_cast %swap3A_442 : vector<16xf32> to vector<16xf32>
        %swap3A_444 = vector.shape_cast %broadcast_in_dim3A_388 : vector<16xf32> to vector<16xf32>
        tpu.vector_store %arg6[%swap3A_441], %swap3A_444 {strides = array<i32>} : memref<1024xf32, #tpu.memory_space<vmem>>, vector<16xf32>,
        %swap3A_445 = arith.constant 224 : index
        %swap3A_446 = tpu.vector_load %arg6[%swap3A_445] {strides = array<i32>} : memref<1024xf32, #tpu.memory_space<vmem>>, vector<16xf32>,
        %swap3A_447 = vector.shape_cast %swap3A_446 : vector<16xf32> to vector<16xf32>
        %swap3A_448 = vector.shape_cast %broadcast_in_dim3A_388 : vector<16xf32> to vector<16xf32>
        tpu.vector_store %arg6[%swap3A_445], %swap3A_448 {strides = array<i32>} : memref<1024xf32, #tpu.memory_space<vmem>>, vector<16xf32>,
        %swap3A_449 = arith.constant 240 : index
        %swap3A_450 = tpu.vector_load %arg6[%swap3A_449] {strides = array<i32>} : memref<1024xf32, #tpu.memory_space<vmem>>, vector<16xf32>,
        %swap3A_451 = vector.shape_cast %swap3A_450 : vector<16xf32> to vector<16xf32>
        %swap3A_452 = vector.shape_cast %broadcast_in_dim3A_388 : vector<16xf32> to vector<16xf32>
        tpu.vector_store %arg6[%swap3A_449], %swap3A_452 {strides = array<i32>} : memref<1024xf32, #tpu.memory_space<vmem>>, vector<16xf32>,
        %swap3A_453 = arith.constant 256 : index
        %swap3A_454 = tpu.vector_load %arg6[%swap3A_453] {strides = array<i32>} : memref<1024xf32, #tpu.memory_space<vmem>>, vector<16xf32>,
        %swap3A_455 = vector.shape_cast %swap3A_454 : vector<16xf32> to vector<16xf32>
        %swap3A_456 = vector.shape_cast %broadcast_in_dim3A_388 : vector<16xf32> to vector<16xf32>
        tpu.vector_store %arg6[%swap3A_453], %swap3A_456 {strides = array<i32>} : memref<1024xf32, #tpu.memory_space<vmem>>, vector<16xf32>,
        %swap3A_457 = arith.constant 272 : index
        %swap3A_458 = tpu.vector_load %arg6[%swap3A_457] {strides = array<i32>} : memref<1024xf32, #tpu.memory_space<vmem>>, vector<16xf32>,
        %swap3A_459 = vector.shape_cast %swap3A_458 : vector<16xf32> to vector<16xf32>
        %swap3A_460 = vector.shape_cast %broadcast_in_dim3A_388 : vector<16xf32> to vector<16xf32>
        tpu.vector_store %arg6[%swap3A_457], %swap3A_460 {strides = array<i32>} : memref<1024xf32, #tpu.memory_space<vmem>>, vector<16xf32>,
        %swap3A_461 = arith.constant 288 : index
        %swap3A_462 = tpu.vector_load %arg6[%swap3A_461] {strides = array<i32>} : memref<1024xf32, #tpu.memory_space<vmem>>, vector<16xf32>,
        %swap3A_463 = vector.shape_cast %swap3A_462 : vector<16xf32> to vector<16xf32>
        %swap3A_464 = vector.shape_cast %broadcast_in_dim3A_388 : vector<16xf32> to vector<16xf32>
        tpu.vector_store %arg6[%swap3A_461], %swap3A_464 {strides = array<i32>} : memref<1024xf32, #tpu.memory_space<vmem>>, vector<16xf32>,
        %swap3A_465 = arith.constant 304 : index
        %swap3A_466 = tpu.vector_load %arg6[%swap3A_465] {strides = array<i32>} : memref<1024xf32, #tpu.memory_space<vmem>>, vector<16xf32>,
        %swap3A_467 = vector.shape_cast %swap3A_466 : vector<16xf32> to vector<16xf32>
        %swap3A_468 = vector.shape_cast %broadcast_in_dim3A_388 : vector<16xf32> to vector<16xf32>
        tpu.vector_store %arg6[%swap3A_465], %swap3A_468 {strides = array<i32>} : memref<1024xf32, #tpu.memory_space<vmem>>, vector<16xf32>,
        %swap3A_469 = arith.constant 320 : index
        %swap3A_470 = tpu.vector_load %arg6[%swap3A_469] {strides = array<i32>} : memref<1024xf32, #tpu.memory_space<vmem>>, vector<16xf32>,
        %swap3A_471 = vector.shape_cast %swap3A_470 : vector<16xf32> to vector<16xf32>
        %swap3A_472 = vector.shape_cast %broadcast_in_dim3A_388 : vector<16xf32> to vector<16xf32>
        tpu.vector_store %arg6[%swap3A_469], %swap3A_472 {strides = array<i32>} : memref<1024xf32, #tpu.memory_space<vmem>>, vector<16xf32>,
        %swap3A_473 = arith.constant 336 : index
        %swap3A_474 = tpu.vector_load %arg6[%swap3A_473] {strides = array<i32>} : memref<1024xf32, #tpu.memory_space<vmem>>, vector<16xf32>,
        %swap3A_475 = vector.shape_cast %swap3A_474 : vector<16xf32> to vector<16xf32>
        %swap3A_476 = vector.shape_cast %broadcast_in_dim3A_388 : vector<16xf32> to vector<16xf32>
        tpu.vector_store %arg6[%swap3A_473], %swap3A_476 {strides = array<i32>} : memref<1024xf32, #tpu.memory_space<vmem>>, vector<16xf32>,
        %swap3A_477 = arith.constant 352 : index
        %swap3A_478 = tpu.vector_load %arg6[%swap3A_477] {strides = array<i32>} : memref<1024xf32, #tpu.memory_space<vmem>>, vector<16xf32>,
        %swap3A_479 = vector.shape_cast %swap3A_478 : vector<16xf32> to vector<16xf32>
        %swap3A_480 = vector.shape_cast %broadcast_in_dim3A_388 : vector<16xf32> to vector<16xf32>
        tpu.vector_store %arg6[%swap3A_477], %swap3A_480 {strides = array<i32>} : memref<1024xf32, #tpu.memory_space<vmem>>, vector<16xf32>,
        %swap3A_481 = arith.constant 368 : index
        %swap3A_482 = tpu.vector_load %arg6[%swap3A_481] {strides = array<i32>} : memref<1024xf32, #tpu.memory_space<vmem>>, vector<16xf32>,
        %swap3A_483 = vector.shape_cast %swap3A_482 : vector<16xf32> to vector<16xf32>
        %swap3A_484 = vector.shape_cast %broadcast_in_dim3A_388 : vector<16xf32> to vector<16xf32>
        tpu.vector_store %arg6[%swap3A_481], %swap3A_484 {strides = array<i32>} : memref<1024xf32, #tpu.memory_space<vmem>>, vector<16xf32>,
        %swap3A_485 = arith.constant 384 : index
        %swap3A_486 = tpu.vector_load %arg6[%swap3A_485] {strides = array<i32>} : memref<1024xf32, #tpu.memory_space<vmem>>, vector<16xf32>,
        %swap3A_487 = vector.shape_cast %swap3A_486 : vector<16xf32> to vector<16xf32>
        %swap3A_488 = vector.shape_cast %broadcast_in_dim3A_388 : vector<16xf32> to vector<16xf32>
        tpu.vector_store %arg6[%swap3A_485], %swap3A_488 {strides = array<i32>} : memref<1024xf32, #tpu.memory_space<vmem>>, vector<16xf32>,
        %swap3A_489 = arith.constant 400 : index
        %swap3A_490 = tpu.vector_load %arg6[%swap3A_489] {strides = array<i32>} : memref<1024xf32, #tpu.memory_space<vmem>>, vector<16xf32>,
        %swap3A_491 = vector.shape_cast %swap3A_490 : vector<16xf32> to vector<16xf32>
        %swap3A_492 = vector.shape_cast %broadcast_in_dim3A_388 : vector<16xf32> to vector<16xf32>
        tpu.vector_store %arg6[%swap3A_489], %swap3A_492 {strides = array<i32>} : memref<1024xf32, #tpu.memory_space<vmem>>, vector<16xf32>,
        %swap3A_493 = arith.constant 416 : index
        %swap3A_494 = tpu.vector_load %arg6[%swap3A_493] {strides = array<i32>} : memref<1024xf32, #tpu.memory_space<vmem>>, vector<16xf32>,
        %swap3A_495 = vector.shape_cast %swap3A_494 : vector<16xf32> to vector<16xf32>
        %swap3A_496 = vector.shape_cast %broadcast_in_dim3A_388 : vector<16xf32> to vector<16xf32>
        tpu.vector_store %arg6[%swap3A_493], %swap3A_496 {strides = array<i32>} : memref<1024xf32, #tpu.memory_space<vmem>>, vector<16xf32>,
        %swap3A_497 = arith.constant 432 : index
        %swap3A_498 = tpu.vector_load %arg6[%swap3A_497] {strides = array<i32>} : memref<1024xf32, #tpu.memory_space<vmem>>, vector<16xf32>,
        %swap3A_499 = vector.shape_cast %swap3A_498 : vector<16xf32> to vector<16xf32>
        %swap3A_500 = vector.shape_cast %broadcast_in_dim3A_388 : vector<16xf32> to vector<16xf32>
        tpu.vector_store %arg6[%swap3A_497], %swap3A_500 {strides = array<i32>} : memref<1024xf32, #tpu.memory_space<vmem>>, vector<16xf32>,
        %swap3A_501 = arith.constant 448 : index
        %swap3A_502 = tpu.vector_load %arg6[%swap3A_501] {strides = array<i32>} : memref<1024xf32, #tpu.memory_space<vmem>>, vector<16xf32>,
        %swap3A_503 = vector.shape_cast %swap3A_502 : vector<16xf32> to vector<16xf32>
        %swap3A_504 = vector.shape_cast %broadcast_in_dim3A_388 : vector<16xf32> to vector<16xf32>
        tpu.vector_store %arg6[%swap3A_501], %swap3A_504 {strides = array<i32>} : memref<1024xf32, #tpu.memory_space<vmem>>, vector<16xf32>,
        %swap3A_505 = arith.constant 464 : index
        %swap3A_506 = tpu.vector_load %arg6[%swap3A_505] {strides = array<i32>} : memref<1024xf32, #tpu.memory_space<vmem>>, vector<16xf32>,
        %swap3A_507 = vector.shape_cast %swap3A_506 : vector<16xf32> to vector<16xf32>
        %swap3A_508 = vector.shape_cast %broadcast_in_dim3A_388 : vector<16xf32> to vector<16xf32>
        tpu.vector_store %arg6[%swap3A_505], %swap3A_508 {strides = array<i32>} : memref<1024xf32, #tpu.memory_space<vmem>>, vector<16xf32>,
        %swap3A_509 = arith.constant 480 : index
        %swap3A_510 = tpu.vector_load %arg6[%swap3A_509] {strides = array<i32>} : memref<1024xf32, #tpu.memory_space<vmem>>, vector<16xf32>,
        %swap3A_511 = vector.shape_cast %swap3A_510 : vector<16xf32> to vector<16xf32>
        %swap3A_512 = vector.shape_cast %broadcast_in_dim3A_388 : vector<16xf32> to vector<16xf32>
        tpu.vector_store %arg6[%swap3A_509], %swap3A_512 {strides = array<i32>} : memref<1024xf32, #tpu.memory_space<vmem>>, vector<16xf32>,
        %swap3A_513 = arith.constant 496 : index
        %swap3A_514 = tpu.vector_load %arg6[%swap3A_513] {strides = array<i32>} : memref<1024xf32, #tpu.memory_space<vmem>>, vector<16xf32>,
        %swap3A_515 = vector.shape_cast %swap3A_514 : vector<16xf32> to vector<16xf32>
        %swap3A_516 = vector.shape_cast %broadcast_in_dim3A_388 : vector<16xf32> to vector<16xf32>
        tpu.vector_store %arg6[%swap3A_513], %swap3A_516 {strides = array<i32>} : memref<1024xf32, #tpu.memory_space<vmem>>, vector<16xf32>,
        %swap3A_517 = arith.constant 512 : index
        %swap3A_518 = tpu.vector_load %arg6[%swap3A_517] {strides = array<i32>} : memref<1024xf32, #tpu.memory_space<vmem>>, vector<16xf32>,
        %swap3A_519 = vector.shape_cast %swap3A_518 : vector<16xf32> to vector<16xf32>
        %swap3A_520 = vector.shape_cast %broadcast_in_dim3A_388 : vector<16xf32> to vector<16xf32>
        tpu.vector_store %arg6[%swap3A_517], %swap3A_520 {strides = array<i32>} : memref<1024xf32, #tpu.memory_space<vmem>>, vector<16xf32>,
        %swap3A_521 = arith.constant 528 : index
        %swap3A_522 = tpu.vector_load %arg6[%swap3A_521] {strides = array<i32>} : memref<1024xf32, #tpu.memory_space<vmem>>, vector<16xf32>,
        %swap3A_523 = vector.shape_cast %swap3A_522 : vector<16xf32> to vector<16xf32>
        %swap3A_524 = vector.shape_cast %broadcast_in_dim3A_388 : vector<16xf32> to vector<16xf32>
        tpu.vector_store %arg6[%swap3A_521], %swap3A_524 {strides = array<i32>} : memref<1024xf32, #tpu.memory_space<vmem>>, vector<16xf32>,
        %swap3A_525 = arith.constant 544 : index
        %swap3A_526 = tpu.vector_load %arg6[%swap3A_525] {strides = array<i32>} : memref<1024xf32, #tpu.memory_space<vmem>>, vector<16xf32>,
        %swap3A_527 = vector.shape_cast %swap3A_526 : vector<16xf32> to vector<16xf32>
        %swap3A_528 = vector.shape_cast %broadcast_in_dim3A_388 : vector<16xf32> to vector<16xf32>
        tpu.vector_store %arg6[%swap3A_525], %swap3A_528 {strides = array<i32>} : memref<1024xf32, #tpu.memory_space<vmem>>, vector<16xf32>,
        %swap3A_529 = arith.constant 560 : index
        %swap3A_530 = tpu.vector_load %arg6[%swap3A_529] {strides = array<i32>} : memref<1024xf32, #tpu.memory_space<vmem>>, vector<16xf32>,
        %swap3A_531 = vector.shape_cast %swap3A_530 : vector<16xf32> to vector<16xf32>
        %swap3A_532 = vector.shape_cast %broadcast_in_dim3A_388 : vector<16xf32> to vector<16xf32>
        tpu.vector_store %arg6[%swap3A_529], %swap3A_532 {strides = array<i32>} : memref<1024xf32, #tpu.memory_space<vmem>>, vector<16xf32>,
        %swap3A_533 = arith.constant 576 : index
        %swap3A_534 = tpu.vector_load %arg6[%swap3A_533] {strides = array<i32>} : memref<1024xf32, #tpu.memory_space<vmem>>, vector<16xf32>,
        %swap3A_535 = vector.shape_cast %swap3A_534 : vector<16xf32> to vector<16xf32>
        %swap3A_536 = vector.shape_cast %broadcast_in_dim3A_388 : vector<16xf32> to vector<16xf32>
        tpu.vector_store %arg6[%swap3A_533], %swap3A_536 {strides = array<i32>} : memref<1024xf32, #tpu.memory_space<vmem>>, vector<16xf32>,
        %swap3A_537 = arith.constant 592 : index
        %swap3A_538 = tpu.vector_load %arg6[%swap3A_537] {strides = array<i32>} : memref<1024xf32, #tpu.memory_space<vmem>>, vector<16xf32>,
        %swap3A_539 = vector.shape_cast %swap3A_538 : vector<16xf32> to vector<16xf32>
        %swap3A_540 = vector.shape_cast %broadcast_in_dim3A_388 : vector<16xf32> to vector<16xf32>
        tpu.vector_store %arg6[%swap3A_537], %swap3A_540 {strides = array<i32>} : memref<1024xf32, #tpu.memory_space<vmem>>, vector<16xf32>,
        %swap3A_541 = arith.constant 608 : index
        %swap3A_542 = tpu.vector_load %arg6[%swap3A_541] {strides = array<i32>} : memref<1024xf32, #tpu.memory_space<vmem>>, vector<16xf32>,
        %swap3A_543 = vector.shape_cast %swap3A_542 : vector<16xf32> to vector<16xf32>
        %swap3A_544 = vector.shape_cast %broadcast_in_dim3A_388 : vector<16xf32> to vector<16xf32>
        tpu.vector_store %arg6[%swap3A_541], %swap3A_544 {strides = array<i32>} : memref<1024xf32, #tpu.memory_space<vmem>>, vector<16xf32>,
        %swap3A_545 = arith.constant 624 : index
        %swap3A_546 = tpu.vector_load %arg6[%swap3A_545] {strides = array<i32>} : memref<1024xf32, #tpu.memory_space<vmem>>, vector<16xf32>,
        %swap3A_547 = vector.shape_cast %swap3A_546 : vector<16xf32> to vector<16xf32>
        %swap3A_548 = vector.shape_cast %broadcast_in_dim3A_388 : vector<16xf32> to vector<16xf32>
        tpu.vector_store %arg6[%swap3A_545], %swap3A_548 {strides = array<i32>} : memref<1024xf32, #tpu.memory_space<vmem>>, vector<16xf32>,
        %swap3A_549 = arith.constant 640 : index
        %swap3A_550 = tpu.vector_load %arg6[%swap3A_549] {strides = array<i32>} : memref<1024xf32, #tpu.memory_space<vmem>>, vector<16xf32>,
        %swap3A_551 = vector.shape_cast %swap3A_550 : vector<16xf32> to vector<16xf32>
        %swap3A_552 = vector.shape_cast %broadcast_in_dim3A_388 : vector<16xf32> to vector<16xf32>
        tpu.vector_store %arg6[%swap3A_549], %swap3A_552 {strides = array<i32>} : memref<1024xf32, #tpu.memory_space<vmem>>, vector<16xf32>,
        %swap3A_553 = arith.constant 656 : index
        %swap3A_554 = tpu.vector_load %arg6[%swap3A_553] {strides = array<i32>} : memref<1024xf32, #tpu.memory_space<vmem>>, vector<16xf32>,
        %swap3A_555 = vector.shape_cast %swap3A_554 : vector<16xf32> to vector<16xf32>
        %swap3A_556 = vector.shape_cast %broadcast_in_dim3A_388 : vector<16xf32> to vector<16xf32>
        tpu.vector_store %arg6[%swap3A_553], %swap3A_556 {strides = array<i32>} : memref<1024xf32, #tpu.memory_space<vmem>>, vector<16xf32>,
        %swap3A_557 = arith.constant 672 : index
        %swap3A_558 = tpu.vector_load %arg6[%swap3A_557] {strides = array<i32>} : memref<1024xf32, #tpu.memory_space<vmem>>, vector<16xf32>,
        %swap3A_559 = vector.shape_cast %swap3A_558 : vector<16xf32> to vector<16xf32>
        %swap3A_560 = vector.shape_cast %broadcast_in_dim3A_388 : vector<16xf32> to vector<16xf32>
        tpu.vector_store %arg6[%swap3A_557], %swap3A_560 {strides = array<i32>} : memref<1024xf32, #tpu.memory_space<vmem>>, vector<16xf32>,
        %swap3A_561 = arith.constant 688 : index
        %swap3A_562 = tpu.vector_load %arg6[%swap3A_561] {strides = array<i32>} : memref<1024xf32, #tpu.memory_space<vmem>>, vector<16xf32>,
        %swap3A_563 = vector.shape_cast %swap3A_562 : vector<16xf32> to vector<16xf32>
        %swap3A_564 = vector.shape_cast %broadcast_in_dim3A_388 : vector<16xf32> to vector<16xf32>
        tpu.vector_store %arg6[%swap3A_561], %swap3A_564 {strides = array<i32>} : memref<1024xf32, #tpu.memory_space<vmem>>, vector<16xf32>,
        %swap3A_565 = arith.constant 704 : index
        %swap3A_566 = tpu.vector_load %arg6[%swap3A_565] {strides = array<i32>} : memref<1024xf32, #tpu.memory_space<vmem>>, vector<16xf32>,
        %swap3A_567 = vector.shape_cast %swap3A_566 : vector<16xf32> to vector<16xf32>
        %swap3A_568 = vector.shape_cast %broadcast_in_dim3A_388 : vector<16xf32> to vector<16xf32>
        tpu.vector_store %arg6[%swap3A_565], %swap3A_568 {strides = array<i32>} : memref<1024xf32, #tpu.memory_space<vmem>>, vector<16xf32>,
        %swap3A_569 = arith.constant 720 : index
        %swap3A_570 = tpu.vector_load %arg6[%swap3A_569] {strides = array<i32>} : memref<1024xf32, #tpu.memory_space<vmem>>, vector<16xf32>,
        %swap3A_571 = vector.shape_cast %swap3A_570 : vector<16xf32> to vector<16xf32>
        %swap3A_572 = vector.shape_cast %broadcast_in_dim3A_388 : vector<16xf32> to vector<16xf32>
        tpu.vector_store %arg6[%swap3A_569], %swap3A_572 {strides = array<i32>} : memref<1024xf32, #tpu.memory_space<vmem>>, vector<16xf32>,
        %swap3A_573 = arith.constant 736 : index
        %swap3A_574 = tpu.vector_load %arg6[%swap3A_573] {strides = array<i32>} : memref<1024xf32, #tpu.memory_space<vmem>>, vector<16xf32>,
        %swap3A_575 = vector.shape_cast %swap3A_574 : vector<16xf32> to vector<16xf32>
        %swap3A_576 = vector.shape_cast %broadcast_in_dim3A_388 : vector<16xf32> to vector<16xf32>
        tpu.vector_store %arg6[%swap3A_573], %swap3A_576 {strides = array<i32>} : memref<1024xf32, #tpu.memory_space<vmem>>, vector<16xf32>,
        %swap3A_577 = arith.constant 752 : index
        %swap3A_578 = tpu.vector_load %arg6[%swap3A_577] {strides = array<i32>} : memref<1024xf32, #tpu.memory_space<vmem>>, vector<16xf32>,
        %swap3A_579 = vector.shape_cast %swap3A_578 : vector<16xf32> to vector<16xf32>
        %swap3A_580 = vector.shape_cast %broadcast_in_dim3A_388 : vector<16xf32> to vector<16xf32>
        tpu.vector_store %arg6[%swap3A_577], %swap3A_580 {strides = array<i32>} : memref<1024xf32, #tpu.memory_space<vmem>>, vector<16xf32>,
        %swap3A_581 = arith.constant 768 : index
        %swap3A_582 = tpu.vector_load %arg6[%swap3A_581] {strides = array<i32>} : memref<1024xf32, #tpu.memory_space<vmem>>, vector<16xf32>,
        %swap3A_583 = vector.shape_cast %swap3A_582 : vector<16xf32> to vector<16xf32>
        %swap3A_584 = vector.shape_cast %broadcast_in_dim3A_388 : vector<16xf32> to vector<16xf32>
        tpu.vector_store %arg6[%swap3A_581], %swap3A_584 {strides = array<i32>} : memref<1024xf32, #tpu.memory_space<vmem>>, vector<16xf32>,
        %swap3A_585 = arith.constant 784 : index
        %swap3A_586 = tpu.vector_load %arg6[%swap3A_585] {strides = array<i32>} : memref<1024xf32, #tpu.memory_space<vmem>>, vector<16xf32>,
        %swap3A_587 = vector.shape_cast %swap3A_586 : vector<16xf32> to vector<16xf32>
        %swap3A_588 = vector.shape_cast %broadcast_in_dim3A_388 : vector<16xf32> to vector<16xf32>
        tpu.vector_store %arg6[%swap3A_585], %swap3A_588 {strides = array<i32>} : memref<1024xf32, #tpu.memory_space<vmem>>, vector<16xf32>,
        %swap3A_589 = arith.constant 800 : index
        %swap3A_590 = tpu.vector_load %arg6[%swap3A_589] {strides = array<i32>} : memref<1024xf32, #tpu.memory_space<vmem>>, vector<16xf32>,
        %swap3A_591 = vector.shape_cast %swap3A_590 : vector<16xf32> to vector<16xf32>
        %swap3A_592 = vector.shape_cast %broadcast_in_dim3A_388 : vector<16xf32> to vector<16xf32>
        tpu.vector_store %arg6[%swap3A_589], %swap3A_592 {strides = array<i32>} : memref<1024xf32, #tpu.memory_space<vmem>>, vector<16xf32>,
        %swap3A_593 = arith.constant 816 : index
        %swap3A_594 = tpu.vector_load %arg6[%swap3A_593] {strides = array<i32>} : memref<1024xf32, #tpu.memory_space<vmem>>, vector<16xf32>,
        %swap3A_595 = vector.shape_cast %swap3A_594 : vector<16xf32> to vector<16xf32>
        %swap3A_596 = vector.shape_cast %broadcast_in_dim3A_388 : vector<16xf32> to vector<16xf32>
        tpu.vector_store %arg6[%swap3A_593], %swap3A_596 {strides = array<i32>} : memref<1024xf32, #tpu.memory_space<vmem>>, vector<16xf32>,
        %swap3A_597 = arith.constant 832 : index
        %swap3A_598 = tpu.vector_load %arg6[%swap3A_597] {strides = array<i32>} : memref<1024xf32, #tpu.memory_space<vmem>>, vector<16xf32>,
        %swap3A_599 = vector.shape_cast %swap3A_598 : vector<16xf32> to vector<16xf32>
        %swap3A_600 = vector.shape_cast %broadcast_in_dim3A_388 : vector<16xf32> to vector<16xf32>
        tpu.vector_store %arg6[%swap3A_597], %swap3A_600 {strides = array<i32>} : memref<1024xf32, #tpu.memory_space<vmem>>, vector<16xf32>,
        %swap3A_601 = arith.constant 848 : index
        %swap3A_602 = tpu.vector_load %arg6[%swap3A_601] {strides = array<i32>} : memref<1024xf32, #tpu.memory_space<vmem>>, vector<16xf32>,
        %swap3A_603 = vector.shape_cast %swap3A_602 : vector<16xf32> to vector<16xf32>
        %swap3A_604 = vector.shape_cast %broadcast_in_dim3A_388 : vector<16xf32> to vector<16xf32>
        tpu.vector_store %arg6[%swap3A_601], %swap3A_604 {strides = array<i32>} : memref<1024xf32, #tpu.memory_space<vmem>>, vector<16xf32>,
        %swap3A_605 = arith.constant 864 : index
        %swap3A_606 = tpu.vector_load %arg6[%swap3A_605] {strides = array<i32>} : memref<1024xf32, #tpu.memory_space<vmem>>, vector<16xf32>,
        %swap3A_607 = vector.shape_cast %swap3A_606 : vector<16xf32> to vector<16xf32>
        %swap3A_608 = vector.shape_cast %broadcast_in_dim3A_388 : vector<16xf32> to vector<16xf32>
        tpu.vector_store %arg6[%swap3A_605], %swap3A_608 {strides = array<i32>} : memref<1024xf32, #tpu.memory_space<vmem>>, vector<16xf32>,
        %swap3A_609 = arith.constant 880 : index
        %swap3A_610 = tpu.vector_load %arg6[%swap3A_609] {strides = array<i32>} : memref<1024xf32, #tpu.memory_space<vmem>>, vector<16xf32>,
        %swap3A_611 = vector.shape_cast %swap3A_610 : vector<16xf32> to vector<16xf32>
        %swap3A_612 = vector.shape_cast %broadcast_in_dim3A_388 : vector<16xf32> to vector<16xf32>
        tpu.vector_store %arg6[%swap3A_609], %swap3A_612 {strides = array<i32>} : memref<1024xf32, #tpu.memory_space<vmem>>, vector<16xf32>,
        %swap3A_613 = arith.constant 896 : index
        %swap3A_614 = tpu.vector_load %arg6[%swap3A_613] {strides = array<i32>} : memref<1024xf32, #tpu.memory_space<vmem>>, vector<16xf32>,
        %swap3A_615 = vector.shape_cast %swap3A_614 : vector<16xf32> to vector<16xf32>
        %swap3A_616 = vector.shape_cast %broadcast_in_dim3A_388 : vector<16xf32> to vector<16xf32>
        tpu.vector_store %arg6[%swap3A_613], %swap3A_616 {strides = array<i32>} : memref<1024xf32, #tpu.memory_space<vmem>>, vector<16xf32>,
        %swap3A_617 = arith.constant 912 : index
        %swap3A_618 = tpu.vector_load %arg6[%swap3A_617] {strides = array<i32>} : memref<1024xf32, #tpu.memory_space<vmem>>, vector<16xf32>,
        %swap3A_619 = vector.shape_cast %swap3A_618 : vector<16xf32> to vector<16xf32>
        %swap3A_620 = vector.shape_cast %broadcast_in_dim3A_388 : vector<16xf32> to vector<16xf32>
        tpu.vector_store %arg6[%swap3A_617], %swap3A_620 {strides = array<i32>} : memref<1024xf32, #tpu.memory_space<vmem>>, vector<16xf32>,
        %swap3A_621 = arith.constant 928 : index
        %swap3A_622 = tpu.vector_load %arg6[%swap3A_621] {strides = array<i32>} : memref<1024xf32, #tpu.memory_space<vmem>>, vector<16xf32>,
        %swap3A_623 = vector.shape_cast %swap3A_622 : vector<16xf32> to vector<16xf32>
        %swap3A_624 = vector.shape_cast %broadcast_in_dim3A_388 : vector<16xf32> to vector<16xf32>
        tpu.vector_store %arg6[%swap3A_621], %swap3A_624 {strides = array<i32>} : memref<1024xf32, #tpu.memory_space<vmem>>, vector<16xf32>,
        %swap3A_625 = arith.constant 944 : index
        %swap3A_626 = tpu.vector_load %arg6[%swap3A_625] {strides = array<i32>} : memref<1024xf32, #tpu.memory_space<vmem>>, vector<16xf32>,
        %swap3A_627 = vector.shape_cast %swap3A_626 : vector<16xf32> to vector<16xf32>
        %swap3A_628 = vector.shape_cast %broadcast_in_dim3A_388 : vector<16xf32> to vector<16xf32>
        tpu.vector_store %arg6[%swap3A_625], %swap3A_628 {strides = array<i32>} : memref<1024xf32, #tpu.memory_space<vmem>>, vector<16xf32>,
        %swap3A_629 = arith.constant 960 : index
        %swap3A_630 = tpu.vector_load %arg6[%swap3A_629] {strides = array<i32>} : memref<1024xf32, #tpu.memory_space<vmem>>, vector<16xf32>,
        %swap3A_631 = vector.shape_cast %swap3A_630 : vector<16xf32> to vector<16xf32>
        %swap3A_632 = vector.shape_cast %broadcast_in_dim3A_388 : vector<16xf32> to vector<16xf32>
        tpu.vector_store %arg6[%swap3A_629], %swap3A_632 {strides = array<i32>} : memref<1024xf32, #tpu.memory_space<vmem>>, vector<16xf32>,
        %swap3A_633 = arith.constant 976 : index
        %swap3A_634 = tpu.vector_load %arg6[%swap3A_633] {strides = array<i32>} : memref<1024xf32, #tpu.memory_space<vmem>>, vector<16xf32>,
        %swap3A_635 = vector.shape_cast %swap3A_634 : vector<16xf32> to vector<16xf32>
        %swap3A_636 = vector.shape_cast %broadcast_in_dim3A_388 : vector<16xf32> to vector<16xf32>
        tpu.vector_store %arg6[%swap3A_633], %swap3A_636 {strides = array<i32>} : memref<1024xf32, #tpu.memory_space<vmem>>, vector<16xf32>,
        %swap3A_637 = arith.constant 992 : index
        %swap3A_638 = tpu.vector_load %arg6[%swap3A_637] {strides = array<i32>} : memref<1024xf32, #tpu.memory_space<vmem>>, vector<16xf32>,
        %swap3A_639 = vector.shape_cast %swap3A_638 : vector<16xf32> to vector<16xf32>
        %swap3A_640 = vector.shape_cast %broadcast_in_dim3A_388 : vector<16xf32> to vector<16xf32>
        tpu.vector_store %arg6[%swap3A_637], %swap3A_640 {strides = array<i32>} : memref<1024xf32, #tpu.memory_space<vmem>>, vector<16xf32>,
        %swap3A_641 = arith.constant 1008 : index
        %swap3A_642 = tpu.vector_load %arg6[%swap3A_641] {strides = array<i32>} : memref<1024xf32, #tpu.memory_space<vmem>>, vector<16xf32>,
        %swap3A_643 = vector.shape_cast %swap3A_642 : vector<16xf32> to vector<16xf32>
        %swap3A_644 = vector.shape_cast %broadcast_in_dim3A_388 : vector<16xf32> to vector<16xf32>
        tpu.vector_store %arg6[%swap3A_641], %swap3A_644 {strides = array<i32>} : memref<1024xf32, #tpu.memory_space<vmem>>, vector<16xf32>,
      } else {
      }
      %add3A_359 = arith.constant 2 : i32
      %add3A_360 = arith.addi %add3A_287, %add3A_359 : i32
      %lt3A_361 = arith.constant 12 : i32
      %lt3A_362 = arith.cmpi slt, %add3A_360, %lt3A_361 : i32
      %convert_element_type3A_363 = arith.extui %lt3A_362 : i1 to i32
      %cond3A_364 = arith.constant 0 : i32
      %cond3A_365 = arith.cmpi ne, %convert_element_type3A_363, %cond3A_364 : i32
      scf.if %cond3A_365 {
        %add3A_366 = arith.constant 2 : i32
        %add3A_367 = arith.addi %add3A_287, %add3A_366 : i32
        %jit3A_368 = arith.constant 4 : i32
        %div3A = arith.divsi %add3A_367, %jit3A_368 : i32
        %sign3A = arith.constant 0 : i32
        %sign3A_369 = arith.cmpi sgt, %add3A_367, %sign3A : i32
        %sign3A_370 = arith.extui %sign3A_369 : i1 to i32
        %sign3A_371 = arith.constant 0 : i32
        %sign3A_372 = arith.cmpi slt, %add3A_367, %sign3A_371 : i32
        %sign3A_373 = arith.extui %sign3A_372 : i1 to i32
        %sign3A_374 = arith.subi %sign3A_370, %sign3A_373 : i32
        %sign3A_375 = arith.constant 0 : i32
        %sign3A_376 = arith.cmpi sgt, %jit3A_368, %sign3A_375 : i32
        %sign3A_377 = arith.extui %sign3A_376 : i1 to i32
        %sign3A_378 = arith.constant 0 : i32
        %sign3A_379 = arith.cmpi slt, %jit3A_368, %sign3A_378 : i32
        %sign3A_380 = arith.extui %sign3A_379 : i1 to i32
        %sign3A_381 = arith.subi %sign3A_377, %sign3A_380 : i32
        %ne3A_382 = arith.cmpi ne, %sign3A_374, %sign3A_381 : i32
        %rem3A_383 = arith.remsi %add3A_367, %jit3A_368 : i32
        %ne3A_384 = arith.constant 0 : i32
        %ne3A_385 = arith.cmpi ne, %rem3A_383, %ne3A_384 : i32
        %and3A_386 = arith.andi %ne3A_382, %ne3A_385 : i1
        %sub3A = arith.constant 1 : i32
        %sub3A_387 = arith.subi %div3A, %sub3A : i32
        %select_n3A_388 = arith.select %and3A_386, %sub3A_387, %div3A : i32
        %jit3A_389 = arith.constant 4 : i32
        %eq3A_390 = arith.constant 0 : i32
        %eq3A_391 = arith.cmpi eq, %jit3A_389, %eq3A_390 : i32
        %jit3A_392 = arith.constant 1 : i32
        %select_n3A_393 = arith.select %eq3A_391, %jit3A_392, %jit3A_389 : i32
        %rem3A_394 = arith.remsi %add3A_367, %select_n3A_393 : i32
        %ne3A_395 = arith.constant 0 : i32
        %ne3A_396 = arith.cmpi ne, %rem3A_394, %ne3A_395 : i32
        %lt3A_397 = arith.constant 0 : i32
        %lt3A_398 = arith.cmpi slt, %rem3A_394, %lt3A_397 : i32
        %lt3A_399 = arith.constant 0 : i32
        %lt3A_400 = arith.cmpi slt, %select_n3A_393, %lt3A_399 : i32
        %ne3A_401 = arith.xori %lt3A_398, %lt3A_400 : i1
        %and3A_402 = arith.andi %ne3A_401, %ne3A_396 : i1
        %add3A_403 = arith.addi %rem3A_394, %select_n3A_393 : i32
        %select_n3A_404 = arith.select %and3A_402, %add3A_403, %rem3A_394 : i32
        %mul3A_405 = arith.constant 56 : i32
        %mul3A_406 = arith.muli %select_n3A_404, %mul3A_405 : i32
        %dma_start3A_407 = arith.constant 0 : i32
        %dma_start3A_408 = tpu.memref_slice %arg2[%select_n3A_388, %add3A_2, %mul3A_406, %dma_start3A_407] : memref<3x224x224x1024xf32, #tpu.memory_space<hbm>> -> memref<1x1x56x1024xf32, #tpu.memory_space<hbm>>
        %dma_start3A_409 = tpu.memref_squeeze %dma_start3A_408 : memref<1x1x56x1024xf32, #tpu.memory_space<hbm>> -> memref<56x1024xf32, #tpu.memory_space<hbm>>
        %dma_start3A_410 = arith.constant 0 : i32
        %dma_start3A_411 = tpu.memref_slice %arg2[%select_n3A_388, %add3A_2, %mul3A_406, %dma_start3A_410] : memref<3x224x224x1024xf32, #tpu.memory_space<hbm>> -> memref<1x1x56x1024xf32, #tpu.memory_space<hbm>>
        %dma_start3A_412 = tpu.memref_squeeze %dma_start3A_411 : memref<1x1x56x1024xf32, #tpu.memory_space<hbm>> -> memref<56x1024xf32, #tpu.memory_space<hbm>>
        tpu.enqueue_dma source(%dma_start3A_412 : memref<56x1024xf32, #tpu.memory_space<hbm>>) target(%arg5 : memref<56x1024xf32, #tpu.memory_space<vmem>>) target_semaphore(%arg8 : memref<!tpu.dma_semaphore, #tpu.memory_space<semaphore_mem>>)
      } else {
      }
    }
    %scan3A_280 = arith.constant 6 : i32
    return
  }
}

module attributes {stable_mosaic.version = 14 : i64} {
  func.func @_tc_pool_kernel(%arg0: i32, %arg1: i32, %arg2: memref<1x16x224x1024xf32, #tpu.memory_space<vmem>>, %arg3: memref<1x1x1024xf32, #tpu.memory_space<vmem>>) attributes {dimension_semantics = [#tpu.dimension_semantics<arbitrary>, #tpu.dimension_semantics<arbitrary>], iteration_bounds = array<i64: 3, 12>, scalar_prefetch = 0 : i64, scratch_operands = 0 : i64, tpu.core_type = #tpu.core_type<tc>, window_params = [{transform_indices = @transform_0, window_bounds = array<i64: 1, 16, 224, 1024>}, {transform_indices = @transform_1, window_bounds = array<i64: 1, 1, 1024>}]} {
    %get3A = arith.constant 0 : index
    %get3A_0 = arith.constant 0 : index
    %get3A_1 = arith.constant 0 : index
    %get3A_2 = arith.constant 0 : index
    %get3A_3 = vector.load %arg2[%get3A, %get3A_0, %get3A_1, %get3A_2] : memref<1x16x224x1024xf32, #tpu.memory_space<vmem>>, vector<1x16x224x1024xf32>
    %get3A_4 = vector.shape_cast %get3A_3 : vector<1x16x224x1024xf32> to vector<16x224x1024xf32>
    %reduce_sum3A = arith.constant dense<0.000000e+00> : vector<1024xf32>
    %reduce_sum3A_5 = vector.multi_reduction <add>, %get3A_4, %reduce_sum3A [0, 1] : vector<16x224x1024xf32> to vector<1024xf32>
    %broadcast_in_dim3A = vector.shape_cast %reduce_sum3A_5 : vector<1024xf32> to vector<1x1x1024xf32>
    %squeeze3A = vector.shape_cast %broadcast_in_dim3A : vector<1x1x1024xf32> to vector<1x1024xf32>
    %eq3A = arith.constant 0 : i32
    %eq3A_6 = arith.cmpi eq, %arg1, %eq3A : i32
    %convert_element_type3A = arith.extui %eq3A_6 : i1 to i32
    %cond3A = arith.constant 0 : i32
    %cond3A_7 = arith.cmpi ne, %convert_element_type3A, %cond3A : i32
    scf.if %cond3A_7 {
      %swap3A = arith.constant 0 : index
      %swap3A_12 = arith.constant 0 : index
      %swap3A_13 = arith.constant 0 : index
      %swap3A_14 = vector.load %arg3[%swap3A, %swap3A_12, %swap3A_13] : memref<1x1x1024xf32, #tpu.memory_space<vmem>>, vector<1x1x1024xf32>
      %swap3A_15 = vector.shape_cast %swap3A_14 : vector<1x1x1024xf32> to vector<1x1024xf32>
      %swap3A_16 = vector.shape_cast %squeeze3A : vector<1x1024xf32> to vector<1x1x1024xf32>
      tpu.vector_store %arg3[%swap3A, %swap3A_12, %swap3A_13], %swap3A_16 {strides = array<i32>} : memref<1x1x1024xf32, #tpu.memory_space<vmem>>, vector<1x1x1024xf32>,
    } else {
    }
    %ne3A = arith.constant 0 : i32
    %ne3A_8 = arith.cmpi ne, %arg1, %ne3A : i32
    %convert_element_type3A_9 = arith.extui %ne3A_8 : i1 to i32
    %cond3A_10 = arith.constant 0 : i32
    %cond3A_11 = arith.cmpi ne, %convert_element_type3A_9, %cond3A_10 : i32
    scf.if %cond3A_11 {
      %get3A_12 = arith.constant 0 : index
      %get3A_13 = arith.constant 0 : index
      %get3A_14 = arith.constant 0 : index
      %get3A_15 = vector.load %arg3[%get3A_12, %get3A_13, %get3A_14] : memref<1x1x1024xf32, #tpu.memory_space<vmem>>, vector<1x1x1024xf32>
      %get3A_16 = vector.shape_cast %get3A_15 : vector<1x1x1024xf32> to vector<1x1024xf32>
      %add3A = arith.addf %get3A_16, %squeeze3A : vector<1x1024xf32>
      %swap3A = arith.constant 0 : index
      %swap3A_17 = arith.constant 0 : index
      %swap3A_18 = arith.constant 0 : index
      %swap3A_19 = vector.load %arg3[%swap3A, %swap3A_17, %swap3A_18] : memref<1x1x1024xf32, #tpu.memory_space<vmem>>, vector<1x1x1024xf32>
      %swap3A_20 = vector.shape_cast %swap3A_19 : vector<1x1x1024xf32> to vector<1x1024xf32>
      %swap3A_21 = vector.shape_cast %add3A : vector<1x1024xf32> to vector<1x1x1024xf32>
      tpu.vector_store %arg3[%swap3A, %swap3A_17, %swap3A_18], %swap3A_21 {strides = array<i32>} : memref<1x1x1024xf32, #tpu.memory_space<vmem>>, vector<1x1x1024xf32>,
    } else {
    }
    return
  }
  func.func @transform_0(%arg0: i32, %arg1: i32) -> (i32, i32, i32, i32) {
    %c0_i32 = arith.constant 0 : i32
    %c0_i32_0 = arith.constant 0 : i32
    %c0_i32_1 = arith.constant 0 : i32
    return %arg0, %arg1, %c0_i32, %c0_i32_0 : i32, i32, i32, i32
  }
  func.func @transform_1(%arg0: i32, %arg1: i32) -> (i32, i32, i32) {
    %c0_i32 = arith.constant 0 : i32
    %c0_i32_0 = arith.constant 0 : i32
    %c0_i32_1 = arith.constant 0 : i32
    return %arg0, %c0_i32, %c0_i32_0 : i32, i32, i32
  }
}

module attributes {stable_mosaic.version = 14 : i64} {
  func.func @_routing_kernel(%arg0: memref<3x1x1024xf32, #tpu.memory_space<vmem>>, %arg1: memref<3x32x1024xf32, #tpu.memory_space<vmem>>, %arg2: memref<64x3xf32, #tpu.memory_space<vmem>>, %arg3: memref<64x1xf32, #tpu.memory_space<vmem>>, %arg4: memref<64x1024xf32, #tpu.memory_space<vmem>>, %arg5: memref<2x1024xi32, #tpu.memory_space<vmem>>) attributes {dimension_semantics = [], scalar_prefetch = 0 : i64, scratch_operands = 0 : i64, tpu.core_type = #tpu.core_type<tc>} {
    %get3A = arith.constant 0 : index
    %get3A_0 = arith.constant 0 : index
    %get3A_1 = arith.constant 0 : index
    %get3A_2 = vector.load %arg0[%get3A, %get3A_0, %get3A_1] : memref<3x1x1024xf32, #tpu.memory_space<vmem>>, vector<1x1x1024xf32>
    %get3A_3 = vector.shape_cast %get3A_2 : vector<1x1x1024xf32> to vector<1x1024xf32>
    %get3A_4 = arith.constant 0 : index
    %get3A_5 = arith.constant 0 : index
    %get3A_6 = arith.constant 0 : index
    %get3A_7 = vector.load %arg1[%get3A_4, %get3A_5, %get3A_6] : memref<3x32x1024xf32, #tpu.memory_space<vmem>>, vector<1x32x1024xf32>
    %get3A_8 = vector.shape_cast %get3A_7 : vector<1x32x1024xf32> to vector<32x1024xf32>
    %reduce_sum3A = arith.constant dense<0.000000e+00> : vector<1024xf32>
    %reduce_sum3A_9 = vector.multi_reduction <add>, %get3A_8, %reduce_sum3A [0] : vector<32x1024xf32> to vector<1024xf32>
    %broadcast_in_dim3A = vector.shape_cast %reduce_sum3A_9 : vector<1024xf32> to vector<1x1024xf32>
    %add3A = arith.addf %get3A_3, %broadcast_in_dim3A : vector<1x1024xf32>
    %get3A_10 = arith.constant 1 : index
    %get3A_11 = arith.constant 0 : index
    %get3A_12 = arith.constant 0 : index
    %get3A_13 = vector.load %arg0[%get3A_10, %get3A_11, %get3A_12] : memref<3x1x1024xf32, #tpu.memory_space<vmem>>, vector<1x1x1024xf32>
    %get3A_14 = vector.shape_cast %get3A_13 : vector<1x1x1024xf32> to vector<1x1024xf32>
    %get3A_15 = arith.constant 1 : index
    %get3A_16 = arith.constant 0 : index
    %get3A_17 = arith.constant 0 : index
    %get3A_18 = vector.load %arg1[%get3A_15, %get3A_16, %get3A_17] : memref<3x32x1024xf32, #tpu.memory_space<vmem>>, vector<1x32x1024xf32>
    %get3A_19 = vector.shape_cast %get3A_18 : vector<1x32x1024xf32> to vector<32x1024xf32>
    %reduce_sum3A_20 = arith.constant dense<0.000000e+00> : vector<1024xf32>
    %reduce_sum3A_21 = vector.multi_reduction <add>, %get3A_19, %reduce_sum3A_20 [0] : vector<32x1024xf32> to vector<1024xf32>
    %broadcast_in_dim3A_22 = vector.shape_cast %reduce_sum3A_21 : vector<1024xf32> to vector<1x1024xf32>
    %add3A_23 = arith.addf %get3A_14, %broadcast_in_dim3A_22 : vector<1x1024xf32>
    %get3A_24 = arith.constant 2 : index
    %get3A_25 = arith.constant 0 : index
    %get3A_26 = arith.constant 0 : index
    %get3A_27 = vector.load %arg0[%get3A_24, %get3A_25, %get3A_26] : memref<3x1x1024xf32, #tpu.memory_space<vmem>>, vector<1x1x1024xf32>
    %get3A_28 = vector.shape_cast %get3A_27 : vector<1x1x1024xf32> to vector<1x1024xf32>
    %get3A_29 = arith.constant 2 : index
    %get3A_30 = arith.constant 0 : index
    %get3A_31 = arith.constant 0 : index
    %get3A_32 = vector.load %arg1[%get3A_29, %get3A_30, %get3A_31] : memref<3x32x1024xf32, #tpu.memory_space<vmem>>, vector<1x32x1024xf32>
    %get3A_33 = vector.shape_cast %get3A_32 : vector<1x32x1024xf32> to vector<32x1024xf32>
    %reduce_sum3A_34 = arith.constant dense<0.000000e+00> : vector<1024xf32>
    %reduce_sum3A_35 = vector.multi_reduction <add>, %get3A_33, %reduce_sum3A_34 [0] : vector<32x1024xf32> to vector<1024xf32>
    %broadcast_in_dim3A_36 = vector.shape_cast %reduce_sum3A_35 : vector<1024xf32> to vector<1x1024xf32>
    %add3A_37 = arith.addf %get3A_28, %broadcast_in_dim3A_36 : vector<1x1024xf32>
    %div3A = arith.constant 5.017600e+04 : f32
    %div3A_38 = vector.broadcast %div3A : f32 to vector<1x1024xf32>
    %div3A_39 = arith.divf %add3A, %div3A_38 : vector<1x1024xf32>
    %convert_element_type3A = arith.truncf %div3A_39 : vector<1x1024xf32> to vector<1x1024xbf16>
    %convert_element_type3A_40 = arith.extf %convert_element_type3A : vector<1x1024xbf16> to vector<1x1024xf32>
    %div3A_41 = arith.constant 5.017600e+04 : f32
    %div3A_42 = vector.broadcast %div3A_41 : f32 to vector<1x1024xf32>
    %div3A_43 = arith.divf %add3A_23, %div3A_42 : vector<1x1024xf32>
    %convert_element_type3A_44 = arith.truncf %div3A_43 : vector<1x1024xf32> to vector<1x1024xbf16>
    %convert_element_type3A_45 = arith.extf %convert_element_type3A_44 : vector<1x1024xbf16> to vector<1x1024xf32>
    %div3A_46 = arith.constant 5.017600e+04 : f32
    %div3A_47 = vector.broadcast %div3A_46 : f32 to vector<1x1024xf32>
    %div3A_48 = arith.divf %add3A_37, %div3A_47 : vector<1x1024xf32>
    %convert_element_type3A_49 = arith.truncf %div3A_48 : vector<1x1024xf32> to vector<1x1024xbf16>
    %convert_element_type3A_50 = arith.extf %convert_element_type3A_49 : vector<1x1024xbf16> to vector<1x1024xf32>
    %get3A_51 = arith.constant 0 : index
    %get3A_52 = arith.constant 0 : index
    %get3A_53 = vector.load %arg2[%get3A_51, %get3A_52] : memref<64x3xf32, #tpu.memory_space<vmem>>, vector<64x3xf32>
    %convert_element_type3A_54 = arith.truncf %get3A_53 : vector<64x3xf32> to vector<64x3xbf16>
    %convert_element_type3A_55 = arith.extf %convert_element_type3A_54 : vector<64x3xbf16> to vector<64x3xf32>
    %slice3A = vector.extract_strided_slice %convert_element_type3A_55 {offsets = [0, 0], sizes = [64, 1], strides = [1, 1]} : vector<64x3xf32> to vector<64x1xf32>
    %mul3A = vector.broadcast %slice3A : vector<64x1xf32> to vector<64x1024xf32>
    %mul3A_56 = vector.broadcast %convert_element_type3A_40 : vector<1x1024xf32> to vector<64x1024xf32>
    %mul3A_57 = arith.mulf %mul3A, %mul3A_56 : vector<64x1024xf32>
    %slice3A_58 = vector.extract_strided_slice %convert_element_type3A_55 {offsets = [0, 1], sizes = [64, 1], strides = [1, 1]} : vector<64x3xf32> to vector<64x1xf32>
    %mul3A_59 = vector.broadcast %slice3A_58 : vector<64x1xf32> to vector<64x1024xf32>
    %mul3A_60 = vector.broadcast %convert_element_type3A_45 : vector<1x1024xf32> to vector<64x1024xf32>
    %mul3A_61 = arith.mulf %mul3A_59, %mul3A_60 : vector<64x1024xf32>
    %add3A_62 = arith.addf %mul3A_57, %mul3A_61 : vector<64x1024xf32>
    %slice3A_63 = vector.extract_strided_slice %convert_element_type3A_55 {offsets = [0, 2], sizes = [64, 1], strides = [1, 1]} : vector<64x3xf32> to vector<64x1xf32>
    %mul3A_64 = vector.broadcast %slice3A_63 : vector<64x1xf32> to vector<64x1024xf32>
    %mul3A_65 = vector.broadcast %convert_element_type3A_50 : vector<1x1024xf32> to vector<64x1024xf32>
    %mul3A_66 = arith.mulf %mul3A_64, %mul3A_65 : vector<64x1024xf32>
    %add3A_67 = arith.addf %add3A_62, %mul3A_66 : vector<64x1024xf32>
    %get3A_68 = arith.constant 0 : index
    %get3A_69 = arith.constant 0 : index
    %get3A_70 = vector.load %arg3[%get3A_68, %get3A_69] : memref<64x1xf32, #tpu.memory_space<vmem>>, vector<64x1xf32>
    %add3A_71 = vector.broadcast %get3A_70 : vector<64x1xf32> to vector<64x1024xf32>
    %add3A_72 = arith.addf %add3A_67, %add3A_71 : vector<64x1024xf32>
    %iota3A = tpu.iota {dimensions = array<i32: 0>} : vector<64x1024xi32>
    %reduce_max3A = arith.constant dense<0xFF800000> : vector<1024xf32>
    %reduce_max3A_73 = vector.multi_reduction <maximumf>, %add3A_72, %reduce_max3A [0] : vector<64x1024xf32> to vector<1024xf32>
    %broadcast_in_dim3A_74 = vector.shape_cast %reduce_max3A_73 : vector<1024xf32> to vector<1x1024xf32>
    %eq3A = vector.broadcast %broadcast_in_dim3A_74 : vector<1x1024xf32> to vector<64x1024xf32>
    %eq3A_75 = arith.cmpf oeq, %add3A_72, %eq3A : vector<64x1024xf32>
    %jit3A = arith.constant 64 : i32
    %broadcast_in_dim3A_76 = vector.broadcast %jit3A : i32 to vector<64x1024xi32>
    %select_n3A = arith.select %eq3A_75, %iota3A, %broadcast_in_dim3A_76 : vector<64x1024xi1>, vector<64x1024xi32>
    %reduce_min3A = arith.constant dense<2147483647> : vector<1024xi32>
    %reduce_min3A_77 = vector.multi_reduction <minsi>, %select_n3A, %reduce_min3A [0] : vector<64x1024xi32> to vector<1024xi32>
    %broadcast_in_dim3A_78 = vector.shape_cast %reduce_min3A_77 : vector<1024xi32> to vector<1x1024xi32>
    %eq3A_79 = vector.broadcast %broadcast_in_dim3A_78 : vector<1x1024xi32> to vector<64x1024xi32>
    %eq3A_80 = arith.cmpi eq, %iota3A, %eq3A_79 : vector<64x1024xi32>
    %jit3A_81 = arith.constant -3.40282347E+38 : f32
    %broadcast_in_dim3A_82 = vector.broadcast %jit3A_81 : f32 to vector<64x1024xf32>
    %select_n3A_83 = arith.select %eq3A_80, %broadcast_in_dim3A_82, %add3A_72 : vector<64x1024xi1>, vector<64x1024xf32>
    %reduce_max3A_84 = arith.constant dense<0xFF800000> : vector<1024xf32>
    %reduce_max3A_85 = vector.multi_reduction <maximumf>, %select_n3A_83, %reduce_max3A_84 [0] : vector<64x1024xf32> to vector<1024xf32>
    %broadcast_in_dim3A_86 = vector.shape_cast %reduce_max3A_85 : vector<1024xf32> to vector<1x1024xf32>
    %eq3A_87 = vector.broadcast %broadcast_in_dim3A_86 : vector<1x1024xf32> to vector<64x1024xf32>
    %eq3A_88 = arith.cmpf oeq, %select_n3A_83, %eq3A_87 : vector<64x1024xf32>
    %jit3A_89 = arith.constant 64 : i32
    %broadcast_in_dim3A_90 = vector.broadcast %jit3A_89 : i32 to vector<64x1024xi32>
    %select_n3A_91 = arith.select %eq3A_88, %iota3A, %broadcast_in_dim3A_90 : vector<64x1024xi1>, vector<64x1024xi32>
    %reduce_min3A_92 = arith.constant dense<2147483647> : vector<1024xi32>
    %reduce_min3A_93 = vector.multi_reduction <minsi>, %select_n3A_91, %reduce_min3A_92 [0] : vector<64x1024xi32> to vector<1024xi32>
    %broadcast_in_dim3A_94 = vector.shape_cast %reduce_min3A_93 : vector<1024xi32> to vector<1x1024xi32>
    %sub3A = arith.subf %broadcast_in_dim3A_86, %broadcast_in_dim3A_74 : vector<1x1024xf32>
    %exp3A = math.exp %sub3A : vector<1x1024xf32>
    %add3A_95 = arith.constant 1.000000e+00 : f32
    %add3A_96 = vector.broadcast %add3A_95 : f32 to vector<1x1024xf32>
    %add3A_97 = arith.addf %add3A_96, %exp3A : vector<1x1024xf32>
    %div3A_98 = arith.constant 1.000000e+00 : f32
    %div3A_99 = vector.broadcast %div3A_98 : f32 to vector<1x1024xf32>
    %div3A_100 = arith.divf %div3A_99, %add3A_97 : vector<1x1024xf32>
    %div3A_101 = arith.divf %exp3A, %add3A_97 : vector<1x1024xf32>
    %eq3A_102 = vector.broadcast %broadcast_in_dim3A_78 : vector<1x1024xi32> to vector<64x1024xi32>
    %eq3A_103 = arith.cmpi eq, %iota3A, %eq3A_102 : vector<64x1024xi32>
    %eq3A_104 = vector.broadcast %broadcast_in_dim3A_94 : vector<1x1024xi32> to vector<64x1024xi32>
    %eq3A_105 = arith.cmpi eq, %iota3A, %eq3A_104 : vector<64x1024xi32>
    %jit3A_106 = arith.constant 0.000000e+00 : f32
    %broadcast_in_dim3A_107 = vector.shape_cast %div3A_101 : vector<1x1024xf32> to vector<1x1024xf32>
    %broadcast_in_dim3A_108 = vector.broadcast %broadcast_in_dim3A_107 : vector<1x1024xf32> to vector<64x1024xf32>
    %broadcast_in_dim3A_109 = vector.broadcast %jit3A_106 : f32 to vector<64x1024xf32>
    %select_n3A_110 = arith.select %eq3A_105, %broadcast_in_dim3A_108, %broadcast_in_dim3A_109 : vector<64x1024xi1>, vector<64x1024xf32>
    %broadcast_in_dim3A_111 = vector.shape_cast %div3A_100 : vector<1x1024xf32> to vector<1x1024xf32>
    %broadcast_in_dim3A_112 = vector.broadcast %broadcast_in_dim3A_111 : vector<1x1024xf32> to vector<64x1024xf32>
    %select_n3A_113 = arith.select %eq3A_103, %broadcast_in_dim3A_112, %select_n3A_110 : vector<64x1024xi1>, vector<64x1024xf32>
    %swap3A = arith.constant 0 : index
    %swap3A_114 = arith.constant 0 : index
    %swap3A_115 = vector.load %arg4[%swap3A, %swap3A_114] : memref<64x1024xf32, #tpu.memory_space<vmem>>, vector<64x1024xf32>
    tpu.vector_store %arg4[%swap3A, %swap3A_114], %select_n3A_113 {strides = array<i32>} : memref<64x1024xf32, #tpu.memory_space<vmem>>, vector<64x1024xf32>,
    %concatenate3A = tpu.concatenate %broadcast_in_dim3A_78, %broadcast_in_dim3A_94 in 0 : vector<1x1024xi32>, vector<1x1024xi32> -> vector<2x1024xi32>
    %swap3A_116 = arith.constant 0 : index
    %swap3A_117 = arith.constant 0 : index
    %swap3A_118 = vector.load %arg5[%swap3A_116, %swap3A_117] : memref<2x1024xi32, #tpu.memory_space<vmem>>, vector<2x1024xi32>
    tpu.vector_store %arg5[%swap3A_116, %swap3A_117], %concatenate3A {strides = array<i32>} : memref<2x1024xi32, #tpu.memory_space<vmem>>, vector<2x1024xi32>,
    return
  }
}

</mosaic_0001>

<sc_bundles>
// kernel: kernel.5.cloned.1.call-start
scs
__scs_entry_jumppad:
0x0: {  	(pc) =	sbr.rel $0x88, $3  }
0x1: {  	(tag) =	ssettag $0x0;
	lr =	simm.s32 $0x1  }
0x2: {  	[smem:$0x3F9E] =	sst lr;
	_ =	strace $0xD0000000  }
0x3: {  	_ = 	snop  }
0x4: {  	_ = 	snop  }
0x5: {  	_ = 	snop  }
0x6: {  	_ = 	snop  }
0x7: {  	_ = 	snop  }
__scs_overlays_trampoline_lowered:
0x8: {  	[smem:$0x3FAD] =	sst s0  }
0x9: {  	[smem:$0x3FAE] =	sst s1  }
0xa: {  	[smem:$0x3FAF] =	sst s2  }
0xb: {  	[smem:$0x3FB0] =	sst s3  }
0xc: {  	[smem:$0x3FB1] =	sst s4  }
0xd: {  	[smem:$0x3FB2] =	sst s5  }
0xe: {  	[smem:$0x3FB3] =	sst s6  }
0xf: {  	[smem:$0x3FB4] =	sst s7  }
0x10: {  	[smem:$0x3FB5] =	sst s8  }
0x11: {  	[smem:$0x3FB6] =	sst s9;
	s0 =	simm.s32 @!p0 $0x0  }
0x12: {  	s1 =	sld [smem:$0x3F9C];
	s0 =	simm.s32 @p0 $0x1  }
0x13: {  	[smem:$0x3FB7] =	sst s0;
	s0 =	simm.s32 @!p1 $0x0  }
0x14: {  	s2 =	sld [smem:$0x3F9B];
	s0 =	simm.s32 @p1 $0x1  }
0x15: {  	[smem:$0x3FB8] =	sst s0;
	s0 =	simm.s32 @!p2 $0x0  }
0x16: {  	s3 =	sld [smem:$0x3FDB];
	s0 =	simm.s32 @p2 $0x1  }
0x17: {  	s4 =	simm.s32 $0x1BF5;
	[smem:$0x3FBA] =	sst s0  }
0x18: {  	s0 =	sld [smem:$0x3F9D];
	_ =	swait.ge [sflag:s4], $0x0  }
0x19: {  	s7 =	sld [smem:$0x3F9E]  }
0x1a: {  	s8 =	sadd.s32 $0xFFFFE003, lr  }
0x1b: {  	s9 =	sadd.s32 $0xFFFFFEF7, lr;
	s5 =	simm.s32 $0xFFFFFFFF;
	p2 =	slt.u32 s8, $0xFFFFF086  }
0x1c: {  	p1 =	slt.u32 s9, $0xF7A;
	s5 =	simm.s32 @!p2 $0x0  }
0x1d: {  	s5 =	simm.s32 @p1 $0x1;
	p0 =	seq.s32 s7, s2  }
0x1e: {  	s7 =	smul.u32 @!p0 $0xF7A, s2;
	p2 =	seq.s32 @!p0 s5, $0x0  }
0x1f: {  	s9 =	smul.u32 $0xF7A, s1;
	s8 =	simm.s32 @!p0 $0x1BF5;
	p2 =	por !p2, p0  }
0x20: {  	[sflag:s8] =	ssyncset.s32 @!p0 $0xFFFFF086;
	s6 =	sadd.s32 @!p0 s3, s7;
	s7 =	simm.s32 @!p0 $0x108  }
0x21: {  	s3 =	sadd.s32 s3, s9;
	s6 =	sadd.s32 @!p0 $0x88, s6;
	s7 =	simm.s32 @p2 $0x1082  }
0x22: {  	[simem:s7], [sflag:s8] =	dma.local @!p0 [hbm:s6], $0xF7A  }
0x23: {  	s9 =	sor.u32 $0xD0000000, s2;
	s6 =	simm.s32 $0x108;
	_ =	swait.ge @!p0 [sflag:s8], $0x0  }
0x24: {  	s3 =	sadd.s32 $0x88, s3;
	s6 =	simm.s32 @!p1 $0x1082;
	[sflag:s4] =	ssyncset.s32 $0xFFFFF086  }
0x25: {  	[simem:s6], [sflag:s4] =	dma.local [hbm:s3], $0xF7A  }
0x26: {  	[smem:$0x3F9E] =	sst s1;
	(tag) =	ssettag s2;
	_ =	strace s9  }
0x27: {  	s1 =	sld [smem:$0x3FAE]  }
0x28: {  	s2 =	sld [smem:$0x3FAF]  }
0x29: {  	s4 =	sld [smem:$0x3FB1]  }
0x2a: {  	p0 =	seq.s32 s5, $0x0;
	s5 =	sld [smem:$0x3FB2]  }
0x2b: {  	s6 =	sld [smem:$0x3FB3]  }
0x2c: {  	s7 =	sld [smem:$0x3FB4]  }
0x2d: {  	s3 =	simm.s32 $0x108;
	s8 =	sld [smem:$0x3FB5]  }
0x2e: {  	s3 =	simm.s32 @!p0 $0x1082;
	s9 =	sld [smem:$0x3FB6]  }
0x2f: {  	lr =	sadd.s32 s0, s3;
	s0 =	sld [smem:$0x3FAD]  }
0x30: {  	s3 =	sld [smem:$0x3FB0]  }
0x31: {  	[smem:$0x3FB9] =	sst s10  }
0x32: {  	s10 =	sld [smem:$0x3FB7];
	_ =	sdelay $0x3  }
0x33: {  	p0 =	seq.s32 s10, $0x1;
	s10 =	sld [smem:$0x3FB9];
	_ =	sdelay $0x3  }
0x34: {  	[smem:$0x3FB9] =	sst s10  }
0x35: {  	s10 =	sld [smem:$0x3FB8];
	_ =	sdelay $0x3  }
0x36: {  	p1 =	seq.s32 s10, $0x1;
	s10 =	sld [smem:$0x3FB9];
	_ =	sdelay $0x3  }
0x37: {  	[smem:$0x3FB9] =	sst s10  }
0x38: {  	s10 =	sld [smem:$0x3FBA]  }
0x39: {  	_ = 	snop;
	(pc) =	sbr.ind lr, $3  }
0x3a: {  	_ = 	snop  }
0x3b: {  	_ = 	snop  }
0x3c: {  	p2 =	seq.s32 s10, $0x1;
	s10 =	sld [smem:$0x3FB9]  }
0x3d: {  	_ =	shalt  }
0x3e: {  	_ =	shalt  }
0x3f: {  	_ =	shalt  }
0x40: {  	_ =	shalt  }
0x41: {  	_ =	shalt  }
0x42: {  	_ =	shalt  }
0x43: {  	_ =	shalt  }
0x44: {  	_ =	shalt  }
0x45: {  	_ =	shalt  }
0x46: {  	_ =	shalt  }
0x47: {  	_ =	shalt  }
0x48: {  	_ =	shalt  }
0x49: {  	_ =	shalt  }
0x4a: {  	_ =	shalt  }
0x4b: {  	_ =	shalt  }
0x4c: {  	_ =	shalt  }
0x4d: {  	_ =	shalt  }
0x4e: {  	_ =	shalt  }
0x4f: {  	_ =	shalt  }
0x50: {  	_ =	shalt  }
0x51: {  	_ =	shalt  }
0x52: {  	_ =	shalt  }
0x53: {  	_ =	shalt  }
0x54: {  	_ =	shalt  }
0x55: {  	_ =	shalt  }
0x56: {  	_ =	shalt  }
0x57: {  	_ =	shalt  }
0x58: {  	_ =	shalt  }
0x59: {  	_ =	shalt  }
0x5a: {  	_ =	shalt  }
0x5b: {  	_ =	shalt  }
0x5c: {  	_ =	shalt  }
0x5d: {  	_ =	shalt  }
0x5e: {  	_ =	shalt  }
0x5f: {  	_ =	shalt  }
0x60: {  	_ =	shalt  }
0x61: {  	_ =	shalt  }
0x62: {  	_ =	shalt  }
0x63: {  	_ =	shalt  }
0x64: {  	_ =	shalt  }
0x65: {  	_ =	shalt  }
0x66: {  	_ =	shalt  }
0x67: {  	_ =	shalt  }
0x68: {  	_ =	shalt  }
0x69: {  	_ =	shalt  }
0x6a: {  	_ =	shalt  }
0x6b: {  	_ =	shalt  }
0x6c: {  	_ =	shalt  }
0x6d: {  	_ =	shalt  }
0x6e: {  	_ =	shalt  }
0x6f: {  	_ =	shalt  }
0x70: {  	_ =	shalt  }
0x71: {  	_ =	shalt  }
0x72: {  	_ =	shalt  }
0x73: {  	_ =	shalt  }
0x74: {  	_ =	shalt  }
0x75: {  	_ =	shalt  }
0x76: {  	_ =	shalt  }
0x77: {  	_ =	shalt  }
0x78: {  	_ =	shalt  }
0x79: {  	_ =	shalt  }
0x7a: {  	_ =	shalt  }
0x7b: {  	_ =	shalt  }
0x7c: {  	_ =	shalt  }
0x7d: {  	_ =	shalt  }
0x7e: {  	_ =	shalt  }
0x7f: {  	_ =	shalt  }
0x80: {  	_ =	shalt  }
0x81: {  	_ =	shalt  }
0x82: {  	_ =	shalt  }
0x83: {  	_ =	shalt  }
0x84: {  	_ =	shalt  }
0x85: {  	_ =	shalt  }
0x86: {  	_ =	shalt  }
0x87: {  	_ =	shalt  }
.Lfunc_end0:
.L_simem_size_0:
called_computation_lowered:
.L_overlay_start_0:
0x88: {  	s2 =	sld [smem:$0x3FD9]  }
0x89: {  	s3 =	sld [smem:$0x3FFE];
	_ =	sdelay $0x1  }
0x8a: {  	s1 =	srdreg.scid  }
0x8b: {  	s0 =	sand.u32 $0x1, s1  }
0x8c: {  	s17 =	sshll.u32 s0, $0xA;
	s2 =	sadd.s32 s3, s2  }
0x8d: {  	s2 =	sadd.s32 s2, s17  }
0x8e: {  	[smem:$0x3FC5] =	sst s2  }
0x8f: {  	_ = 	snop  }
0x90: {  	s2 =	sld [smem:$0x3FC9];
	(tm) =	ssettm $0x1  }
0x91: {  	s18 =	sld [smem:$0x3FFB];
	_ =	sdelay $0x3  }
0x92: {  	_ =	strace s18  }
0x93: {  	s3 =	sld [smem:$0x3FFC];
	_ =	sdelay $0x3  }
0x94: {  	_ =	strace s3  }
0x95: {  	s3 =	sld [smem:$0x3FFD];
	_ =	sdelay $0x3  }
0x96: {  	_ =	strace s3  }
0x97: {  	_ =	strace $0x8FFFFFFF  }
0x98: {  	s19 =	sld [smem:$0x3FDB];
	_ =	sdelay $0x1  }
0x99: {  	s4 =	simm.s32 $_scs_section_size  }
0x9a: {  	s5 =	simm.s32 $_size__tile_overlayer_lowered;
	s6 =	simm.s32 $_tile_overlayer_lowered  }
0x9b: {  	s22 =	simm.s32 $0x1BFF;
	s21 =	sshll.u32 s6, $0x1;
	s3 =	sadd.s32 s4, s19  }
0x9c: {  	s7 =	simm.s32 $0x0;
	s20 =	sshll.u32 s5, $0x1;
	s5 =	sadd.s32 s21, s3  }
0x9d: {  	[timem:s7], [sflag:s22] =	dma.local [hbm:s5], s20  }
0x9e: {  	_ =	swait.ge [sflag:s22], s20  }
0x9f: {  	s4 =	ssub.s32 $0x0, s20;
	[sflag:s22] =	ssyncset.done $0x0  }
0xa0: {  	[sflag:s22] =	ssyncadd.s32 s4;
	_ =	sdelay $0x1  }
0xa1: {  	s23 =	simm.s32 $0x1B8B  }
0xa2: {  	_ =	swait.ge [sflag:s23], $0x1  }
0xa3: {  	[sflag:s23] =	ssyncset.done $0x0  }
0xa4: {  	s25 =	simm.s32 $0x1B8E;
	s24 =	sld [smem:$0x3FFE];
	[sflag:s23] =	ssyncadd.s32 $0xFFFFFFFF  }
0xa5: {  	s26 =	simm.s32 $execute0_lowered;
	[smem:$0x3FD2] =	sst s25  }
0xa6: {  	s5 =	sshll.u32 s26, $0x1;
	_ =	strace $0x80000046;
	[dreg:$0x1] =	wrdreg $0xFFFFFFFF  }
0xa7: {  	s28 =	simm.s32 $_size_execute0_lowered;
	s3 =	sadd.s32 s3, s5;
	[dreg:$0x0] =	wrdreg $0x0  }
0xa8: {  	s5 =	sshll.u32 s28, $0x1;
	[dreg:$0x2] =	wrdreg s3  }
0xa9: {  	[dreg:$0x3] =	wrdreg s5  }
0xaa: {  	[dreg:$0x4] =	wrdreg $0xC0  }
0xab: {  	_ =	task [dreg:s7], $0x5FFFF  }
0xac: {  	[dreg:$0x1] =	wrdreg $0xFFFFFFFF  }
0xad: {  	[dreg:$0x0] =	wrdreg $0x60  }
0xae: {  	[dreg:$0x2] =	wrdreg s2  }
0xaf: {  	[dreg:$0x3] =	wrdreg s24  }
0xb0: {  	[dreg:$0x4] =	wrdreg $0x9  }
0xb1: {  	_ =	task.clear_ibuf [dreg:s7], $0x5FFFF;
	_ =	strace $0x90000046  }
0xb2: {  	s29 =	simm.s32 $0x9;
	_ =	strace $0x80000048  }
0xb3: {  	_ =	swait.ge [sflag:s29], $0x1  }
0xb4: {  	[sflag:s29] =	ssyncadd.s32 $0xFFFFFFFF  }
0xb5: {  	_ =	strace $0x90000048  }
0xb6: {  	_ =	sfence  }
0xb7: {  	s30 =	sld [smem:$0x0];
	_ =	sdelay $0x2  }
0xb8: {  	s31 =	sshll.u32 s1, $0xD;
	s1 =	sshrl.u32 s1, $0x2  }
0xb9: {  	s3 =	sand.u32 $0x4000, s31;
	s1 =	sadd.s32 s1, s30  }
0xba: {  	s0 =	sor.u32 s3, s0;
	s1 =	sshll.u32 s1, $0x11  }
0xbb: {  	s0 =	sor.u32 s1, s0  }
0xbc: {  	s0 =	sadd.s32 $0x8F2B, s0  }
0xbd: {  	[sflag:s0] =	ssyncadd.remote.s32 $0x1  }
0xbe: {  	_ =	sfence.sel $0xFFFF  }
0xbf: {  	[dreg:$0x0] =	wrdreg $0xFFFFFFFF;
	(pc) =	sbr.abs _section_cstart, $3  }
0xc0: {  	[dreg:$0x1] =	wrdreg $0xFFFFFFFF  }
0xc1: {  	_ =	task.clear_ibuf [dreg:s7], $0x2FFFF;
	_ =	strace $0x9FFFFFFF  }
0xc2: {  	(tm) =	ssettm $0x7FFFFFFF  }
0xc3: {  	_ =	shalt  }
tec
execute0_lowered:
.L_overlay_start_1:
0x0: {  	(tag) =	ssettag $0x1  }
0x1: {  	s2 =	rddreg [dreg:$0x0];
	s1 =	srdreg.scid  }
0x2: {  	s0 =	stileid.u32;
	s4 =	rddreg [dreg:$0x1]  }
0x3: {  	s3 =	simm.s32 $0x0;
	s10 =	simm.s32 $0xE000;
	s11 =	simm.s32 $0x1  }
0x4: {  	s12 =	simm.s32 $0x2;
	s13 =	simm.s32 $0x80;
	s14 =	simm.s32 $0x400  }
0x5: {  	s15 =	simm.s32 $0x1C000;
	s16 =	simm.s32 $0x3;
	s17 =	simm.s32 $0x0  }
0x6: {  	s5 =	sand.u32 $0x1, s1;
	s6 =	sshll.u32 s0, $0x1;
	s1 =	rddreg [dreg:$0x2]  }
0x7: {  	[smem:$0x7FF] =	sst s3;
	s31 =	sshll.u32 s0, $0x8;
	s6 =	sor.u32 s5, s6  }
0x8: {  	s5 =	ssub.s32 $0x2, s5;
	s7 =	sshll.u32 s6, $0x4;
	s6 =	smul.u32 $0x38000, s6  }
.Ltmp0:
0x9: {  	s29 =	sshrl.u32 s5, $0x1;
	s7 =	sand.u32 $0x70, s7;
	(pc) =	sbr.rel .LBB2_1-.Ltmp0, $4  }
0xa: {  	_ =	strace $0x80000047;
	s9 =	ssub.s32 s5, s29;
	s8 =	sadd.s32 s7, s4  }
0xb: {  	s4 =	sadd.s32 $0x2A00000, s6;
	s6 =	sshrl.u32 s6, $0x3;
	s7 =	sand.u32 $0xC00, s31  }
0xc: {  	s9 =	smax.u32 s9, $0x1;
	s30 =	sshrl.u32 s4, $0x3;
	s6 =	sadd.s32 s2, s6  }
0xd: {  	v0 =	vimm.f32 $0.0e+00;
	s8 =	sadd.s32 $0xC00, s8;
	s5 =	sadd.s32 s2, s30;
	s6 =	sadd.s32 $0x541C00, s6  }
.LBB2_10:
0xe: {  	s17 =	sadd.s32 $0x1, s17  }
0xf: {  	p0 =	sne.s32 s17, s9  }
.Ltmp1:
0x10: {  	_ = 	snop;
	(pc) =	sbr.rel @!p0 .LBB2_11-.Ltmp1, $1  }
0x11: {  	_ =	sdelay $0x3  }
.LBB2_1:
0x12: {  	[tilespmem:$0x1C000] =	vst v0  }
0x13: {  	[tilespmem:$0x1C010] =	vst v0  }
0x14: {  	[tilespmem:$0x1C020] =	vst v0  }
0x15: {  	[tilespmem:$0x1C030] =	vst v0  }
0x16: {  	[tilespmem:$0x1C040] =	vst v0  }
0x17: {  	[tilespmem:$0x1C050] =	vst v0  }
0x18: {  	[tilespmem:$0x1C060] =	vst v0  }
0x19: {  	[tilespmem:$0x1C070] =	vst v0  }
0x1a: {  	[tilespmem:$0x1C080] =	vst v0  }
0x1b: {  	[tilespmem:$0x1C090] =	vst v0  }
0x1c: {  	[tilespmem:$0x1C0A0] =	vst v0  }
0x1d: {  	[tilespmem:$0x1C0B0] =	vst v0  }
0x1e: {  	[tilespmem:$0x1C0C0] =	vst v0  }
0x1f: {  	[tilespmem:$0x1C0D0] =	vst v0  }
0x20: {  	[tilespmem:$0x1C0E0] =	vst v0  }
0x21: {  	[tilespmem:$0x1C0F0] =	vst v0  }
0x22: {  	[tilespmem:$0x1C100] =	vst v0  }
0x23: {  	[tilespmem:$0x1C110] =	vst v0  }
0x24: {  	[tilespmem:$0x1C120] =	vst v0  }
0x25: {  	[tilespmem:$0x1C130] =	vst v0  }
0x26: {  	[tilespmem:$0x1C140] =	vst v0  }
0x27: {  	[tilespmem:$0x1C150] =	vst v0  }
0x28: {  	[tilespmem:$0x1C160] =	vst v0  }
0x29: {  	[tilespmem:$0x1C170] =	vst v0  }
0x2a: {  	[tilespmem:$0x1C180] =	vst v0  }
0x2b: {  	[tilespmem:$0x1C190] =	vst v0  }
0x2c: {  	[tilespmem:$0x1C1A0] =	vst v0  }
0x2d: {  	[tilespmem:$0x1C1B0] =	vst v0  }
0x2e: {  	[tilespmem:$0x1C1C0] =	vst v0  }
0x2f: {  	[tilespmem:$0x1C1D0] =	vst v0  }
0x30: {  	[tilespmem:$0x1C1E0] =	vst v0  }
0x31: {  	[tilespmem:$0x1C1F0] =	vst v0  }
0x32: {  	[tilespmem:$0x1C200] =	vst v0  }
0x33: {  	[tilespmem:$0x1C210] =	vst v0  }
0x34: {  	[tilespmem:$0x1C220] =	vst v0  }
0x35: {  	[tilespmem:$0x1C230] =	vst v0  }
0x36: {  	[tilespmem:$0x1C240] =	vst v0  }
0x37: {  	[tilespmem:$0x1C250] =	vst v0  }
0x38: {  	[tilespmem:$0x1C260] =	vst v0  }
0x39: {  	[tilespmem:$0x1C270] =	vst v0  }
0x3a: {  	[tilespmem:$0x1C280] =	vst v0  }
0x3b: {  	[tilespmem:$0x1C290] =	vst v0  }
0x3c: {  	[tilespmem:$0x1C2A0] =	vst v0  }
0x3d: {  	[tilespmem:$0x1C2B0] =	vst v0  }
0x3e: {  	[tilespmem:$0x1C2C0] =	vst v0  }
0x3f: {  	[tilespmem:$0x1C2D0] =	vst v0  }
0x40: {  	[tilespmem:$0x1C2E0] =	vst v0  }
0x41: {  	[tilespmem:$0x1C2F0] =	vst v0  }
0x42: {  	[tilespmem:$0x1C300] =	vst v0  }
0x43: {  	[tilespmem:$0x1C310] =	vst v0  }
0x44: {  	[tilespmem:$0x1C320] =	vst v0  }
0x45: {  	[tilespmem:$0x1C330] =	vst v0  }
0x46: {  	[tilespmem:$0x1C340] =	vst v0  }
0x47: {  	[tilespmem:$0x1C350] =	vst v0  }
0x48: {  	[tilespmem:$0x1C360] =	vst v0  }
0x49: {  	[tilespmem:$0x1C370] =	vst v0  }
0x4a: {  	[tilespmem:$0x1C380] =	vst v0  }
0x4b: {  	[tilespmem:$0x1C390] =	vst v0  }
0x4c: {  	[tilespmem:$0x1C3A0] =	vst v0  }
0x4d: {  	[tilespmem:$0x1C3B0] =	vst v0  }
0x4e: {  	[tilespmem:$0x1C3C0] =	vst v0  }
0x4f: {  	[tilespmem:$0x1C3D0] =	vst v0  }
0x50: {  	[tilespmem:$0x1C3E0] =	vst v0  }
0x51: {  	[tilespmem:$0x1C3F0] =	vst v0  }
0x52: {  	[tilespmem:s3], [sflag:$0x1] =	stream.linear.gather [hbm4b:s5+s3], $0xE000, $0x38;
	[tilespmem:$0x1C400] =	vst v63  }
0x53: {  	s18 =	simm.s32 $0x0  }
0x54: {  	[tilespmem:s10], [sflag:$0x2] =	stream.linear.gather [hbm4b:s6+s3], $0xE000, $0x38;
	[tilespmem:$0x1C400] =	vst v63  }
.LBB2_2:
0x55: {  	_ =	swait.ge [sflag:s11], $0xE000;
	s19 =	simm.s32 $0x0  }
0x56: {  	[sflag:s11] =	ssyncset.done $0x0;
	s20 =	sand.u32 $0x70, s19;
	s19 =	sand.u32 $0x1C00, s19  }
0x57: {  	[sflag:s11] =	ssyncadd.s32 $0xFFFF2000;
	s19 =	sor.u32 s20, s19  }
0x58: {  	v1 =	vld [tilespmem:s19+$0x80]  }
0x59: {  	v2 =	vld [tilespmem:s19+$0x0];
	_ =	sdelay $0x1  }
0x5a: {  	v3 =	vld [tilespmem:s19+$0x100];
	_ =	sdelay $0x1  }
0x5b: {  	v4 =	vld [tilespmem:s19+$0x180]  }
0x5c: {  	v1 =	vadd.f32 v1, v2  }
0x5d: {  	v2 =	vld [tilespmem:s19+$0x200]  }
0x5e: {  	v1 =	vadd.f32 v3, v1  }
0x5f: {  	v3 =	vld [tilespmem:s19+$0x280]  }
0x60: {  	v1 =	vadd.f32 v4, v1  }
0x61: {  	v47 =	vld [tilespmem:s19+$0x300]  }
0x62: {  	v1 =	vadd.f32 v2, v1  }
0x63: {  	v2 =	vld [tilespmem:s19+$0x380]  }
0x64: {  	v1 =	vadd.f32 v3, v1  }
0x65: {  	v3 =	vld [tilespmem:s19+$0x2000]  }
0x66: {  	v1 =	vadd.f32 v47, v1  }
0x67: {  	v48 =	vld [tilespmem:s19+$0x2080]  }
0x68: {  	v1 =	vadd.f32 v2, v1  }
0x69: {  	v2 =	vld [tilespmem:s19+$0x2100]  }
0x6a: {  	v1 =	vadd.f32 v3, v1  }
0x6b: {  	v3 =	vld [tilespmem:s19+$0x2180]  }
0x6c: {  	v1 =	vadd.f32 v48, v1  }
0x6d: {  	v49 =	vld [tilespmem:s19+$0x2200]  }
0x6e: {  	v1 =	vadd.f32 v2, v1  }
0x6f: {  	v2 =	vld [tilespmem:s19+$0x2280]  }
0x70: {  	v1 =	vadd.f32 v3, v1  }
0x71: {  	v3 =	vld [tilespmem:s19+$0x2300]  }
0x72: {  	v1 =	vadd.f32 v49, v1  }
0x73: {  	v50 =	vld [tilespmem:s19+$0x2380]  }
0x74: {  	v1 =	vadd.f32 v2, v1  }
0x75: {  	v2 =	vld [tilespmem:s19+$0x4000]  }
0x76: {  	v1 =	vadd.f32 v3, v1  }
0x77: {  	v3 =	vld [tilespmem:s19+$0x4080]  }
0x78: {  	v1 =	vadd.f32 v50, v1  }
0x79: {  	v51 =	vld [tilespmem:s19+$0x4100]  }
0x7a: {  	v1 =	vadd.f32 v2, v1  }
0x7b: {  	v2 =	vld [tilespmem:s19+$0x4180]  }
0x7c: {  	v1 =	vadd.f32 v3, v1  }
0x7d: {  	v3 =	vld [tilespmem:s19+$0x4200]  }
0x7e: {  	v1 =	vadd.f32 v51, v1  }
0x7f: {  	v52 =	vld [tilespmem:s19+$0x4280]  }
0x80: {  	v1 =	vadd.f32 v2, v1  }
0x81: {  	v2 =	vld [tilespmem:s19+$0x4300]  }
0x82: {  	v1 =	vadd.f32 v3, v1  }
0x83: {  	v3 =	vld [tilespmem:s19+$0x4380]  }
0x84: {  	v1 =	vadd.f32 v52, v1  }
0x85: {  	v53 =	vld [tilespmem:s19+$0x6000]  }
0x86: {  	v1 =	vadd.f32 v2, v1  }
0x87: {  	v2 =	vld [tilespmem:s19+$0x6080]  }
0x88: {  	v1 =	vadd.f32 v3, v1  }
0x89: {  	v3 =	vld [tilespmem:s19+$0x6100]  }
0x8a: {  	v1 =	vadd.f32 v53, v1  }
0x8b: {  	v54 =	vld [tilespmem:s19+$0x6180]  }
0x8c: {  	v1 =	vadd.f32 v2, v1  }
0x8d: {  	v2 =	vld [tilespmem:s19+$0x6200]  }
0x8e: {  	v1 =	vadd.f32 v3, v1  }
0x8f: {  	v3 =	vld [tilespmem:s19+$0x6280]  }
0x90: {  	v1 =	vadd.f32 v54, v1  }
0x91: {  	v55 =	vld [tilespmem:s19+$0x6300]  }
0x92: {  	v1 =	vadd.f32 v2, v1  }
0x93: {  	v2 =	vld [tilespmem:s19+$0x6380]  }
0x94: {  	v1 =	vadd.f32 v3, v1  }
0x95: {  	v3 =	vld [tilespmem:s19+$0x8000]  }
0x96: {  	v1 =	vadd.f32 v55, v1  }
0x97: {  	v56 =	vld [tilespmem:s19+$0x8080]  }
0x98: {  	v1 =	vadd.f32 v2, v1  }
0x99: {  	v2 =	vld [tilespmem:s19+$0x8100]  }
0x9a: {  	v1 =	vadd.f32 v3, v1  }
0x9b: {  	v3 =	vld [tilespmem:s19+$0x8180]  }
0x9c: {  	v1 =	vadd.f32 v56, v1  }
0x9d: {  	v57 =	vld [tilespmem:s19+$0x8200]  }
0x9e: {  	v1 =	vadd.f32 v2, v1  }
0x9f: {  	v2 =	vld [tilespmem:s19+$0x8280]  }
0xa0: {  	v1 =	vadd.f32 v3, v1  }
0xa1: {  	v3 =	vld [tilespmem:s19+$0x8300]  }
0xa2: {  	v1 =	vadd.f32 v57, v1  }
0xa3: {  	v58 =	vld [tilespmem:s19+$0x8380]  }
0xa4: {  	v1 =	vadd.f32 v2, v1  }
0xa5: {  	v2 =	vld [tilespmem:s19+$0xA000]  }
0xa6: {  	v1 =	vadd.f32 v3, v1  }
0xa7: {  	v3 =	vld [tilespmem:s19+$0xA080]  }
0xa8: {  	v1 =	vadd.f32 v58, v1  }
0xa9: {  	v59 =	vld [tilespmem:s19+$0xA100]  }
0xaa: {  	v1 =	vadd.f32 v2, v1  }
0xab: {  	v2 =	vld [tilespmem:s19+$0xA180]  }
0xac: {  	v1 =	vadd.f32 v3, v1  }
0xad: {  	v3 =	vld [tilespmem:s19+$0xA200]  }
0xae: {  	v1 =	vadd.f32 v59, v1  }
0xaf: {  	v60 =	vld [tilespmem:s19+$0xA280]  }
0xb0: {  	v1 =	vadd.f32 v2, v1  }
0xb1: {  	v2 =	vld [tilespmem:s19+$0xA300]  }
0xb2: {  	v1 =	vadd.f32 v3, v1  }
0xb3: {  	v3 =	vld [tilespmem:s19+$0xA380]  }
0xb4: {  	v1 =	vadd.f32 v60, v1  }
0xb5: {  	v61 =	vld [tilespmem:s19+$0xC000]  }
0xb6: {  	v1 =	vadd.f32 v2, v1  }
0xb7: {  	v2 =	vld [tilespmem:s19+$0xC080]  }
0xb8: {  	v1 =	vadd.f32 v3, v1  }
0xb9: {  	v3 =	vld [tilespmem:s19+$0xC100]  }
0xba: {  	v1 =	vadd.f32 v61, v1  }
0xbb: {  	v62 =	vld [tilespmem:s19+$0xC180]  }
0xbc: {  	v1 =	vadd.f32 v2, v1  }
0xbd: {  	v2 =	vld [tilespmem:s19+$0xC200]  }
0xbe: {  	v1 =	vadd.f32 v3, v1  }
0xbf: {  	v3 =	vld [tilespmem:s19+$0xC280]  }
0xc0: {  	v1 =	vadd.f32 v62, v1  }
0xc1: {  	v63 =	vld [tilespmem:s19+$0xC300]  }
0xc2: {  	v1 =	vadd.f32 v2, v1  }
0xc3: {  	v2 =	vld [tilespmem:s19+$0xC380]  }
0xc4: {  	v1 =	vadd.f32 v3, v1;
	_ =	sdelay $0x1  }
0xc5: {  	v1 =	vadd.f32 v63, v1;
	_ =	sdelay $0x1  }
0xc6: {  	s21 =	simm.s32 $0x10;
	s19 =	simm.s32 $0x80;
	v1 =	vadd.f32 v2, v1  }
0xc7: {  	s21 =	sand.u32 $0x70, s21;
	s20 =	simm.s32 $0x1C000;
	s22 =	sand.u32 $0x1C00, s19  }
0xc8: {  	s21 =	sor.u32 s21, s22;
	s22 =	simm.s32 $0x20;
	[tilespmem:s20+$0x0] =	vst.add.f32.msk $0xffff, v1  }
.LBB2_3:
0xc9: {  	p0 =	sne.s32 s22, $0x3F0;
	v1 =	vld [tilespmem:s21+$0x80]  }
0xca: {  	v2 =	vld [tilespmem:s21+$0x0];
	_ =	sdelay $0x1  }
0xcb: {  	v3 =	vld [tilespmem:s21+$0x100];
	_ =	sdelay $0x1  }
0xcc: {  	v4 =	vld [tilespmem:s21+$0x180]  }
0xcd: {  	v1 =	vadd.f32 v1, v2  }
0xce: {  	v2 =	vld [tilespmem:s21+$0x200]  }
0xcf: {  	v1 =	vadd.f32 v3, v1  }
0xd0: {  	v3 =	vld [tilespmem:s21+$0x280]  }
0xd1: {  	v1 =	vadd.f32 v4, v1  }
0xd2: {  	v4 =	vld [tilespmem:s21+$0x300]  }
0xd3: {  	v1 =	vadd.f32 v2, v1  }
0xd4: {  	v2 =	vld [tilespmem:s21+$0x380]  }
0xd5: {  	v1 =	vadd.f32 v3, v1  }
0xd6: {  	v3 =	vld [tilespmem:s21+$0x2000]  }
0xd7: {  	v1 =	vadd.f32 v4, v1  }
0xd8: {  	v4 =	vld [tilespmem:s21+$0x2080]  }
0xd9: {  	v1 =	vadd.f32 v2, v1  }
0xda: {  	v2 =	vld [tilespmem:s21+$0x2100]  }
0xdb: {  	v1 =	vadd.f32 v3, v1  }
0xdc: {  	v3 =	vld [tilespmem:s21+$0x2180]  }
0xdd: {  	v1 =	vadd.f32 v4, v1  }
0xde: {  	v4 =	vld [tilespmem:s21+$0x2200]  }
0xdf: {  	v1 =	vadd.f32 v2, v1  }
0xe0: {  	v2 =	vld [tilespmem:s21+$0x2280]  }
0xe1: {  	v1 =	vadd.f32 v3, v1  }
0xe2: {  	v3 =	vld [tilespmem:s21+$0x2300]  }
0xe3: {  	v1 =	vadd.f32 v4, v1  }
0xe4: {  	v4 =	vld [tilespmem:s21+$0x2380]  }
0xe5: {  	v1 =	vadd.f32 v2, v1  }
0xe6: {  	v2 =	vld [tilespmem:s21+$0x4000]  }
0xe7: {  	v1 =	vadd.f32 v3, v1  }
0xe8: {  	v3 =	vld [tilespmem:s21+$0x4080]  }
0xe9: {  	v1 =	vadd.f32 v4, v1  }
0xea: {  	v4 =	vld [tilespmem:s21+$0x4100]  }
0xeb: {  	v1 =	vadd.f32 v2, v1  }
0xec: {  	v2 =	vld [tilespmem:s21+$0x4180]  }
0xed: {  	v1 =	vadd.f32 v3, v1  }
0xee: {  	v3 =	vld [tilespmem:s21+$0x4200]  }
0xef: {  	v1 =	vadd.f32 v4, v1  }
0xf0: {  	v4 =	vld [tilespmem:s21+$0x4280]  }
0xf1: {  	v1 =	vadd.f32 v2, v1  }
0xf2: {  	v2 =	vld [tilespmem:s21+$0x4300]  }
0xf3: {  	v1 =	vadd.f32 v3, v1  }
0xf4: {  	v3 =	vld [tilespmem:s21+$0x4380]  }
0xf5: {  	v1 =	vadd.f32 v4, v1  }
0xf6: {  	v4 =	vld [tilespmem:s21+$0x6000]  }
0xf7: {  	v1 =	vadd.f32 v2, v1  }
0xf8: {  	v2 =	vld [tilespmem:s21+$0x6080]  }
0xf9: {  	v1 =	vadd.f32 v3, v1  }
0xfa: {  	v3 =	vld [tilespmem:s21+$0x6100]  }
0xfb: {  	v1 =	vadd.f32 v4, v1  }
0xfc: {  	v4 =	vld [tilespmem:s21+$0x6180]  }
0xfd: {  	v1 =	vadd.f32 v2, v1  }
0xfe: {  	v2 =	vld [tilespmem:s21+$0x6200]  }
0xff: {  	v1 =	vadd.f32 v3, v1  }
0x100: {  	v3 =	vld [tilespmem:s21+$0x6280]  }
0x101: {  	v1 =	vadd.f32 v4, v1  }
0x102: {  	v4 =	vld [tilespmem:s21+$0x6300]  }
0x103: {  	v1 =	vadd.f32 v2, v1  }
0x104: {  	v2 =	vld [tilespmem:s21+$0x6380]  }
0x105: {  	v1 =	vadd.f32 v3, v1  }
0x106: {  	v3 =	vld [tilespmem:s21+$0x8000]  }
0x107: {  	v1 =	vadd.f32 v4, v1  }
0x108: {  	v4 =	vld [tilespmem:s21+$0x8080]  }
0x109: {  	v1 =	vadd.f32 v2, v1  }
0x10a: {  	v2 =	vld [tilespmem:s21+$0x8100]  }
0x10b: {  	v1 =	vadd.f32 v3, v1  }
0x10c: {  	v3 =	vld [tilespmem:s21+$0x8180]  }
0x10d: {  	v1 =	vadd.f32 v4, v1  }
0x10e: {  	v4 =	vld [tilespmem:s21+$0x8200]  }
0x10f: {  	v1 =	vadd.f32 v2, v1  }
0x110: {  	v2 =	vld [tilespmem:s21+$0x8280]  }
0x111: {  	v1 =	vadd.f32 v3, v1  }
0x112: {  	v3 =	vld [tilespmem:s21+$0x8300]  }
0x113: {  	v1 =	vadd.f32 v4, v1  }
0x114: {  	v4 =	vld [tilespmem:s21+$0x8380]  }
0x115: {  	v1 =	vadd.f32 v2, v1  }
0x116: {  	v2 =	vld [tilespmem:s21+$0xA000]  }
0x117: {  	v1 =	vadd.f32 v3, v1  }
0x118: {  	v3 =	vld [tilespmem:s21+$0xA080]  }
0x119: {  	v1 =	vadd.f32 v4, v1  }
0x11a: {  	v4 =	vld [tilespmem:s21+$0xA100]  }
0x11b: {  	v1 =	vadd.f32 v2, v1  }
0x11c: {  	v2 =	vld [tilespmem:s21+$0xA180]  }
0x11d: {  	v1 =	vadd.f32 v3, v1  }
0x11e: {  	v3 =	vld [tilespmem:s21+$0xA200]  }
0x11f: {  	v1 =	vadd.f32 v4, v1  }
0x120: {  	v4 =	vld [tilespmem:s21+$0xA280]  }
0x121: {  	v1 =	vadd.f32 v2, v1  }
0x122: {  	v2 =	vld [tilespmem:s21+$0xA300]  }
0x123: {  	v1 =	vadd.f32 v3, v1  }
0x124: {  	v3 =	vld [tilespmem:s21+$0xA380]  }
0x125: {  	v1 =	vadd.f32 v4, v1  }
0x126: {  	v4 =	vld [tilespmem:s21+$0xC000]  }
0x127: {  	v1 =	vadd.f32 v2, v1  }
0x128: {  	v2 =	vld [tilespmem:s21+$0xC080]  }
0x129: {  	v1 =	vadd.f32 v3, v1  }
0x12a: {  	v3 =	vld [tilespmem:s21+$0xC100]  }
0x12b: {  	v1 =	vadd.f32 v4, v1  }
0x12c: {  	v4 =	vld [tilespmem:s21+$0xC180]  }
0x12d: {  	v1 =	vadd.f32 v2, v1  }
0x12e: {  	v2 =	vld [tilespmem:s21+$0xC200]  }
0x12f: {  	v1 =	vadd.f32 v3, v1  }
0x130: {  	v3 =	vld [tilespmem:s21+$0xC280]  }
0x131: {  	v1 =	vadd.f32 v4, v1  }
0x132: {  	v4 =	vld [tilespmem:s21+$0xC300]  }
0x133: {  	v1 =	vadd.f32 v2, v1  }
0x134: {  	v2 =	vld [tilespmem:s21+$0xC380]  }
0x135: {  	v1 =	vadd.f32 v3, v1;
	_ =	sdelay $0x1  }
.Ltmp2:
0x136: {  	v1 =	vadd.f32 v4, v1;
	(pc) =	sbr.rel @p0 .LBB2_3-.Ltmp2, $4  }
0x137: {  	_ = 	snop  }
0x138: {  	s19 =	sadd.s32 $0x80, s19;
	v1 =	vadd.f32 v2, v1  }
0x139: {  	s20 =	sadd.s32 $0x10, s20;
	s23 =	sand.u32 $0x1C00, s19;
	s21 =	sand.u32 $0x70, s22  }
0x13a: {  	s22 =	sadd.s32 $0x10, s22;
	s21 =	sor.u32 s21, s23;
	[tilespmem:s20+$0x0] =	vst.add.f32.msk $0xffff, v1  }
0x13b: {  	v1 =	vld [tilespmem:s21+$0x80]  }
0x13c: {  	v2 =	vld [tilespmem:s21+$0x0];
	_ =	sdelay $0x1  }
0x13d: {  	v3 =	vld [tilespmem:s21+$0x100];
	_ =	sdelay $0x1  }
0x13e: {  	v4 =	vld [tilespmem:s21+$0x180]  }
0x13f: {  	v1 =	vadd.f32 v1, v2  }
0x140: {  	v2 =	vld [tilespmem:s21+$0x200]  }
0x141: {  	v1 =	vadd.f32 v3, v1  }
0x142: {  	v3 =	vld [tilespmem:s21+$0x280]  }
0x143: {  	v1 =	vadd.f32 v4, v1  }
0x144: {  	v29 =	vld [tilespmem:s21+$0x300]  }
0x145: {  	v1 =	vadd.f32 v2, v1  }
0x146: {  	v2 =	vld [tilespmem:s21+$0x380]  }
0x147: {  	v1 =	vadd.f32 v3, v1  }
0x148: {  	v3 =	vld [tilespmem:s21+$0x2000]  }
0x149: {  	v1 =	vadd.f32 v29, v1  }
0x14a: {  	v30 =	vld [tilespmem:s21+$0x2080]  }
0x14b: {  	v1 =	vadd.f32 v2, v1  }
0x14c: {  	v2 =	vld [tilespmem:s21+$0x2100]  }
0x14d: {  	v1 =	vadd.f32 v3, v1  }
0x14e: {  	v3 =	vld [tilespmem:s21+$0x2180]  }
0x14f: {  	v1 =	vadd.f32 v30, v1  }
0x150: {  	v31 =	vld [tilespmem:s21+$0x2200]  }
0x151: {  	v1 =	vadd.f32 v2, v1  }
0x152: {  	v2 =	vld [tilespmem:s21+$0x2280]  }
0x153: {  	v1 =	vadd.f32 v3, v1  }
0x154: {  	v3 =	vld [tilespmem:s21+$0x2300]  }
0x155: {  	v1 =	vadd.f32 v31, v1  }
0x156: {  	v32 =	vld [tilespmem:s21+$0x2380]  }
0x157: {  	v1 =	vadd.f32 v2, v1  }
0x158: {  	v2 =	vld [tilespmem:s21+$0x4000]  }
0x159: {  	v1 =	vadd.f32 v3, v1  }
0x15a: {  	v3 =	vld [tilespmem:s21+$0x4080]  }
0x15b: {  	v1 =	vadd.f32 v32, v1  }
0x15c: {  	v33 =	vld [tilespmem:s21+$0x4100]  }
0x15d: {  	v1 =	vadd.f32 v2, v1  }
0x15e: {  	v2 =	vld [tilespmem:s21+$0x4180]  }
0x15f: {  	v1 =	vadd.f32 v3, v1  }
0x160: {  	v3 =	vld [tilespmem:s21+$0x4200]  }
0x161: {  	v1 =	vadd.f32 v33, v1  }
0x162: {  	v34 =	vld [tilespmem:s21+$0x4280]  }
0x163: {  	v1 =	vadd.f32 v2, v1  }
0x164: {  	v2 =	vld [tilespmem:s21+$0x4300]  }
0x165: {  	v1 =	vadd.f32 v3, v1  }
0x166: {  	v3 =	vld [tilespmem:s21+$0x4380]  }
0x167: {  	v1 =	vadd.f32 v34, v1  }
0x168: {  	v35 =	vld [tilespmem:s21+$0x6000]  }
0x169: {  	v1 =	vadd.f32 v2, v1  }
0x16a: {  	v2 =	vld [tilespmem:s21+$0x6080]  }
0x16b: {  	v1 =	vadd.f32 v3, v1  }
0x16c: {  	v3 =	vld [tilespmem:s21+$0x6100]  }
0x16d: {  	v1 =	vadd.f32 v35, v1  }
0x16e: {  	v36 =	vld [tilespmem:s21+$0x6180]  }
0x16f: {  	v1 =	vadd.f32 v2, v1  }
0x170: {  	v2 =	vld [tilespmem:s21+$0x6200]  }
0x171: {  	v1 =	vadd.f32 v3, v1  }
0x172: {  	v3 =	vld [tilespmem:s21+$0x6280]  }
0x173: {  	v1 =	vadd.f32 v36, v1  }
0x174: {  	v37 =	vld [tilespmem:s21+$0x6300]  }
0x175: {  	v1 =	vadd.f32 v2, v1  }
0x176: {  	v2 =	vld [tilespmem:s21+$0x6380]  }
0x177: {  	v1 =	vadd.f32 v3, v1  }
0x178: {  	v3 =	vld [tilespmem:s21+$0x8000]  }
0x179: {  	v1 =	vadd.f32 v37, v1  }
0x17a: {  	v38 =	vld [tilespmem:s21+$0x8080]  }
0x17b: {  	v1 =	vadd.f32 v2, v1  }
0x17c: {  	v2 =	vld [tilespmem:s21+$0x8100]  }
0x17d: {  	v1 =	vadd.f32 v3, v1  }
0x17e: {  	v3 =	vld [tilespmem:s21+$0x8180]  }
0x17f: {  	v1 =	vadd.f32 v38, v1  }
0x180: {  	v39 =	vld [tilespmem:s21+$0x8200]  }
0x181: {  	v1 =	vadd.f32 v2, v1  }
0x182: {  	v2 =	vld [tilespmem:s21+$0x8280]  }
0x183: {  	v1 =	vadd.f32 v3, v1  }
0x184: {  	v3 =	vld [tilespmem:s21+$0x8300]  }
0x185: {  	v1 =	vadd.f32 v39, v1  }
0x186: {  	v40 =	vld [tilespmem:s21+$0x8380]  }
0x187: {  	v1 =	vadd.f32 v2, v1  }
0x188: {  	v2 =	vld [tilespmem:s21+$0xA000]  }
0x189: {  	v1 =	vadd.f32 v3, v1  }
0x18a: {  	v3 =	vld [tilespmem:s21+$0xA080]  }
0x18b: {  	v1 =	vadd.f32 v40, v1  }
0x18c: {  	v41 =	vld [tilespmem:s21+$0xA100]  }
0x18d: {  	v1 =	vadd.f32 v2, v1  }
0x18e: {  	v2 =	vld [tilespmem:s21+$0xA180]  }
0x18f: {  	v1 =	vadd.f32 v3, v1  }
0x190: {  	v3 =	vld [tilespmem:s21+$0xA200]  }
0x191: {  	v1 =	vadd.f32 v41, v1  }
0x192: {  	v42 =	vld [tilespmem:s21+$0xA280]  }
0x193: {  	v1 =	vadd.f32 v2, v1  }
0x194: {  	v2 =	vld [tilespmem:s21+$0xA300]  }
0x195: {  	v1 =	vadd.f32 v3, v1  }
0x196: {  	v3 =	vld [tilespmem:s21+$0xA380]  }
0x197: {  	v1 =	vadd.f32 v42, v1  }
0x198: {  	v43 =	vld [tilespmem:s21+$0xC000]  }
0x199: {  	v1 =	vadd.f32 v2, v1  }
0x19a: {  	v2 =	vld [tilespmem:s21+$0xC080]  }
0x19b: {  	v1 =	vadd.f32 v3, v1  }
0x19c: {  	v3 =	vld [tilespmem:s21+$0xC100]  }
0x19d: {  	v1 =	vadd.f32 v43, v1  }
0x19e: {  	v44 =	vld [tilespmem:s21+$0xC180]  }
0x19f: {  	v1 =	vadd.f32 v2, v1  }
0x1a0: {  	v2 =	vld [tilespmem:s21+$0xC200]  }
0x1a1: {  	v1 =	vadd.f32 v3, v1  }
0x1a2: {  	v3 =	vld [tilespmem:s21+$0xC280]  }
0x1a3: {  	v1 =	vadd.f32 v44, v1  }
0x1a4: {  	v45 =	vld [tilespmem:s21+$0xC300]  }
0x1a5: {  	s19 =	sshll.u32 s18, $0x1;
	p0 =	seq.s32 s18, $0x5;
	v1 =	vadd.f32 v2, v1  }
0x1a6: {  	v2 =	vld [tilespmem:s21+$0xC380];
	s21 =	sadd.s32 @!p0 $0x2, s19  }
0x1a7: {  	s22 =	sshrl.u32 @!p0 s21, $0x2;
	v1 =	vadd.f32 v3, v1  }
0x1a8: {  	s21 =	sand.u32 @!p0 $0x2, s21;
	s22 =	smul.u32 @!p0 $0x3100000, s22  }
0x1a9: {  	s21 =	smul.u32 @!p0 $0xE000, s21;
	v1 =	vadd.f32 v45, v1  }
0x1aa: {  	s22 =	sadd.s32 @!p0 s4, s22  }
0x1ab: {  	s21 =	sadd.s32 @!p0 s21, s22;
	v1 =	vadd.f32 v2, v1  }
0x1ac: {  	s20 =	sadd.s32 $0x10, s20;
	s21 =	sshrl.u32 @!p0 s21, $0x3  }
0x1ad: {  	[tilespmem:s20+$0x0] =	vst.add.f32.msk $0xffff, v1;
	s20 =	sadd.s32 @!p0 s2, s21;
	s21 =	simm.s32 @!p0 $0x0  }
0x1ae: {  	[tilespmem:s21], [sflag:$0x1] =	stream.linear.gather @!p0 [hbm4b:s20+s21], $0xE000, $0x38;
	[tilespmem:$0x1C400] =	vst v63  }
0x1af: {  	s29 =	simm.s32 $0x0;
	_ =	swait.ge [sflag:s12], $0xE000  }
0x1b0: {  	s30 =	sand.u32 $0x70, s29;
	s20 =	sand.u32 $0x1C00, s29;
	[sflag:s12] =	ssyncset.done $0x0  }
0x1b1: {  	s20 =	sor.u32 s30, s20;
	[sflag:s12] =	ssyncadd.s32 $0xFFFF2000  }
0x1b2: {  	v1 =	vld [tilespmem:s20+$0xE080]  }
0x1b3: {  	v2 =	vld [tilespmem:s20+$0xE000];
	_ =	sdelay $0x1  }
0x1b4: {  	v3 =	vld [tilespmem:s20+$0xE100];
	_ =	sdelay $0x1  }
0x1b5: {  	v46 =	vld [tilespmem:s20+$0xE180]  }
0x1b6: {  	v1 =	vadd.f32 v1, v2  }
0x1b7: {  	v2 =	vld [tilespmem:s20+$0xE200]  }
0x1b8: {  	v1 =	vadd.f32 v3, v1  }
0x1b9: {  	v3 =	vld [tilespmem:s20+$0xE280]  }
0x1ba: {  	v1 =	vadd.f32 v46, v1  }
0x1bb: {  	v47 =	vld [tilespmem:s20+$0xE300]  }
0x1bc: {  	v1 =	vadd.f32 v2, v1  }
0x1bd: {  	v2 =	vld [tilespmem:s20+$0xE380]  }
0x1be: {  	v1 =	vadd.f32 v3, v1  }
0x1bf: {  	v3 =	vld [tilespmem:s20+$0x10000]  }
0x1c0: {  	v1 =	vadd.f32 v47, v1  }
0x1c1: {  	v48 =	vld [tilespmem:s20+$0x10080]  }
0x1c2: {  	v1 =	vadd.f32 v2, v1  }
0x1c3: {  	v2 =	vld [tilespmem:s20+$0x10100]  }
0x1c4: {  	v1 =	vadd.f32 v3, v1  }
0x1c5: {  	v3 =	vld [tilespmem:s20+$0x10180]  }
0x1c6: {  	v1 =	vadd.f32 v48, v1  }
0x1c7: {  	v49 =	vld [tilespmem:s20+$0x10200]  }
0x1c8: {  	v1 =	vadd.f32 v2, v1  }
0x1c9: {  	v2 =	vld [tilespmem:s20+$0x10280]  }
0x1ca: {  	v1 =	vadd.f32 v3, v1  }
0x1cb: {  	v3 =	vld [tilespmem:s20+$0x10300]  }
0x1cc: {  	v1 =	vadd.f32 v49, v1  }
0x1cd: {  	v50 =	vld [tilespmem:s20+$0x10380]  }
0x1ce: {  	v1 =	vadd.f32 v2, v1  }
0x1cf: {  	v2 =	vld [tilespmem:s20+$0x12000]  }
0x1d0: {  	v1 =	vadd.f32 v3, v1  }
0x1d1: {  	v3 =	vld [tilespmem:s20+$0x12080]  }
0x1d2: {  	v1 =	vadd.f32 v50, v1  }
0x1d3: {  	v51 =	vld [tilespmem:s20+$0x12100]  }
0x1d4: {  	v1 =	vadd.f32 v2, v1  }
0x1d5: {  	v2 =	vld [tilespmem:s20+$0x12180]  }
0x1d6: {  	v1 =	vadd.f32 v3, v1  }
0x1d7: {  	v3 =	vld [tilespmem:s20+$0x12200]  }
0x1d8: {  	v1 =	vadd.f32 v51, v1  }
0x1d9: {  	v52 =	vld [tilespmem:s20+$0x12280]  }
0x1da: {  	v1 =	vadd.f32 v2, v1  }
0x1db: {  	v2 =	vld [tilespmem:s20+$0x12300]  }
0x1dc: {  	v1 =	vadd.f32 v3, v1  }
0x1dd: {  	v3 =	vld [tilespmem:s20+$0x12380]  }
0x1de: {  	v1 =	vadd.f32 v52, v1  }
0x1df: {  	v53 =	vld [tilespmem:s20+$0x14000]  }
0x1e0: {  	v1 =	vadd.f32 v2, v1  }
0x1e1: {  	v2 =	vld [tilespmem:s20+$0x14080]  }
0x1e2: {  	v1 =	vadd.f32 v3, v1  }
0x1e3: {  	v3 =	vld [tilespmem:s20+$0x14100]  }
0x1e4: {  	v1 =	vadd.f32 v53, v1  }
0x1e5: {  	v54 =	vld [tilespmem:s20+$0x14180]  }
0x1e6: {  	v1 =	vadd.f32 v2, v1  }
0x1e7: {  	v2 =	vld [tilespmem:s20+$0x14200]  }
0x1e8: {  	v1 =	vadd.f32 v3, v1  }
0x1e9: {  	v3 =	vld [tilespmem:s20+$0x14280]  }
0x1ea: {  	v1 =	vadd.f32 v54, v1  }
0x1eb: {  	v55 =	vld [tilespmem:s20+$0x14300]  }
0x1ec: {  	v1 =	vadd.f32 v2, v1  }
0x1ed: {  	v2 =	vld [tilespmem:s20+$0x14380]  }
0x1ee: {  	v1 =	vadd.f32 v3, v1  }
0x1ef: {  	v3 =	vld [tilespmem:s20+$0x16000]  }
0x1f0: {  	v1 =	vadd.f32 v55, v1  }
0x1f1: {  	v56 =	vld [tilespmem:s20+$0x16080]  }
0x1f2: {  	v1 =	vadd.f32 v2, v1  }
0x1f3: {  	v2 =	vld [tilespmem:s20+$0x16100]  }
0x1f4: {  	v1 =	vadd.f32 v3, v1  }
0x1f5: {  	v3 =	vld [tilespmem:s20+$0x16180]  }
0x1f6: {  	v1 =	vadd.f32 v56, v1  }
0x1f7: {  	v57 =	vld [tilespmem:s20+$0x16200]  }
0x1f8: {  	v1 =	vadd.f32 v2, v1  }
0x1f9: {  	v2 =	vld [tilespmem:s20+$0x16280]  }
0x1fa: {  	v1 =	vadd.f32 v3, v1  }
0x1fb: {  	v3 =	vld [tilespmem:s20+$0x16300]  }
0x1fc: {  	v1 =	vadd.f32 v57, v1  }
0x1fd: {  	v58 =	vld [tilespmem:s20+$0x16380]  }
0x1fe: {  	v1 =	vadd.f32 v2, v1  }
0x1ff: {  	v2 =	vld [tilespmem:s20+$0x18000]  }
0x200: {  	v1 =	vadd.f32 v3, v1  }
0x201: {  	v3 =	vld [tilespmem:s20+$0x18080]  }
0x202: {  	v1 =	vadd.f32 v58, v1  }
0x203: {  	v59 =	vld [tilespmem:s20+$0x18100]  }
0x204: {  	v1 =	vadd.f32 v2, v1  }
0x205: {  	v2 =	vld [tilespmem:s20+$0x18180]  }
0x206: {  	v1 =	vadd.f32 v3, v1  }
0x207: {  	v3 =	vld [tilespmem:s20+$0x18200]  }
0x208: {  	v1 =	vadd.f32 v59, v1  }
0x209: {  	v60 =	vld [tilespmem:s20+$0x18280]  }
0x20a: {  	v1 =	vadd.f32 v2, v1  }
0x20b: {  	v2 =	vld [tilespmem:s20+$0x18300]  }
0x20c: {  	v1 =	vadd.f32 v3, v1  }
0x20d: {  	v3 =	vld [tilespmem:s20+$0x18380]  }
0x20e: {  	v1 =	vadd.f32 v60, v1  }
0x20f: {  	v61 =	vld [tilespmem:s20+$0x1A000]  }
0x210: {  	v1 =	vadd.f32 v2, v1  }
0x211: {  	v2 =	vld [tilespmem:s20+$0x1A080]  }
0x212: {  	v1 =	vadd.f32 v3, v1  }
0x213: {  	v3 =	vld [tilespmem:s20+$0x1A100]  }
0x214: {  	v1 =	vadd.f32 v61, v1  }
0x215: {  	v62 =	vld [tilespmem:s20+$0x1A180]  }
0x216: {  	v1 =	vadd.f32 v2, v1  }
0x217: {  	v2 =	vld [tilespmem:s20+$0x1A200]  }
0x218: {  	v1 =	vadd.f32 v3, v1  }
0x219: {  	v3 =	vld [tilespmem:s20+$0x1A280]  }
0x21a: {  	v1 =	vadd.f32 v62, v1  }
0x21b: {  	v63 =	vld [tilespmem:s20+$0x1A300]  }
0x21c: {  	v1 =	vadd.f32 v2, v1  }
0x21d: {  	v2 =	vld [tilespmem:s20+$0x1A380]  }
0x21e: {  	v1 =	vadd.f32 v3, v1;
	_ =	sdelay $0x1  }
0x21f: {  	v1 =	vadd.f32 v63, v1;
	_ =	sdelay $0x1  }
0x220: {  	s31 =	simm.s32 $0x10;
	s22 =	simm.s32 $0x80;
	v1 =	vadd.f32 v2, v1  }
0x221: {  	s23 =	sand.u32 $0x1C00, s22;
	s21 =	sand.u32 $0x70, s31;
	s20 =	simm.s32 $0x1C000  }
0x222: {  	s21 =	sor.u32 s21, s23;
	s23 =	simm.s32 $0x20;
	[tilespmem:s20+$0x0] =	vst.add.f32.msk $0xffff, v1  }
.LBB2_5:
0x223: {  	p1 =	sne.s32 s23, $0x3F0;
	v1 =	vld [tilespmem:s21+$0xE080]  }
0x224: {  	v2 =	vld [tilespmem:s21+$0xE000];
	_ =	sdelay $0x1  }
0x225: {  	v3 =	vld [tilespmem:s21+$0xE100];
	_ =	sdelay $0x1  }
0x226: {  	v4 =	vld [tilespmem:s21+$0xE180]  }
0x227: {  	v1 =	vadd.f32 v1, v2  }
0x228: {  	v2 =	vld [tilespmem:s21+$0xE200]  }
0x229: {  	v1 =	vadd.f32 v3, v1  }
0x22a: {  	v3 =	vld [tilespmem:s21+$0xE280]  }
0x22b: {  	v1 =	vadd.f32 v4, v1  }
0x22c: {  	v4 =	vld [tilespmem:s21+$0xE300]  }
0x22d: {  	v1 =	vadd.f32 v2, v1  }
0x22e: {  	v2 =	vld [tilespmem:s21+$0xE380]  }
0x22f: {  	v1 =	vadd.f32 v3, v1  }
0x230: {  	v3 =	vld [tilespmem:s21+$0x10000]  }
0x231: {  	v1 =	vadd.f32 v4, v1  }
0x232: {  	v4 =	vld [tilespmem:s21+$0x10080]  }
0x233: {  	v1 =	vadd.f32 v2, v1  }
0x234: {  	v2 =	vld [tilespmem:s21+$0x10100]  }
0x235: {  	v1 =	vadd.f32 v3, v1  }
0x236: {  	v3 =	vld [tilespmem:s21+$0x10180]  }
0x237: {  	v1 =	vadd.f32 v4, v1  }
0x238: {  	v4 =	vld [tilespmem:s21+$0x10200]  }
0x239: {  	v1 =	vadd.f32 v2, v1  }
0x23a: {  	v2 =	vld [tilespmem:s21+$0x10280]  }
0x23b: {  	v1 =	vadd.f32 v3, v1  }
0x23c: {  	v3 =	vld [tilespmem:s21+$0x10300]  }
0x23d: {  	v1 =	vadd.f32 v4, v1  }
0x23e: {  	v4 =	vld [tilespmem:s21+$0x10380]  }
0x23f: {  	v1 =	vadd.f32 v2, v1  }
0x240: {  	v2 =	vld [tilespmem:s21+$0x12000]  }
0x241: {  	v1 =	vadd.f32 v3, v1  }
0x242: {  	v3 =	vld [tilespmem:s21+$0x12080]  }
0x243: {  	v1 =	vadd.f32 v4, v1  }
0x244: {  	v4 =	vld [tilespmem:s21+$0x12100]  }
0x245: {  	v1 =	vadd.f32 v2, v1  }
0x246: {  	v2 =	vld [tilespmem:s21+$0x12180]  }
0x247: {  	v1 =	vadd.f32 v3, v1  }
0x248: {  	v3 =	vld [tilespmem:s21+$0x12200]  }
0x249: {  	v1 =	vadd.f32 v4, v1  }
0x24a: {  	v4 =	vld [tilespmem:s21+$0x12280]  }
0x24b: {  	v1 =	vadd.f32 v2, v1  }
0x24c: {  	v2 =	vld [tilespmem:s21+$0x12300]  }
0x24d: {  	v1 =	vadd.f32 v3, v1  }
0x24e: {  	v3 =	vld [tilespmem:s21+$0x12380]  }
0x24f: {  	v1 =	vadd.f32 v4, v1  }
0x250: {  	v4 =	vld [tilespmem:s21+$0x14000]  }
0x251: {  	v1 =	vadd.f32 v2, v1  }
0x252: {  	v2 =	vld [tilespmem:s21+$0x14080]  }
0x253: {  	v1 =	vadd.f32 v3, v1  }
0x254: {  	v3 =	vld [tilespmem:s21+$0x14100]  }
0x255: {  	v1 =	vadd.f32 v4, v1  }
0x256: {  	v4 =	vld [tilespmem:s21+$0x14180]  }
0x257: {  	v1 =	vadd.f32 v2, v1  }
0x258: {  	v2 =	vld [tilespmem:s21+$0x14200]  }
0x259: {  	v1 =	vadd.f32 v3, v1  }
0x25a: {  	v3 =	vld [tilespmem:s21+$0x14280]  }
0x25b: {  	v1 =	vadd.f32 v4, v1  }
0x25c: {  	v4 =	vld [tilespmem:s21+$0x14300]  }
0x25d: {  	v1 =	vadd.f32 v2, v1  }
0x25e: {  	v2 =	vld [tilespmem:s21+$0x14380]  }
0x25f: {  	v1 =	vadd.f32 v3, v1  }
0x260: {  	v3 =	vld [tilespmem:s21+$0x16000]  }
0x261: {  	v1 =	vadd.f32 v4, v1  }
0x262: {  	v4 =	vld [tilespmem:s21+$0x16080]  }
0x263: {  	v1 =	vadd.f32 v2, v1  }
0x264: {  	v2 =	vld [tilespmem:s21+$0x16100]  }
0x265: {  	v1 =	vadd.f32 v3, v1  }
0x266: {  	v3 =	vld [tilespmem:s21+$0x16180]  }
0x267: {  	v1 =	vadd.f32 v4, v1  }
0x268: {  	v4 =	vld [tilespmem:s21+$0x16200]  }
0x269: {  	v1 =	vadd.f32 v2, v1  }
0x26a: {  	v2 =	vld [tilespmem:s21+$0x16280]  }
0x26b: {  	v1 =	vadd.f32 v3, v1  }
0x26c: {  	v3 =	vld [tilespmem:s21+$0x16300]  }
0x26d: {  	v1 =	vadd.f32 v4, v1  }
0x26e: {  	v4 =	vld [tilespmem:s21+$0x16380]  }
0x26f: {  	v1 =	vadd.f32 v2, v1  }
0x270: {  	v2 =	vld [tilespmem:s21+$0x18000]  }
0x271: {  	v1 =	vadd.f32 v3, v1  }
0x272: {  	v3 =	vld [tilespmem:s21+$0x18080]  }
0x273: {  	v1 =	vadd.f32 v4, v1  }
0x274: {  	v4 =	vld [tilespmem:s21+$0x18100]  }
0x275: {  	v1 =	vadd.f32 v2, v1  }
0x276: {  	v2 =	vld [tilespmem:s21+$0x18180]  }
0x277: {  	v1 =	vadd.f32 v3, v1  }
0x278: {  	v3 =	vld [tilespmem:s21+$0x18200]  }
0x279: {  	v1 =	vadd.f32 v4, v1  }
0x27a: {  	v4 =	vld [tilespmem:s21+$0x18280]  }
0x27b: {  	v1 =	vadd.f32 v2, v1  }
0x27c: {  	v2 =	vld [tilespmem:s21+$0x18300]  }
0x27d: {  	v1 =	vadd.f32 v3, v1  }
0x27e: {  	v3 =	vld [tilespmem:s21+$0x18380]  }
0x27f: {  	v1 =	vadd.f32 v4, v1  }
0x280: {  	v4 =	vld [tilespmem:s21+$0x1A000]  }
0x281: {  	v1 =	vadd.f32 v2, v1  }
0x282: {  	v2 =	vld [tilespmem:s21+$0x1A080]  }
0x283: {  	v1 =	vadd.f32 v3, v1  }
0x284: {  	v3 =	vld [tilespmem:s21+$0x1A100]  }
0x285: {  	v1 =	vadd.f32 v4, v1  }
0x286: {  	v4 =	vld [tilespmem:s21+$0x1A180]  }
0x287: {  	v1 =	vadd.f32 v2, v1  }
0x288: {  	v2 =	vld [tilespmem:s21+$0x1A200]  }
0x289: {  	v1 =	vadd.f32 v3, v1  }
0x28a: {  	v3 =	vld [tilespmem:s21+$0x1A280]  }
0x28b: {  	v1 =	vadd.f32 v4, v1  }
0x28c: {  	v4 =	vld [tilespmem:s21+$0x1A300]  }
0x28d: {  	v1 =	vadd.f32 v2, v1  }
0x28e: {  	v2 =	vld [tilespmem:s21+$0x1A380]  }
0x28f: {  	v1 =	vadd.f32 v3, v1;
	_ =	sdelay $0x1  }
.Ltmp3:
0x290: {  	v1 =	vadd.f32 v4, v1;
	(pc) =	sbr.rel @p1 .LBB2_5-.Ltmp3, $4  }
0x291: {  	_ = 	snop  }
0x292: {  	s22 =	sadd.s32 $0x80, s22;
	v1 =	vadd.f32 v2, v1  }
0x293: {  	s20 =	sadd.s32 $0x10, s20;
	s24 =	sand.u32 $0x1C00, s22;
	s21 =	sand.u32 $0x70, s23  }
0x294: {  	s23 =	sadd.s32 $0x10, s23;
	s21 =	sor.u32 s21, s24;
	[tilespmem:s20+$0x0] =	vst.add.f32.msk $0xffff, v1  }
0x295: {  	v1 =	vld [tilespmem:s21+$0xE080]  }
0x296: {  	v2 =	vld [tilespmem:s21+$0xE000];
	_ =	sdelay $0x1  }
0x297: {  	v3 =	vld [tilespmem:s21+$0xE100];
	_ =	sdelay $0x1  }
0x298: {  	v4 =	vld [tilespmem:s21+$0xE180]  }
0x299: {  	v1 =	vadd.f32 v1, v2  }
0x29a: {  	v2 =	vld [tilespmem:s21+$0xE200]  }
0x29b: {  	v1 =	vadd.f32 v3, v1  }
0x29c: {  	v3 =	vld [tilespmem:s21+$0xE280]  }
0x29d: {  	v1 =	vadd.f32 v4, v1  }
0x29e: {  	v47 =	vld [tilespmem:s21+$0xE300]  }
0x29f: {  	v1 =	vadd.f32 v2, v1  }
0x2a0: {  	v2 =	vld [tilespmem:s21+$0xE380]  }
0x2a1: {  	v1 =	vadd.f32 v3, v1  }
0x2a2: {  	v3 =	vld [tilespmem:s21+$0x10000]  }
0x2a3: {  	v1 =	vadd.f32 v47, v1  }
0x2a4: {  	v48 =	vld [tilespmem:s21+$0x10080]  }
0x2a5: {  	v1 =	vadd.f32 v2, v1  }
0x2a6: {  	v2 =	vld [tilespmem:s21+$0x10100]  }
0x2a7: {  	v1 =	vadd.f32 v3, v1  }
0x2a8: {  	v3 =	vld [tilespmem:s21+$0x10180]  }
0x2a9: {  	v1 =	vadd.f32 v48, v1  }
0x2aa: {  	v49 =	vld [tilespmem:s21+$0x10200]  }
0x2ab: {  	v1 =	vadd.f32 v2, v1  }
0x2ac: {  	v2 =	vld [tilespmem:s21+$0x10280]  }
0x2ad: {  	v1 =	vadd.f32 v3, v1  }
0x2ae: {  	v3 =	vld [tilespmem:s21+$0x10300]  }
0x2af: {  	v1 =	vadd.f32 v49, v1  }
0x2b0: {  	v50 =	vld [tilespmem:s21+$0x10380]  }
0x2b1: {  	v1 =	vadd.f32 v2, v1  }
0x2b2: {  	v2 =	vld [tilespmem:s21+$0x12000]  }
0x2b3: {  	v1 =	vadd.f32 v3, v1  }
0x2b4: {  	v3 =	vld [tilespmem:s21+$0x12080]  }
0x2b5: {  	v1 =	vadd.f32 v50, v1  }
0x2b6: {  	v51 =	vld [tilespmem:s21+$0x12100]  }
0x2b7: {  	v1 =	vadd.f32 v2, v1  }
0x2b8: {  	v2 =	vld [tilespmem:s21+$0x12180]  }
0x2b9: {  	v1 =	vadd.f32 v3, v1  }
0x2ba: {  	v3 =	vld [tilespmem:s21+$0x12200]  }
0x2bb: {  	v1 =	vadd.f32 v51, v1  }
0x2bc: {  	v52 =	vld [tilespmem:s21+$0x12280]  }
0x2bd: {  	v1 =	vadd.f32 v2, v1  }
0x2be: {  	v2 =	vld [tilespmem:s21+$0x12300]  }
0x2bf: {  	v1 =	vadd.f32 v3, v1  }
0x2c0: {  	v3 =	vld [tilespmem:s21+$0x12380]  }
0x2c1: {  	v1 =	vadd.f32 v52, v1  }
0x2c2: {  	v53 =	vld [tilespmem:s21+$0x14000]  }
0x2c3: {  	v1 =	vadd.f32 v2, v1  }
0x2c4: {  	v2 =	vld [tilespmem:s21+$0x14080]  }
0x2c5: {  	v1 =	vadd.f32 v3, v1  }
0x2c6: {  	v3 =	vld [tilespmem:s21+$0x14100]  }
0x2c7: {  	v1 =	vadd.f32 v53, v1  }
0x2c8: {  	v54 =	vld [tilespmem:s21+$0x14180]  }
0x2c9: {  	v1 =	vadd.f32 v2, v1  }
0x2ca: {  	v2 =	vld [tilespmem:s21+$0x14200]  }
0x2cb: {  	v1 =	vadd.f32 v3, v1  }
0x2cc: {  	v3 =	vld [tilespmem:s21+$0x14280]  }
0x2cd: {  	v1 =	vadd.f32 v54, v1  }
0x2ce: {  	v55 =	vld [tilespmem:s21+$0x14300]  }
0x2cf: {  	v1 =	vadd.f32 v2, v1  }
0x2d0: {  	v2 =	vld [tilespmem:s21+$0x14380]  }
0x2d1: {  	v1 =	vadd.f32 v3, v1  }
0x2d2: {  	v3 =	vld [tilespmem:s21+$0x16000]  }
0x2d3: {  	v1 =	vadd.f32 v55, v1  }
0x2d4: {  	v56 =	vld [tilespmem:s21+$0x16080]  }
0x2d5: {  	v1 =	vadd.f32 v2, v1  }
0x2d6: {  	v2 =	vld [tilespmem:s21+$0x16100]  }
0x2d7: {  	v1 =	vadd.f32 v3, v1  }
0x2d8: {  	v3 =	vld [tilespmem:s21+$0x16180]  }
0x2d9: {  	v1 =	vadd.f32 v56, v1  }
0x2da: {  	v57 =	vld [tilespmem:s21+$0x16200]  }
0x2db: {  	v1 =	vadd.f32 v2, v1  }
0x2dc: {  	v2 =	vld [tilespmem:s21+$0x16280]  }
0x2dd: {  	v1 =	vadd.f32 v3, v1  }
0x2de: {  	v3 =	vld [tilespmem:s21+$0x16300]  }
0x2df: {  	v1 =	vadd.f32 v57, v1  }
0x2e0: {  	v58 =	vld [tilespmem:s21+$0x16380]  }
0x2e1: {  	v1 =	vadd.f32 v2, v1  }
0x2e2: {  	v2 =	vld [tilespmem:s21+$0x18000]  }
0x2e3: {  	v1 =	vadd.f32 v3, v1  }
0x2e4: {  	v3 =	vld [tilespmem:s21+$0x18080]  }
0x2e5: {  	v1 =	vadd.f32 v58, v1  }
0x2e6: {  	v59 =	vld [tilespmem:s21+$0x18100]  }
0x2e7: {  	v1 =	vadd.f32 v2, v1  }
0x2e8: {  	v2 =	vld [tilespmem:s21+$0x18180]  }
0x2e9: {  	v1 =	vadd.f32 v3, v1  }
0x2ea: {  	v3 =	vld [tilespmem:s21+$0x18200]  }
0x2eb: {  	v1 =	vadd.f32 v59, v1  }
0x2ec: {  	v60 =	vld [tilespmem:s21+$0x18280]  }
0x2ed: {  	v1 =	vadd.f32 v2, v1  }
0x2ee: {  	v2 =	vld [tilespmem:s21+$0x18300]  }
0x2ef: {  	v1 =	vadd.f32 v3, v1  }
0x2f0: {  	v3 =	vld [tilespmem:s21+$0x18380]  }
0x2f1: {  	v1 =	vadd.f32 v60, v1  }
0x2f2: {  	v61 =	vld [tilespmem:s21+$0x1A000]  }
0x2f3: {  	v1 =	vadd.f32 v2, v1  }
0x2f4: {  	v2 =	vld [tilespmem:s21+$0x1A080]  }
0x2f5: {  	v1 =	vadd.f32 v3, v1  }
0x2f6: {  	v3 =	vld [tilespmem:s21+$0x1A100]  }
0x2f7: {  	v1 =	vadd.f32 v61, v1  }
0x2f8: {  	v62 =	vld [tilespmem:s21+$0x1A180]  }
0x2f9: {  	v1 =	vadd.f32 v2, v1  }
0x2fa: {  	v2 =	vld [tilespmem:s21+$0x1A200]  }
0x2fb: {  	v1 =	vadd.f32 v3, v1  }
0x2fc: {  	v3 =	vld [tilespmem:s21+$0x1A280]  }
0x2fd: {  	v1 =	vadd.f32 v62, v1  }
0x2fe: {  	v63 =	vld [tilespmem:s21+$0x1A300]  }
0x2ff: {  	v1 =	vadd.f32 v2, v1  }
0x300: {  	v2 =	vld [tilespmem:s21+$0x1A380]  }
0x301: {  	s31 =	sand.u32 $0x1, s18;
	v1 =	vadd.f32 v3, v1  }
0x302: {  	p1 =	seq.s32 s31, $0x0  }
.Ltmp4:
0x303: {  	v1 =	vadd.f32 v63, v1;
	(pc) =	sbr.rel @p1 .LBB2_8-.Ltmp4, $4  }
0x304: {  	_ = 	snop  }
0x305: {  	v1 =	vadd.f32 v2, v1  }
0x306: {  	s20 =	sadd.s32 $0x10, s20  }
0x307: {  	[tilespmem:s20+$0x0] =	vst.add.f32.msk $0xffff, v1  }
0x308: {  	s20 =	sshll.u32 s18, $0xB  }
0x309: {  	s20 =	sand.u32 $0x3000, s20  }
0x30a: {  	s20 =	sor.u32 s20, s7  }
0x30b: {  	s20 =	sadd.s32 s20, s8  }
0x30c: {  	[hbm4b:s20+s13] =	stream.strided.scatter [tilespmem:s15], [sflag:$0x3], $0x400, s14, s13, $0x38;
	[tilespmem:$0x1C400] =	vst v63  }
0x30d: {  	_ =	swait.ge [sflag:s16], $0x400  }
0x30e: {  	[sflag:s16] =	ssyncset.done $0x0  }
0x30f: {  	[sflag:s16] =	ssyncadd.s32 $0xFFFFFC00  }
0x310: {  	[tilespmem:$0x1C000] =	vst v0  }
0x311: {  	[tilespmem:$0x1C010] =	vst v0  }
0x312: {  	[tilespmem:$0x1C020] =	vst v0  }
0x313: {  	[tilespmem:$0x1C030] =	vst v0  }
0x314: {  	[tilespmem:$0x1C040] =	vst v0  }
0x315: {  	[tilespmem:$0x1C050] =	vst v0  }
0x316: {  	[tilespmem:$0x1C060] =	vst v0  }
0x317: {  	[tilespmem:$0x1C070] =	vst v0  }
0x318: {  	[tilespmem:$0x1C080] =	vst v0  }
0x319: {  	[tilespmem:$0x1C090] =	vst v0  }
0x31a: {  	[tilespmem:$0x1C0A0] =	vst v0  }
0x31b: {  	[tilespmem:$0x1C0B0] =	vst v0  }
0x31c: {  	[tilespmem:$0x1C0C0] =	vst v0  }
0x31d: {  	[tilespmem:$0x1C0D0] =	vst v0  }
0x31e: {  	[tilespmem:$0x1C0E0] =	vst v0  }
0x31f: {  	[tilespmem:$0x1C0F0] =	vst v0  }
0x320: {  	[tilespmem:$0x1C100] =	vst v0  }
0x321: {  	[tilespmem:$0x1C110] =	vst v0  }
0x322: {  	[tilespmem:$0x1C120] =	vst v0  }
0x323: {  	[tilespmem:$0x1C130] =	vst v0  }
0x324: {  	[tilespmem:$0x1C140] =	vst v0  }
0x325: {  	[tilespmem:$0x1C150] =	vst v0  }
0x326: {  	[tilespmem:$0x1C160] =	vst v0  }
0x327: {  	[tilespmem:$0x1C170] =	vst v0  }
0x328: {  	[tilespmem:$0x1C180] =	vst v0  }
0x329: {  	[tilespmem:$0x1C190] =	vst v0  }
0x32a: {  	[tilespmem:$0x1C1A0] =	vst v0  }
0x32b: {  	[tilespmem:$0x1C1B0] =	vst v0  }
0x32c: {  	[tilespmem:$0x1C1C0] =	vst v0  }
0x32d: {  	[tilespmem:$0x1C1D0] =	vst v0  }
0x32e: {  	[tilespmem:$0x1C1E0] =	vst v0  }
0x32f: {  	[tilespmem:$0x1C1F0] =	vst v0  }
0x330: {  	[tilespmem:$0x1C200] =	vst v0  }
0x331: {  	[tilespmem:$0x1C210] =	vst v0  }
0x332: {  	[tilespmem:$0x1C220] =	vst v0  }
0x333: {  	[tilespmem:$0x1C230] =	vst v0  }
0x334: {  	[tilespmem:$0x1C240] =	vst v0  }
0x335: {  	[tilespmem:$0x1C250] =	vst v0  }
0x336: {  	[tilespmem:$0x1C260] =	vst v0  }
0x337: {  	[tilespmem:$0x1C270] =	vst v0  }
0x338: {  	[tilespmem:$0x1C280] =	vst v0  }
0x339: {  	[tilespmem:$0x1C290] =	vst v0  }
0x33a: {  	[tilespmem:$0x1C2A0] =	vst v0  }
0x33b: {  	[tilespmem:$0x1C2B0] =	vst v0  }
0x33c: {  	[tilespmem:$0x1C2C0] =	vst v0  }
0x33d: {  	[tilespmem:$0x1C2D0] =	vst v0  }
0x33e: {  	[tilespmem:$0x1C2E0] =	vst v0  }
0x33f: {  	[tilespmem:$0x1C2F0] =	vst v0  }
0x340: {  	[tilespmem:$0x1C300] =	vst v0  }
0x341: {  	[tilespmem:$0x1C310] =	vst v0  }
0x342: {  	[tilespmem:$0x1C320] =	vst v0  }
0x343: {  	[tilespmem:$0x1C330] =	vst v0  }
0x344: {  	[tilespmem:$0x1C340] =	vst v0  }
0x345: {  	[tilespmem:$0x1C350] =	vst v0  }
0x346: {  	[tilespmem:$0x1C360] =	vst v0  }
0x347: {  	[tilespmem:$0x1C370] =	vst v0  }
0x348: {  	[tilespmem:$0x1C380] =	vst v0  }
0x349: {  	[tilespmem:$0x1C390] =	vst v0  }
0x34a: {  	[tilespmem:$0x1C3A0] =	vst v0  }
0x34b: {  	[tilespmem:$0x1C3B0] =	vst v0  }
0x34c: {  	[tilespmem:$0x1C3C0] =	vst v0  }
0x34d: {  	[tilespmem:$0x1C3D0] =	vst v0  }
0x34e: {  	[tilespmem:$0x1C3E0] =	vst v0  }
0x34f: {  	[tilespmem:$0x1C3F0] =	vst v0  }
.LBB2_8:
.Ltmp5:
0x350: {  	(pc) =	sbr.rel @p0 .LBB2_10-.Ltmp5, $1  }
0x351: {  	_ =	sdelay $0x3  }
0x352: {  	s19 =	sadd.s32 $0x3, s19  }
0x353: {  	s20 =	sshrl.u32 s19, $0x2  }
0x354: {  	s19 =	sand.u32 $0x3, s19;
	s20 =	smul.u32 $0x3100000, s20  }
0x355: {  	s19 =	smul.u32 $0xE000, s19  }
.Ltmp6:
0x356: {  	s20 =	sadd.s32 s4, s20;
	(pc) =	sbr.rel .LBB2_2-.Ltmp6, $4  }
0x357: {  	s19 =	sadd.s32 s19, s20  }
0x358: {  	s19 =	sshrl.u32 s19, $0x3  }
0x359: {  	s18 =	sadd.s32 $0x1, s18;
	s19 =	sadd.s32 s2, s19  }
0x35a: {  	[tilespmem:s10], [sflag:$0x2] =	stream.linear.gather [hbm4b:s19+s3], $0xE000, $0x38;
	[tilespmem:$0x1C400] =	vst v63  }
.LBB2_11:
0x35b: {  	_ =	sfence.sel $0x180000  }
0x35c: {  	[bflag:$0x0] =	sbarrier.arrive $0xFFFF  }
0x35d: {  	p0 =	sne.s32 s0, $0x0;
	_ =	strace $0x90000047  }
0x35e: {  	s0 =	sadd.s32 @!p0 $0x100000, s1;
	[bflag:$0x2] =	sbarrier.arrive $0xFFFF  }
0x35f: {  	[sflag:s0] =	ssyncadd.tile.s32 @!p0 $0x1;
	_ =	shalt  }
.Lfunc_end2:
_tile_overlayer_lowered:
.L_overlay_start_2:
0x360: {  	(tag) =	ssettag $0x2  }
0x361: {  	s0 =	rddreg [dreg:$0x0];
	s2 =	stileid.u32  }
0x362: {  	s1 =	rddreg [dreg:$0x1];
	p0 =	sne.s32 s2, $0x0  }
0x363: {  	s3 =	rddreg [dreg:$0x2];
	[bflag:$0x3] =	sbarrier.arrive $0xFFFF;
	s2 =	simm.s32 @!p0 $0x1C03  }
0x364: {  	[timem:s3], [sflag:s2] =	dma.local @!p0 [hbm:s0], s1  }
0x365: {  	s0 =	simm.s32 @!p0 $0x3  }
0x366: {  	_ =	swait.ge @!p0 [sflag:s0], s1  }
0x367: {  	s1 =	ssub.s32 @!p0 $0x0, s1;
	[sflag:s0] =	ssyncset.done @!p0 $0x0  }
0x368: {  	[sflag:s0] =	ssyncadd.s32 @!p0 s1  }
0x369: {  	[bflag:$0x3] =	sbarrier.arrive $0xFFFF  }
0x36a: {  	_ =	shalt  }

</sc_bundles>
